<compile_context>
chip_gen: v7x
topology: tpu7x:2x2x1
jax: 0.10.2.dev20260603
libtpu: 0.0.44.dev20260713+nightly
codegen_flags: <defaults>
</compile_context>

<pallas_src>
import functools

import jax
import jax.numpy as jnp
from jax import lax
from jax.experimental import pallas as pl
from jax.experimental.pallas import tpu as pltpu
from jax.experimental.pallas import tpu_sc as plsc

N = 50000
N1 = 16000
N2 = 4096
E1 = 400000
E2 = 102400
D = 128
DH = D // 2

NC = 2
NS = 16
NW = NC * NS

LANES = 16
CHUNK = 128

E1_PAD = 401408
T0 = E1_PAD // NS
K0 = T0 // CHUNK
ACC0 = 16128
SENT0 = N1

T1 = E2 // NW
K1 = T1 // CHUNK
ACC1 = 4096

_MESH = plsc.VectorSubcoreMesh(
    core_axis_name="c", subcore_axis_name="s", num_cores=NC, num_subcores=NS)

_Z16 = functools.partial(jnp.zeros, (LANES,), jnp.float32)
_O16 = functools.partial(jnp.ones, (LANES,), jnp.float32)


def _fill_zero_rows(ref, n_rows, n_cols):
    z = _Z16()
    def body(i, carry):
        for j in range(n_cols // LANES):
            ref[i, pl.ds(j * LANES, LANES)] = z
        return carry
    lax.fori_loop(0, n_rows, body, 0)


def _fill_vec(ref, n, val16):
    def body(i, carry):
        ref[pl.ds(i * LANES, LANES)] = val16
        return carry
    lax.fori_loop(0, n // LANES, body, 0)


def _zero_shared_rows(zsrc, acc_sh, base_row, slice_rows):
    r0 = 0
    while r0 < slice_rows:
        nrows = min(CHUNK, slice_rows - r0)
        pltpu.sync_copy(zsrc.at[pl.ds(0, nrows)],
                        acc_sh.at[pl.ds(base_row + r0, nrows)])
        r0 += nrows


def _copy_out_rows(acc_sh, out_ref, base_row, out_row, slice_rows):
    r0 = 0
    while r0 < slice_rows:
        nrows = min(CHUNK, slice_rows - r0)
        pltpu.sync_copy(acc_sh.at[pl.ds(base_row + r0, nrows)],
                        out_ref.at[pl.ds(out_row + r0, nrows)])
        r0 += nrows



KH0 = K0 // 2


@functools.partial(
    pl.kernel,
    out_type=(
        jax.ShapeDtypeStruct((NC * ACC0, DH), jnp.float32),
        jax.ShapeDtypeStruct((1, ACC0), jnp.float32),
    ),
    mesh=_MESH,
    compiler_params=pltpu.CompilerParams(use_tc_tiling_on_sc=False),
    scratch_types=[
        pltpu.VMEM((KH0, CHUNK), jnp.int32),
        pltpu.VMEM((KH0, CHUNK), jnp.int32),
        pltpu.VMEM((CHUNK, DH), jnp.float32),
        pltpu.VMEM((CHUNK, DH), jnp.float32),
        pltpu.VMEM((CHUNK,), jnp.float32),
        pltpu.VMEM((ACC0 // NS,), jnp.float32),
        pltpu.VMEM_SHARED((ACC0, DH), jnp.float32),
        pltpu.VMEM_SHARED((ACC0,), jnp.float32),
        pltpu.SemaphoreType.DMA,
        pltpu.SemaphoreType.DMA,
    ],
    name="sc_sage_agg0",
)
def _sc_agg0(x2_hbm, src_hbm, dst_hbm, out_sum, out_cnt,
             gidx_v, dst_v, rba, rbb, ones_v, zcnt_v, acc_sh, cnt_sh,
             sema, semb):
    c = lax.axis_index("c")
    s = lax.axis_index("s")

    _fill_zero_rows(rba, CHUNK, DH)
    _fill_vec(ones_v, CHUNK, _O16())
    _fill_vec(zcnt_v, ACC0 // NS, _Z16())

    slice_rows = ACC0 // NS
    base_row = s * slice_rows
    _zero_shared_rows(rba, acc_sh, base_row, slice_rows)
    pltpu.sync_copy(zcnt_v, cnt_sh.at[pl.ds(s * slice_rows, slice_rows)])

    plsc.subcore_barrier()

    two16 = jnp.full((LANES,), 2, jnp.int32)

    def scatter(kk, rb):
        pltpu.sync_copy(rb, acc_sh.at[dst_v.at[kk]], add=True)

        @pl.when(c == 0)
        def _():
            pltpu.sync_copy(ones_v, cnt_sh.at[dst_v.at[kk]], add=True)

    for half in range(2):
        pltpu.sync_copy(src_hbm.at[s, half], gidx_v)
        pltpu.sync_copy(dst_hbm.at[s, half], dst_v)

        def xform(r, carry):
            for j in range(CHUNK // LANES):
                sl = pl.ds(j * LANES, LANES)
                gidx_v[r, sl] = gidx_v[r, sl] * two16 + c
            return carry
        lax.fori_loop(0, KH0, xform, 0)

        pltpu.async_copy(x2_hbm.at[gidx_v.at[0]], rba, sema)

        def pair(i, carry):
            a = 2 * i
            pltpu.async_copy(x2_hbm.at[gidx_v.at[a + 1]], rbb, semb)
            pltpu.make_async_copy(x2_hbm.at[gidx_v.at[a]], rba, sema).wait()
            scatter(a, rba)
            pltpu.async_copy(x2_hbm.at[gidx_v.at[a + 2]], rba, sema)
            pltpu.make_async_copy(x2_hbm.at[gidx_v.at[a + 1]], rbb, semb).wait()
            scatter(a + 1, rbb)
            return carry
        lax.fori_loop(0, KH0 // 2 - 1, pair, 0)

        last = KH0 - 2
        pltpu.async_copy(x2_hbm.at[gidx_v.at[last + 1]], rbb, semb)
        pltpu.make_async_copy(x2_hbm.at[gidx_v.at[last]], rba, sema).wait()
        scatter(last, rba)
        pltpu.make_async_copy(x2_hbm.at[gidx_v.at[last + 1]], rbb, semb).wait()
        scatter(last + 1, rbb)

    plsc.subcore_barrier()

    _copy_out_rows(acc_sh, out_sum, base_row, c * ACC0 + base_row, slice_rows)

    @pl.when(jnp.logical_and(c == 0, s == 0))
    def _():
        pltpu.sync_copy(cnt_sh, out_cnt.at[0])



@functools.partial(
    pl.kernel,
    out_type=(
        jax.ShapeDtypeStruct((NC * ACC1, D), jnp.float32),
        jax.ShapeDtypeStruct((NC, ACC1), jnp.float32),
    ),
    mesh=_MESH,
    scratch_types=[
        pltpu.VMEM((K1, CHUNK), jnp.int32),
        pltpu.VMEM((K1, CHUNK), jnp.int32),
        pltpu.VMEM((CHUNK, D), jnp.float32),
        pltpu.VMEM((CHUNK, D), jnp.float32),
        pltpu.VMEM((CHUNK,), jnp.float32),
        pltpu.VMEM((ACC1 // NS,), jnp.float32),
        pltpu.VMEM_SHARED((ACC1, D), jnp.float32),
        pltpu.VMEM_SHARED((ACC1,), jnp.float32),
        pltpu.SemaphoreType.DMA,
        pltpu.SemaphoreType.DMA,
    ],
    name="sc_sage_agg1",
)
def _sc_agg1(h_hbm, src_hbm, dst_hbm, out_sum, out_cnt,
             src_v, dst_v, rba, rbb, ones_v, zcnt_v, acc_sh, cnt_sh,
             sema, semb):
    c = lax.axis_index("c")
    s = lax.axis_index("s")
    wid = s * NC + c

    _fill_zero_rows(rba, CHUNK, D)
    _fill_vec(ones_v, CHUNK, _O16())
    _fill_vec(zcnt_v, ACC1 // NS, _Z16())

    slice_rows = ACC1 // NS
    base_row = s * slice_rows
    _zero_shared_rows(rba, acc_sh, base_row, slice_rows)
    pltpu.sync_copy(zcnt_v, cnt_sh.at[pl.ds(s * slice_rows, slice_rows)])

    plsc.subcore_barrier()

    pltpu.sync_copy(src_hbm.at[wid], src_v)
    pltpu.sync_copy(dst_hbm.at[wid], dst_v)

    def scatter(kk, rb):
        pltpu.sync_copy(rb, acc_sh.at[dst_v.at[kk]], add=True)
        pltpu.sync_copy(ones_v, cnt_sh.at[dst_v.at[kk]], add=True)

    pltpu.async_copy(h_hbm.at[src_v.at[0]], rba, sema)

    def pair(i, carry):
        a = 2 * i
        pltpu.async_copy(h_hbm.at[src_v.at[a + 1]], rbb, semb)
        pltpu.make_async_copy(h_hbm.at[src_v.at[a]], rba, sema).wait()
        scatter(a, rba)
        pltpu.async_copy(h_hbm.at[src_v.at[a + 2]], rba, sema)
        pltpu.make_async_copy(h_hbm.at[src_v.at[a + 1]], rbb, semb).wait()
        scatter(a + 1, rbb)
        return carry
    lax.fori_loop(0, (K1 - 1) // 2, pair, 0)

    pltpu.make_async_copy(h_hbm.at[src_v.at[K1 - 1]], rba, sema).wait()
    scatter(K1 - 1, rba)

    plsc.subcore_barrier()

    _copy_out_rows(acc_sh, out_sum, base_row, c * ACC1 + base_row, slice_rows)

    @pl.when(s == 0)
    def _():
        pltpu.sync_copy(cnt_sh, out_cnt.at[c])



def _tc_layer0_body(sum_ref, cnt_ref, x_ref, wl_ref, bl_ref, wr_ref, out_ref):
    recip = 1.0 / jnp.maximum(cnt_ref[...], 1.0)
    mlo = sum_ref[0] * recip
    mhi = sum_ref[1] * recip
    wl = wl_ref[...]
    h = lax.dot_general(mlo, wl[:, :DH], (((1,), (1,)), ((), ())),
                        preferred_element_type=jnp.float32)
    h = h + lax.dot_general(mhi, wl[:, DH:], (((1,), (1,)), ((), ())),
                            preferred_element_type=jnp.float32)
    h = h + bl_ref[...]
    h = h + lax.dot_general(x_ref[...], wr_ref[...], (((1,), (1,)), ((), ())),
                            preferred_element_type=jnp.float32)
    out_ref[...] = jnp.maximum(h, 0.0)


def _tc_layer0(sums2, cnt_col, x, W_l0, b_l0, W_r0):
    BN = 2000
    return pl.pallas_call(
        _tc_layer0_body,
        grid=(N1 // BN,),
        in_specs=[
            pl.BlockSpec((NC, BN, DH), lambda i: (0, i, 0)),
            pl.BlockSpec((BN, 1), lambda i: (i, 0)),
            pl.BlockSpec((BN, D), lambda i: (i, 0)),
            pl.BlockSpec((D, D), lambda i: (0, 0)),
            pl.BlockSpec((1, D), lambda i: (0, 0)),
            pl.BlockSpec((D, D), lambda i: (0, 0)),
        ],
        out_specs=pl.BlockSpec((BN, D), lambda i: (i, 0)),
        out_shape=jax.ShapeDtypeStruct((N1, D), jnp.float32),
        name="tc_sage_layer0",
    )(sums2, cnt_col, x, W_l0, b_l0, W_r0)


def _tc_layer1_body(sum_ref, cntc_ref, h_ref, wl_ref, bl_ref, wr_ref,
                    wp_ref, bp_ref, out_ref):
    ssum = sum_ref[0] + sum_ref[1]
    cnt = cntc_ref[:, 0:1] + cntc_ref[:, 1:2]
    mean = ssum / jnp.maximum(cnt, 1.0)
    h1 = lax.dot_general(mean, wl_ref[...], (((1,), (1,)), ((), ())),
                         preferred_element_type=jnp.float32)
    h1 = h1 + bl_ref[...]
    h1 = h1 + lax.dot_general(h_ref[...], wr_ref[...], (((1,), (1,)), ((), ())),
                              preferred_element_type=jnp.float32)
    o = lax.dot_general(h1, wp_ref[...], (((1,), (1,)), ((), ())),
                        preferred_element_type=jnp.float32)
    o = o + bp_ref[...]
    m = jnp.max(o, axis=1, keepdims=True)
    lse = jnp.log(jnp.sum(jnp.exp(o - m), axis=1, keepdims=True)) + m
    out_ref[...] = o - lse


def _tc_layer1(sums, cnts_col, h, W_l1, b_l1, W_r1, W_post, b_post):
    return pl.pallas_call(
        _tc_layer1_body,
        grid=(1,),
        in_specs=[
            pl.BlockSpec((NC, N2, D), lambda i: (0, 0, 0)),
            pl.BlockSpec((N2, NC), lambda i: (0, 0)),
            pl.BlockSpec((N2, D), lambda i: (0, 0)),
            pl.BlockSpec((D, D), lambda i: (0, 0)),
            pl.BlockSpec((1, D), lambda i: (0, 0)),
            pl.BlockSpec((D, D), lambda i: (0, 0)),
            pl.BlockSpec((D, D), lambda i: (0, 0)),
            pl.BlockSpec((1, D), lambda i: (0, 0)),
        ],
        out_specs=pl.BlockSpec((N2, D), lambda i: (0, 0)),
        out_shape=jax.ShapeDtypeStruct((N2, D), jnp.float32),
        name="tc_sage_layer1",
    )(sums, cnts_col, h, W_l1, b_l1, W_r1, W_post, b_post)


def kernel(x, edge_index_l0, edge_index_l1, W_l0, b_l0, W_r0,
           W_l1, b_l1, W_r1, W_post, b_post):
    src0 = edge_index_l0[0].astype(jnp.int32)
    dst0 = edge_index_l0[1].astype(jnp.int32)
    src1 = edge_index_l1[0].astype(jnp.int32)
    dst1 = edge_index_l1[1].astype(jnp.int32)

    npad = E1_PAD - E1
    src0 = jnp.concatenate([src0, jnp.zeros((npad,), jnp.int32)])
    dst0 = jnp.concatenate([dst0, jnp.full((npad,), SENT0, jnp.int32)])
    src0 = src0.reshape(NS, 2, KH0, CHUNK)
    dst0 = dst0.reshape(NS, 2, KH0, CHUNK)
    src1 = src1.reshape(NW, K1, CHUNK)
    dst1 = dst1.reshape(NW, K1, CHUNK)

    x2 = x.reshape(2 * N, DH)
    sums0, cnt0 = _sc_agg0(x2, src0, dst0)
    sums0 = sums0.reshape(NC, ACC0, DH)
    cnt0_col = cnt0.reshape(ACC0, 1)
    h = _tc_layer0(sums0, cnt0_col, x, W_l0, b_l0.reshape(1, D), W_r0)

    sums1, cnts1 = _sc_agg1(h, src1, dst1)
    sums1 = sums1.reshape(NC, ACC1, D)
    cnts1_col = cnts1.T
    return _tc_layer1(sums1, cnts1_col, h, W_l1, b_l1.reshape(1, D), W_r1,
                      W_post, b_post.reshape(1, D))

# --- scband reference (transcript-rebuilt; emitter-appended) ---
"""Pipeline reference for scband-graph-sageplus-plus-dac-89635967468051 (READ-ONLY COPY).

The authoritative reference and input builder live on the scoring server;
editing this copy changes nothing except your own understanding.
"""

import jax, jax.numpy as jnp
import numpy as np

N, N1, N2 = 50000, 16000, 4096
E1, E2 = 400000, 102400
D = 128


def setup_inputs(seed: int = 0) -> dict:
    key = jax.random.key(seed)
    ks = jax.random.split(key, 12)
    s = 1.0 / np.sqrt(D)
    inp = {}
    inp["x"] = jax.random.normal(ks[0], (N, D), dtype=jnp.float32)
    inp["edge_index_l0"] = jax.random.randint(ks[1], (2, E1), 0, N1)
    inp["edge_index_l1"] = jax.random.randint(ks[2], (2, E2), 0, N2)
    # SAGEConv layer 0: lin_l (on aggregated neighbors, with bias) + lin_r (on root, no bias)
    inp["W_l0"] = jax.random.uniform(ks[3], (D, D), minval=-s, maxval=s, dtype=jnp.float32)
    inp["b_l0"] = jax.random.uniform(ks[4], (D,), minval=-s, maxval=s, dtype=jnp.float32)
    inp["W_r0"] = jax.random.uniform(ks[5], (D, D), minval=-s, maxval=s, dtype=jnp.float32)
    # SAGEConv layer 1
    inp["W_l1"] = jax.random.uniform(ks[6], (D, D), minval=-s, maxval=s, dtype=jnp.float32)
    inp["b_l1"] = jax.random.uniform(ks[7], (D,), minval=-s, maxval=s, dtype=jnp.float32)
    inp["W_r1"] = jax.random.uniform(ks[8], (D, D), minval=-s, maxval=s, dtype=jnp.float32)
    # post_mp Linear
    inp["W_post"] = jax.random.uniform(ks[9], (D, D), minval=-s, maxval=s, dtype=jnp.float32)
    inp["b_post"] = jax.random.uniform(ks[10], (D,), minval=-s, maxval=s, dtype=jnp.float32)
    return inp


def _sage_mean(x_src, x_tgt, edge_index, W_l, b_l, W_r):
    src = edge_index[0]
    dst = edge_index[1]
    msgs = jnp.take(x_src, src, axis=0)                       # gather [E, D]
    n_tgt = x_tgt.shape[0]
    ssum = jax.ops.segment_sum(msgs, dst, num_segments=n_tgt)  # scatter-add
    cnt = jax.ops.segment_sum(jnp.ones((src.shape[0],), msgs.dtype), dst, num_segments=n_tgt)
    mean = ssum / jnp.maximum(cnt, 1.0)[:, None]
    return mean @ W_l.T + b_l + x_tgt @ W_r.T


def reference(x, edge_index_l0, edge_index_l1, W_l0, b_l0, W_r0, W_l1, b_l1, W_r1, W_post, b_post):
    # layer 0: bipartite (all sampled nodes -> first N1 target nodes)
    h = _sage_mean(x, x[:N1], edge_index_l0, W_l0, b_l0, W_r0)
    h = jax.nn.relu(h)  # relu on all but last conv layer
    # layer 1: bipartite (N1 nodes -> first N2 target nodes)
    h = _sage_mean(h, h[:N2], edge_index_l1, W_l1, b_l1, W_r1)
    out = h @ W_post.T + b_post
    return jax.nn.log_softmax(out, axis=-1)

if __name__ == "__main__":
    import jax
    _d = setup_inputs()
    print(jax.jit(kernel)(*tuple(_d.values())))

</pallas_src>

<mosaic_0001>
#map = affine_map<(d0, d1) -> (0, 0)>
#map1 = affine_map<(d0, d1) -> (0, 0, 0, 0)>
module attributes {stable_mosaic.version = 14 : i64} {
  func.func @sc_sage_agg0(%arg0: i32, %arg1: i32, %arg2: memref<100000x64xf32, #tpu.memory_space<hbm>>, %arg3: memref<16x2x98x128xi32, #tpu.memory_space<hbm>>, %arg4: memref<16x2x98x128xi32, #tpu.memory_space<hbm>>, %arg5: memref<32256x64xf32, #tpu.memory_space<hbm>>, %arg6: memref<1x16128xf32, #tpu.memory_space<hbm>>, %arg7: memref<98x128xi32, #tpu.memory_space<vmem>>, %arg8: memref<98x128xi32, #tpu.memory_space<vmem>>, %arg9: memref<128x64xf32, #tpu.memory_space<vmem>>, %arg10: memref<128x64xf32, #tpu.memory_space<vmem>>, %arg11: memref<128xf32, #tpu.memory_space<vmem>>, %arg12: memref<1008xf32, #tpu.memory_space<vmem>>, %arg13: memref<16128x64xf32, #tpu.memory_space<vmem_shared>>, %arg14: memref<16128xf32, #tpu.memory_space<vmem_shared>>, %arg15: memref<!tpu.dma_semaphore, #tpu.memory_space<semaphore_mem>>, %arg16: memref<!tpu.dma_semaphore, #tpu.memory_space<semaphore_mem>>) attributes {dimension_semantics = [#tpu.dimension_semantics<core_parallel>, #tpu.dimension_semantics<subcore_parallel>], iteration_bounds = array<i64: 2, 16>, scalar_prefetch = 0 : i64, scratch_operands = 10 : i64, tpu.core_type = #tpu.core_type<sc_vector_subcore>, window_params = [{transform_indices = #map}, {transform_indices = #map1}, {transform_indices = #map1}, {transform_indices = #map}, {transform_indices = #map}]} {
    %broadcast_in_dim3A = arith.constant 0.000000e+00 : f32
    %broadcast_in_dim3A_0 = vector.broadcast %broadcast_in_dim3A : f32 to vector<16xf32>
    %scan3A = arith.constant 0 : i32
    %scan3A_1 = arith.constant 0 : i32
    %scan3A_2 = arith.constant 128 : i32
    %scan3A_3 = arith.addi %scan3A_1, %scan3A_2 : i32
    %scan3A_4 = arith.constant 1 : i32
    scf.for %scan3A_187 = %scan3A_1 to %scan3A_3 step %scan3A_4  : i32 {
      %swap3A = arith.index_cast %scan3A_187 : i32 to index
      %swap3A_188 = arith.constant 0 : index
      %swap3A_189 = tpu.vector_load %arg9[%swap3A, %swap3A_188] {strides = array<i32>} : memref<128x64xf32, #tpu.memory_space<vmem>>, vector<1x16xf32>,
      %swap3A_190 = vector.shape_cast %swap3A_189 : vector<1x16xf32> to vector<16xf32>
      %swap3A_191 = vector.shape_cast %broadcast_in_dim3A_0 : vector<16xf32> to vector<1x16xf32>
      tpu.vector_store %arg9[%swap3A, %swap3A_188], %swap3A_191 {strides = array<i32>} : memref<128x64xf32, #tpu.memory_space<vmem>>, vector<1x16xf32>,
      %swap3A_192 = arith.index_cast %scan3A_187 : i32 to index
      %swap3A_193 = arith.constant 16 : index
      %swap3A_194 = tpu.vector_load %arg9[%swap3A_192, %swap3A_193] {strides = array<i32>} : memref<128x64xf32, #tpu.memory_space<vmem>>, vector<1x16xf32>,
      %swap3A_195 = vector.shape_cast %swap3A_194 : vector<1x16xf32> to vector<16xf32>
      %swap3A_196 = vector.shape_cast %broadcast_in_dim3A_0 : vector<16xf32> to vector<1x16xf32>
      tpu.vector_store %arg9[%swap3A_192, %swap3A_193], %swap3A_196 {strides = array<i32>} : memref<128x64xf32, #tpu.memory_space<vmem>>, vector<1x16xf32>,
      %swap3A_197 = arith.index_cast %scan3A_187 : i32 to index
      %swap3A_198 = arith.constant 32 : index
      %swap3A_199 = tpu.vector_load %arg9[%swap3A_197, %swap3A_198] {strides = array<i32>} : memref<128x64xf32, #tpu.memory_space<vmem>>, vector<1x16xf32>,
      %swap3A_200 = vector.shape_cast %swap3A_199 : vector<1x16xf32> to vector<16xf32>
      %swap3A_201 = vector.shape_cast %broadcast_in_dim3A_0 : vector<16xf32> to vector<1x16xf32>
      tpu.vector_store %arg9[%swap3A_197, %swap3A_198], %swap3A_201 {strides = array<i32>} : memref<128x64xf32, #tpu.memory_space<vmem>>, vector<1x16xf32>,
      %swap3A_202 = arith.index_cast %scan3A_187 : i32 to index
      %swap3A_203 = arith.constant 48 : index
      %swap3A_204 = tpu.vector_load %arg9[%swap3A_202, %swap3A_203] {strides = array<i32>} : memref<128x64xf32, #tpu.memory_space<vmem>>, vector<1x16xf32>,
      %swap3A_205 = vector.shape_cast %swap3A_204 : vector<1x16xf32> to vector<16xf32>
      %swap3A_206 = vector.shape_cast %broadcast_in_dim3A_0 : vector<16xf32> to vector<1x16xf32>
      tpu.vector_store %arg9[%swap3A_202, %swap3A_203], %swap3A_206 {strides = array<i32>} : memref<128x64xf32, #tpu.memory_space<vmem>>, vector<1x16xf32>,
    }
    %scan3A_5 = arith.constant 128 : i32
    %broadcast_in_dim3A_6 = arith.constant 1.000000e+00 : f32
    %broadcast_in_dim3A_7 = vector.broadcast %broadcast_in_dim3A_6 : f32 to vector<16xf32>
    %scan3A_8 = arith.constant 0 : i32
    %scan3A_9 = arith.constant 0 : i32
    %scan3A_10 = arith.constant 8 : i32
    %scan3A_11 = arith.addi %scan3A_9, %scan3A_10 : i32
    %scan3A_12 = arith.constant 1 : i32
    scf.for %scan3A_187 = %scan3A_9 to %scan3A_11 step %scan3A_12  : i32 {
      %mul3A_188 = arith.constant 16 : i32
      %mul3A_189 = arith.muli %scan3A_187, %mul3A_188 : i32
      %swap3A = arith.index_cast %mul3A_189 : i32 to index
      %swap3A_190 = tpu.vector_load %arg11[%swap3A] {strides = array<i32>} : memref<128xf32, #tpu.memory_space<vmem>>, vector<16xf32>,
      %swap3A_191 = vector.shape_cast %swap3A_190 : vector<16xf32> to vector<16xf32>
      %swap3A_192 = vector.shape_cast %broadcast_in_dim3A_7 : vector<16xf32> to vector<16xf32>
      tpu.vector_store %arg11[%swap3A], %swap3A_192 {strides = array<i32>} : memref<128xf32, #tpu.memory_space<vmem>>, vector<16xf32>,
    }
    %scan3A_13 = arith.constant 8 : i32
    %broadcast_in_dim3A_14 = arith.constant 0.000000e+00 : f32
    %broadcast_in_dim3A_15 = vector.broadcast %broadcast_in_dim3A_14 : f32 to vector<16xf32>
    %scan3A_16 = arith.constant 0 : i32
    %scan3A_17 = arith.constant 0 : i32
    %scan3A_18 = arith.constant 63 : i32
    %scan3A_19 = arith.addi %scan3A_17, %scan3A_18 : i32
    %scan3A_20 = arith.constant 1 : i32
    scf.for %scan3A_187 = %scan3A_17 to %scan3A_19 step %scan3A_20  : i32 {
      %mul3A_188 = arith.constant 16 : i32
      %mul3A_189 = arith.muli %scan3A_187, %mul3A_188 : i32
      %swap3A = arith.index_cast %mul3A_189 : i32 to index
      %swap3A_190 = tpu.vector_load %arg12[%swap3A] {strides = array<i32>} : memref<1008xf32, #tpu.memory_space<vmem>>, vector<16xf32>,
      %swap3A_191 = vector.shape_cast %swap3A_190 : vector<16xf32> to vector<16xf32>
      %swap3A_192 = vector.shape_cast %broadcast_in_dim3A_15 : vector<16xf32> to vector<16xf32>
      tpu.vector_store %arg12[%swap3A], %swap3A_192 {strides = array<i32>} : memref<1008xf32, #tpu.memory_space<vmem>>, vector<16xf32>,
    }
    %scan3A_21 = arith.constant 63 : i32
    %mul3A = arith.constant 1008 : i32
    %mul3A_22 = arith.muli %arg1, %mul3A : i32
    %add3A = arith.constant 0 : i32
    %add3A_23 = arith.addi %mul3A_22, %add3A : i32
    "tpu.region"() ({
      %run_scoped3A_187 = tpu.sem_alloc : memref<!tpu.dma_semaphore, #tpu.memory_space<semaphore_mem>>
      %dma_start3A_188 = arith.constant 0 : i32
      %dma_start3A_189 = arith.constant 0 : i32
      %dma_start3A_190 = tpu.memref_slice %arg9[%dma_start3A_188, %dma_start3A_189] : memref<128x64xf32, #tpu.memory_space<vmem>> -> memref<128x64xf32, #tpu.memory_space<vmem>>
      %dma_start3A_191 = arith.constant 0 : i32
      %dma_start3A_192 = tpu.memref_slice %arg13[%add3A_23, %dma_start3A_191] : memref<16128x64xf32, #tpu.memory_space<vmem_shared>> -> memref<128x64xf32, #tpu.memory_space<vmem_shared>>
      %dma_start3A_193 = arith.constant 0 : i32
      %dma_start3A_194 = tpu.memref_slice %arg13[%add3A_23, %dma_start3A_193] : memref<16128x64xf32, #tpu.memory_space<vmem_shared>> -> memref<128x64xf32, #tpu.memory_space<vmem_shared>>
      %dma_start3A_195 = arith.constant 0 : i32
      %dma_start3A_196 = arith.constant 0 : i32
      %dma_start3A_197 = tpu.memref_slice %arg9[%dma_start3A_195, %dma_start3A_196] : memref<128x64xf32, #tpu.memory_space<vmem>> -> memref<128x64xf32, #tpu.memory_space<vmem>>
      tpu.enqueue_dma source(%dma_start3A_197 : memref<128x64xf32, #tpu.memory_space<vmem>>) target(%dma_start3A_194 : memref<128x64xf32, #tpu.memory_space<vmem_shared>>) target_semaphore(%run_scoped3A_187 : memref<!tpu.dma_semaphore, #tpu.memory_space<semaphore_mem>>)
      %dma_wait3A_198 = arith.constant 0 : i32
      %dma_wait3A_199 = arith.constant 0 : i32
      %dma_wait3A_200 = tpu.memref_slice %arg9[%dma_wait3A_198, %dma_wait3A_199] : memref<128x64xf32, #tpu.memory_space<vmem>> -> memref<128x64xf32, #tpu.memory_space<vmem>>
      %dma_wait3A_201 = arith.constant 0 : i32
      %dma_wait3A_202 = tpu.memref_slice %arg13[%add3A_23, %dma_wait3A_201] : memref<16128x64xf32, #tpu.memory_space<vmem_shared>> -> memref<128x64xf32, #tpu.memory_space<vmem_shared>>
      %dma_wait3A_203 = arith.constant 0 : i32
      %dma_wait3A_204 = tpu.memref_slice %arg13[%add3A_23, %dma_wait3A_203] : memref<16128x64xf32, #tpu.memory_space<vmem_shared>> -> memref<128x64xf32, #tpu.memory_space<vmem_shared>>
      %dma_wait3A_205 = arith.constant 0 : i32
      %dma_wait3A_206 = arith.constant 0 : i32
      %dma_wait3A_207 = tpu.memref_slice %arg9[%dma_wait3A_205, %dma_wait3A_206] : memref<128x64xf32, #tpu.memory_space<vmem>> -> memref<128x64xf32, #tpu.memory_space<vmem>>
      tpu.wait_dma2 semaphore(%run_scoped3A_187 : memref<!tpu.dma_semaphore, #tpu.memory_space<semaphore_mem>>) src(%dma_wait3A_207 : memref<128x64xf32, #tpu.memory_space<vmem>>) dst(%dma_wait3A_204 : memref<128x64xf32, #tpu.memory_space<vmem_shared>>)
      tpu.yield
    }) : () -> ()
    %add3A_24 = arith.constant 128 : i32
    %add3A_25 = arith.addi %mul3A_22, %add3A_24 : i32
    "tpu.region"() ({
      %run_scoped3A_187 = tpu.sem_alloc : memref<!tpu.dma_semaphore, #tpu.memory_space<semaphore_mem>>
      %dma_start3A_188 = arith.constant 0 : i32
      %dma_start3A_189 = arith.constant 0 : i32
      %dma_start3A_190 = tpu.memref_slice %arg9[%dma_start3A_188, %dma_start3A_189] : memref<128x64xf32, #tpu.memory_space<vmem>> -> memref<128x64xf32, #tpu.memory_space<vmem>>
      %dma_start3A_191 = arith.constant 0 : i32
      %dma_start3A_192 = tpu.memref_slice %arg13[%add3A_25, %dma_start3A_191] : memref<16128x64xf32, #tpu.memory_space<vmem_shared>> -> memref<128x64xf32, #tpu.memory_space<vmem_shared>>
      %dma_start3A_193 = arith.constant 0 : i32
      %dma_start3A_194 = tpu.memref_slice %arg13[%add3A_25, %dma_start3A_193] : memref<16128x64xf32, #tpu.memory_space<vmem_shared>> -> memref<128x64xf32, #tpu.memory_space<vmem_shared>>
      %dma_start3A_195 = arith.constant 0 : i32
      %dma_start3A_196 = arith.constant 0 : i32
      %dma_start3A_197 = tpu.memref_slice %arg9[%dma_start3A_195, %dma_start3A_196] : memref<128x64xf32, #tpu.memory_space<vmem>> -> memref<128x64xf32, #tpu.memory_space<vmem>>
      tpu.enqueue_dma source(%dma_start3A_197 : memref<128x64xf32, #tpu.memory_space<vmem>>) target(%dma_start3A_194 : memref<128x64xf32, #tpu.memory_space<vmem_shared>>) target_semaphore(%run_scoped3A_187 : memref<!tpu.dma_semaphore, #tpu.memory_space<semaphore_mem>>)
      %dma_wait3A_198 = arith.constant 0 : i32
      %dma_wait3A_199 = arith.constant 0 : i32
      %dma_wait3A_200 = tpu.memref_slice %arg9[%dma_wait3A_198, %dma_wait3A_199] : memref<128x64xf32, #tpu.memory_space<vmem>> -> memref<128x64xf32, #tpu.memory_space<vmem>>
      %dma_wait3A_201 = arith.constant 0 : i32
      %dma_wait3A_202 = tpu.memref_slice %arg13[%add3A_25, %dma_wait3A_201] : memref<16128x64xf32, #tpu.memory_space<vmem_shared>> -> memref<128x64xf32, #tpu.memory_space<vmem_shared>>
      %dma_wait3A_203 = arith.constant 0 : i32
      %dma_wait3A_204 = tpu.memref_slice %arg13[%add3A_25, %dma_wait3A_203] : memref<16128x64xf32, #tpu.memory_space<vmem_shared>> -> memref<128x64xf32, #tpu.memory_space<vmem_shared>>
      %dma_wait3A_205 = arith.constant 0 : i32
      %dma_wait3A_206 = arith.constant 0 : i32
      %dma_wait3A_207 = tpu.memref_slice %arg9[%dma_wait3A_205, %dma_wait3A_206] : memref<128x64xf32, #tpu.memory_space<vmem>> -> memref<128x64xf32, #tpu.memory_space<vmem>>
      tpu.wait_dma2 semaphore(%run_scoped3A_187 : memref<!tpu.dma_semaphore, #tpu.memory_space<semaphore_mem>>) src(%dma_wait3A_207 : memref<128x64xf32, #tpu.memory_space<vmem>>) dst(%dma_wait3A_204 : memref<128x64xf32, #tpu.memory_space<vmem_shared>>)
      tpu.yield
    }) : () -> ()
    %add3A_26 = arith.constant 256 : i32
    %add3A_27 = arith.addi %mul3A_22, %add3A_26 : i32
    "tpu.region"() ({
      %run_scoped3A_187 = tpu.sem_alloc : memref<!tpu.dma_semaphore, #tpu.memory_space<semaphore_mem>>
      %dma_start3A_188 = arith.constant 0 : i32
      %dma_start3A_189 = arith.constant 0 : i32
      %dma_start3A_190 = tpu.memref_slice %arg9[%dma_start3A_188, %dma_start3A_189] : memref<128x64xf32, #tpu.memory_space<vmem>> -> memref<128x64xf32, #tpu.memory_space<vmem>>
      %dma_start3A_191 = arith.constant 0 : i32
      %dma_start3A_192 = tpu.memref_slice %arg13[%add3A_27, %dma_start3A_191] : memref<16128x64xf32, #tpu.memory_space<vmem_shared>> -> memref<128x64xf32, #tpu.memory_space<vmem_shared>>
      %dma_start3A_193 = arith.constant 0 : i32
      %dma_start3A_194 = tpu.memref_slice %arg13[%add3A_27, %dma_start3A_193] : memref<16128x64xf32, #tpu.memory_space<vmem_shared>> -> memref<128x64xf32, #tpu.memory_space<vmem_shared>>
      %dma_start3A_195 = arith.constant 0 : i32
      %dma_start3A_196 = arith.constant 0 : i32
      %dma_start3A_197 = tpu.memref_slice %arg9[%dma_start3A_195, %dma_start3A_196] : memref<128x64xf32, #tpu.memory_space<vmem>> -> memref<128x64xf32, #tpu.memory_space<vmem>>
      tpu.enqueue_dma source(%dma_start3A_197 : memref<128x64xf32, #tpu.memory_space<vmem>>) target(%dma_start3A_194 : memref<128x64xf32, #tpu.memory_space<vmem_shared>>) target_semaphore(%run_scoped3A_187 : memref<!tpu.dma_semaphore, #tpu.memory_space<semaphore_mem>>)
      %dma_wait3A_198 = arith.constant 0 : i32
      %dma_wait3A_199 = arith.constant 0 : i32
      %dma_wait3A_200 = tpu.memref_slice %arg9[%dma_wait3A_198, %dma_wait3A_199] : memref<128x64xf32, #tpu.memory_space<vmem>> -> memref<128x64xf32, #tpu.memory_space<vmem>>
      %dma_wait3A_201 = arith.constant 0 : i32
      %dma_wait3A_202 = tpu.memref_slice %arg13[%add3A_27, %dma_wait3A_201] : memref<16128x64xf32, #tpu.memory_space<vmem_shared>> -> memref<128x64xf32, #tpu.memory_space<vmem_shared>>
      %dma_wait3A_203 = arith.constant 0 : i32
      %dma_wait3A_204 = tpu.memref_slice %arg13[%add3A_27, %dma_wait3A_203] : memref<16128x64xf32, #tpu.memory_space<vmem_shared>> -> memref<128x64xf32, #tpu.memory_space<vmem_shared>>
      %dma_wait3A_205 = arith.constant 0 : i32
      %dma_wait3A_206 = arith.constant 0 : i32
      %dma_wait3A_207 = tpu.memref_slice %arg9[%dma_wait3A_205, %dma_wait3A_206] : memref<128x64xf32, #tpu.memory_space<vmem>> -> memref<128x64xf32, #tpu.memory_space<vmem>>
      tpu.wait_dma2 semaphore(%run_scoped3A_187 : memref<!tpu.dma_semaphore, #tpu.memory_space<semaphore_mem>>) src(%dma_wait3A_207 : memref<128x64xf32, #tpu.memory_space<vmem>>) dst(%dma_wait3A_204 : memref<128x64xf32, #tpu.memory_space<vmem_shared>>)
      tpu.yield
    }) : () -> ()
    %add3A_28 = arith.constant 384 : i32
    %add3A_29 = arith.addi %mul3A_22, %add3A_28 : i32
    "tpu.region"() ({
      %run_scoped3A_187 = tpu.sem_alloc : memref<!tpu.dma_semaphore, #tpu.memory_space<semaphore_mem>>
      %dma_start3A_188 = arith.constant 0 : i32
      %dma_start3A_189 = arith.constant 0 : i32
      %dma_start3A_190 = tpu.memref_slice %arg9[%dma_start3A_188, %dma_start3A_189] : memref<128x64xf32, #tpu.memory_space<vmem>> -> memref<128x64xf32, #tpu.memory_space<vmem>>
      %dma_start3A_191 = arith.constant 0 : i32
      %dma_start3A_192 = tpu.memref_slice %arg13[%add3A_29, %dma_start3A_191] : memref<16128x64xf32, #tpu.memory_space<vmem_shared>> -> memref<128x64xf32, #tpu.memory_space<vmem_shared>>
      %dma_start3A_193 = arith.constant 0 : i32
      %dma_start3A_194 = tpu.memref_slice %arg13[%add3A_29, %dma_start3A_193] : memref<16128x64xf32, #tpu.memory_space<vmem_shared>> -> memref<128x64xf32, #tpu.memory_space<vmem_shared>>
      %dma_start3A_195 = arith.constant 0 : i32
      %dma_start3A_196 = arith.constant 0 : i32
      %dma_start3A_197 = tpu.memref_slice %arg9[%dma_start3A_195, %dma_start3A_196] : memref<128x64xf32, #tpu.memory_space<vmem>> -> memref<128x64xf32, #tpu.memory_space<vmem>>
      tpu.enqueue_dma source(%dma_start3A_197 : memref<128x64xf32, #tpu.memory_space<vmem>>) target(%dma_start3A_194 : memref<128x64xf32, #tpu.memory_space<vmem_shared>>) target_semaphore(%run_scoped3A_187 : memref<!tpu.dma_semaphore, #tpu.memory_space<semaphore_mem>>)
      %dma_wait3A_198 = arith.constant 0 : i32
      %dma_wait3A_199 = arith.constant 0 : i32
      %dma_wait3A_200 = tpu.memref_slice %arg9[%dma_wait3A_198, %dma_wait3A_199] : memref<128x64xf32, #tpu.memory_space<vmem>> -> memref<128x64xf32, #tpu.memory_space<vmem>>
      %dma_wait3A_201 = arith.constant 0 : i32
      %dma_wait3A_202 = tpu.memref_slice %arg13[%add3A_29, %dma_wait3A_201] : memref<16128x64xf32, #tpu.memory_space<vmem_shared>> -> memref<128x64xf32, #tpu.memory_space<vmem_shared>>
      %dma_wait3A_203 = arith.constant 0 : i32
      %dma_wait3A_204 = tpu.memref_slice %arg13[%add3A_29, %dma_wait3A_203] : memref<16128x64xf32, #tpu.memory_space<vmem_shared>> -> memref<128x64xf32, #tpu.memory_space<vmem_shared>>
      %dma_wait3A_205 = arith.constant 0 : i32
      %dma_wait3A_206 = arith.constant 0 : i32
      %dma_wait3A_207 = tpu.memref_slice %arg9[%dma_wait3A_205, %dma_wait3A_206] : memref<128x64xf32, #tpu.memory_space<vmem>> -> memref<128x64xf32, #tpu.memory_space<vmem>>
      tpu.wait_dma2 semaphore(%run_scoped3A_187 : memref<!tpu.dma_semaphore, #tpu.memory_space<semaphore_mem>>) src(%dma_wait3A_207 : memref<128x64xf32, #tpu.memory_space<vmem>>) dst(%dma_wait3A_204 : memref<128x64xf32, #tpu.memory_space<vmem_shared>>)
      tpu.yield
    }) : () -> ()
    %add3A_30 = arith.constant 512 : i32
    %add3A_31 = arith.addi %mul3A_22, %add3A_30 : i32
    "tpu.region"() ({
      %run_scoped3A_187 = tpu.sem_alloc : memref<!tpu.dma_semaphore, #tpu.memory_space<semaphore_mem>>
      %dma_start3A_188 = arith.constant 0 : i32
      %dma_start3A_189 = arith.constant 0 : i32
      %dma_start3A_190 = tpu.memref_slice %arg9[%dma_start3A_188, %dma_start3A_189] : memref<128x64xf32, #tpu.memory_space<vmem>> -> memref<128x64xf32, #tpu.memory_space<vmem>>
      %dma_start3A_191 = arith.constant 0 : i32
      %dma_start3A_192 = tpu.memref_slice %arg13[%add3A_31, %dma_start3A_191] : memref<16128x64xf32, #tpu.memory_space<vmem_shared>> -> memref<128x64xf32, #tpu.memory_space<vmem_shared>>
      %dma_start3A_193 = arith.constant 0 : i32
      %dma_start3A_194 = tpu.memref_slice %arg13[%add3A_31, %dma_start3A_193] : memref<16128x64xf32, #tpu.memory_space<vmem_shared>> -> memref<128x64xf32, #tpu.memory_space<vmem_shared>>
      %dma_start3A_195 = arith.constant 0 : i32
      %dma_start3A_196 = arith.constant 0 : i32
      %dma_start3A_197 = tpu.memref_slice %arg9[%dma_start3A_195, %dma_start3A_196] : memref<128x64xf32, #tpu.memory_space<vmem>> -> memref<128x64xf32, #tpu.memory_space<vmem>>
      tpu.enqueue_dma source(%dma_start3A_197 : memref<128x64xf32, #tpu.memory_space<vmem>>) target(%dma_start3A_194 : memref<128x64xf32, #tpu.memory_space<vmem_shared>>) target_semaphore(%run_scoped3A_187 : memref<!tpu.dma_semaphore, #tpu.memory_space<semaphore_mem>>)
      %dma_wait3A_198 = arith.constant 0 : i32
      %dma_wait3A_199 = arith.constant 0 : i32
      %dma_wait3A_200 = tpu.memref_slice %arg9[%dma_wait3A_198, %dma_wait3A_199] : memref<128x64xf32, #tpu.memory_space<vmem>> -> memref<128x64xf32, #tpu.memory_space<vmem>>
      %dma_wait3A_201 = arith.constant 0 : i32
      %dma_wait3A_202 = tpu.memref_slice %arg13[%add3A_31, %dma_wait3A_201] : memref<16128x64xf32, #tpu.memory_space<vmem_shared>> -> memref<128x64xf32, #tpu.memory_space<vmem_shared>>
      %dma_wait3A_203 = arith.constant 0 : i32
      %dma_wait3A_204 = tpu.memref_slice %arg13[%add3A_31, %dma_wait3A_203] : memref<16128x64xf32, #tpu.memory_space<vmem_shared>> -> memref<128x64xf32, #tpu.memory_space<vmem_shared>>
      %dma_wait3A_205 = arith.constant 0 : i32
      %dma_wait3A_206 = arith.constant 0 : i32
      %dma_wait3A_207 = tpu.memref_slice %arg9[%dma_wait3A_205, %dma_wait3A_206] : memref<128x64xf32, #tpu.memory_space<vmem>> -> memref<128x64xf32, #tpu.memory_space<vmem>>
      tpu.wait_dma2 semaphore(%run_scoped3A_187 : memref<!tpu.dma_semaphore, #tpu.memory_space<semaphore_mem>>) src(%dma_wait3A_207 : memref<128x64xf32, #tpu.memory_space<vmem>>) dst(%dma_wait3A_204 : memref<128x64xf32, #tpu.memory_space<vmem_shared>>)
      tpu.yield
    }) : () -> ()
    %add3A_32 = arith.constant 640 : i32
    %add3A_33 = arith.addi %mul3A_22, %add3A_32 : i32
    "tpu.region"() ({
      %run_scoped3A_187 = tpu.sem_alloc : memref<!tpu.dma_semaphore, #tpu.memory_space<semaphore_mem>>
      %dma_start3A_188 = arith.constant 0 : i32
      %dma_start3A_189 = arith.constant 0 : i32
      %dma_start3A_190 = tpu.memref_slice %arg9[%dma_start3A_188, %dma_start3A_189] : memref<128x64xf32, #tpu.memory_space<vmem>> -> memref<128x64xf32, #tpu.memory_space<vmem>>
      %dma_start3A_191 = arith.constant 0 : i32
      %dma_start3A_192 = tpu.memref_slice %arg13[%add3A_33, %dma_start3A_191] : memref<16128x64xf32, #tpu.memory_space<vmem_shared>> -> memref<128x64xf32, #tpu.memory_space<vmem_shared>>
      %dma_start3A_193 = arith.constant 0 : i32
      %dma_start3A_194 = tpu.memref_slice %arg13[%add3A_33, %dma_start3A_193] : memref<16128x64xf32, #tpu.memory_space<vmem_shared>> -> memref<128x64xf32, #tpu.memory_space<vmem_shared>>
      %dma_start3A_195 = arith.constant 0 : i32
      %dma_start3A_196 = arith.constant 0 : i32
      %dma_start3A_197 = tpu.memref_slice %arg9[%dma_start3A_195, %dma_start3A_196] : memref<128x64xf32, #tpu.memory_space<vmem>> -> memref<128x64xf32, #tpu.memory_space<vmem>>
      tpu.enqueue_dma source(%dma_start3A_197 : memref<128x64xf32, #tpu.memory_space<vmem>>) target(%dma_start3A_194 : memref<128x64xf32, #tpu.memory_space<vmem_shared>>) target_semaphore(%run_scoped3A_187 : memref<!tpu.dma_semaphore, #tpu.memory_space<semaphore_mem>>)
      %dma_wait3A_198 = arith.constant 0 : i32
      %dma_wait3A_199 = arith.constant 0 : i32
      %dma_wait3A_200 = tpu.memref_slice %arg9[%dma_wait3A_198, %dma_wait3A_199] : memref<128x64xf32, #tpu.memory_space<vmem>> -> memref<128x64xf32, #tpu.memory_space<vmem>>
      %dma_wait3A_201 = arith.constant 0 : i32
      %dma_wait3A_202 = tpu.memref_slice %arg13[%add3A_33, %dma_wait3A_201] : memref<16128x64xf32, #tpu.memory_space<vmem_shared>> -> memref<128x64xf32, #tpu.memory_space<vmem_shared>>
      %dma_wait3A_203 = arith.constant 0 : i32
      %dma_wait3A_204 = tpu.memref_slice %arg13[%add3A_33, %dma_wait3A_203] : memref<16128x64xf32, #tpu.memory_space<vmem_shared>> -> memref<128x64xf32, #tpu.memory_space<vmem_shared>>
      %dma_wait3A_205 = arith.constant 0 : i32
      %dma_wait3A_206 = arith.constant 0 : i32
      %dma_wait3A_207 = tpu.memref_slice %arg9[%dma_wait3A_205, %dma_wait3A_206] : memref<128x64xf32, #tpu.memory_space<vmem>> -> memref<128x64xf32, #tpu.memory_space<vmem>>
      tpu.wait_dma2 semaphore(%run_scoped3A_187 : memref<!tpu.dma_semaphore, #tpu.memory_space<semaphore_mem>>) src(%dma_wait3A_207 : memref<128x64xf32, #tpu.memory_space<vmem>>) dst(%dma_wait3A_204 : memref<128x64xf32, #tpu.memory_space<vmem_shared>>)
      tpu.yield
    }) : () -> ()
    %add3A_34 = arith.constant 768 : i32
    %add3A_35 = arith.addi %mul3A_22, %add3A_34 : i32
    "tpu.region"() ({
      %run_scoped3A_187 = tpu.sem_alloc : memref<!tpu.dma_semaphore, #tpu.memory_space<semaphore_mem>>
      %dma_start3A_188 = arith.constant 0 : i32
      %dma_start3A_189 = arith.constant 0 : i32
      %dma_start3A_190 = tpu.memref_slice %arg9[%dma_start3A_188, %dma_start3A_189] : memref<128x64xf32, #tpu.memory_space<vmem>> -> memref<128x64xf32, #tpu.memory_space<vmem>>
      %dma_start3A_191 = arith.constant 0 : i32
      %dma_start3A_192 = tpu.memref_slice %arg13[%add3A_35, %dma_start3A_191] : memref<16128x64xf32, #tpu.memory_space<vmem_shared>> -> memref<128x64xf32, #tpu.memory_space<vmem_shared>>
      %dma_start3A_193 = arith.constant 0 : i32
      %dma_start3A_194 = tpu.memref_slice %arg13[%add3A_35, %dma_start3A_193] : memref<16128x64xf32, #tpu.memory_space<vmem_shared>> -> memref<128x64xf32, #tpu.memory_space<vmem_shared>>
      %dma_start3A_195 = arith.constant 0 : i32
      %dma_start3A_196 = arith.constant 0 : i32
      %dma_start3A_197 = tpu.memref_slice %arg9[%dma_start3A_195, %dma_start3A_196] : memref<128x64xf32, #tpu.memory_space<vmem>> -> memref<128x64xf32, #tpu.memory_space<vmem>>
      tpu.enqueue_dma source(%dma_start3A_197 : memref<128x64xf32, #tpu.memory_space<vmem>>) target(%dma_start3A_194 : memref<128x64xf32, #tpu.memory_space<vmem_shared>>) target_semaphore(%run_scoped3A_187 : memref<!tpu.dma_semaphore, #tpu.memory_space<semaphore_mem>>)
      %dma_wait3A_198 = arith.constant 0 : i32
      %dma_wait3A_199 = arith.constant 0 : i32
      %dma_wait3A_200 = tpu.memref_slice %arg9[%dma_wait3A_198, %dma_wait3A_199] : memref<128x64xf32, #tpu.memory_space<vmem>> -> memref<128x64xf32, #tpu.memory_space<vmem>>
      %dma_wait3A_201 = arith.constant 0 : i32
      %dma_wait3A_202 = tpu.memref_slice %arg13[%add3A_35, %dma_wait3A_201] : memref<16128x64xf32, #tpu.memory_space<vmem_shared>> -> memref<128x64xf32, #tpu.memory_space<vmem_shared>>
      %dma_wait3A_203 = arith.constant 0 : i32
      %dma_wait3A_204 = tpu.memref_slice %arg13[%add3A_35, %dma_wait3A_203] : memref<16128x64xf32, #tpu.memory_space<vmem_shared>> -> memref<128x64xf32, #tpu.memory_space<vmem_shared>>
      %dma_wait3A_205 = arith.constant 0 : i32
      %dma_wait3A_206 = arith.constant 0 : i32
      %dma_wait3A_207 = tpu.memref_slice %arg9[%dma_wait3A_205, %dma_wait3A_206] : memref<128x64xf32, #tpu.memory_space<vmem>> -> memref<128x64xf32, #tpu.memory_space<vmem>>
      tpu.wait_dma2 semaphore(%run_scoped3A_187 : memref<!tpu.dma_semaphore, #tpu.memory_space<semaphore_mem>>) src(%dma_wait3A_207 : memref<128x64xf32, #tpu.memory_space<vmem>>) dst(%dma_wait3A_204 : memref<128x64xf32, #tpu.memory_space<vmem_shared>>)
      tpu.yield
    }) : () -> ()
    %add3A_36 = arith.constant 896 : i32
    %add3A_37 = arith.addi %mul3A_22, %add3A_36 : i32
    "tpu.region"() ({
      %run_scoped3A_187 = tpu.sem_alloc : memref<!tpu.dma_semaphore, #tpu.memory_space<semaphore_mem>>
      %dma_start3A_188 = arith.constant 0 : i32
      %dma_start3A_189 = arith.constant 0 : i32
      %dma_start3A_190 = tpu.memref_slice %arg9[%dma_start3A_188, %dma_start3A_189] : memref<128x64xf32, #tpu.memory_space<vmem>> -> memref<112x64xf32, #tpu.memory_space<vmem>>
      %dma_start3A_191 = arith.constant 0 : i32
      %dma_start3A_192 = tpu.memref_slice %arg13[%add3A_37, %dma_start3A_191] : memref<16128x64xf32, #tpu.memory_space<vmem_shared>> -> memref<112x64xf32, #tpu.memory_space<vmem_shared>>
      %dma_start3A_193 = arith.constant 0 : i32
      %dma_start3A_194 = tpu.memref_slice %arg13[%add3A_37, %dma_start3A_193] : memref<16128x64xf32, #tpu.memory_space<vmem_shared>> -> memref<112x64xf32, #tpu.memory_space<vmem_shared>>
      %dma_start3A_195 = arith.constant 0 : i32
      %dma_start3A_196 = arith.constant 0 : i32
      %dma_start3A_197 = tpu.memref_slice %arg9[%dma_start3A_195, %dma_start3A_196] : memref<128x64xf32, #tpu.memory_space<vmem>> -> memref<112x64xf32, #tpu.memory_space<vmem>>
      tpu.enqueue_dma source(%dma_start3A_197 : memref<112x64xf32, #tpu.memory_space<vmem>>) target(%dma_start3A_194 : memref<112x64xf32, #tpu.memory_space<vmem_shared>>) target_semaphore(%run_scoped3A_187 : memref<!tpu.dma_semaphore, #tpu.memory_space<semaphore_mem>>)
      %dma_wait3A_198 = arith.constant 0 : i32
      %dma_wait3A_199 = arith.constant 0 : i32
      %dma_wait3A_200 = tpu.memref_slice %arg9[%dma_wait3A_198, %dma_wait3A_199] : memref<128x64xf32, #tpu.memory_space<vmem>> -> memref<112x64xf32, #tpu.memory_space<vmem>>
      %dma_wait3A_201 = arith.constant 0 : i32
      %dma_wait3A_202 = tpu.memref_slice %arg13[%add3A_37, %dma_wait3A_201] : memref<16128x64xf32, #tpu.memory_space<vmem_shared>> -> memref<112x64xf32, #tpu.memory_space<vmem_shared>>
      %dma_wait3A_203 = arith.constant 0 : i32
      %dma_wait3A_204 = tpu.memref_slice %arg13[%add3A_37, %dma_wait3A_203] : memref<16128x64xf32, #tpu.memory_space<vmem_shared>> -> memref<112x64xf32, #tpu.memory_space<vmem_shared>>
      %dma_wait3A_205 = arith.constant 0 : i32
      %dma_wait3A_206 = arith.constant 0 : i32
      %dma_wait3A_207 = tpu.memref_slice %arg9[%dma_wait3A_205, %dma_wait3A_206] : memref<128x64xf32, #tpu.memory_space<vmem>> -> memref<112x64xf32, #tpu.memory_space<vmem>>
      tpu.wait_dma2 semaphore(%run_scoped3A_187 : memref<!tpu.dma_semaphore, #tpu.memory_space<semaphore_mem>>) src(%dma_wait3A_207 : memref<112x64xf32, #tpu.memory_space<vmem>>) dst(%dma_wait3A_204 : memref<112x64xf32, #tpu.memory_space<vmem_shared>>)
      tpu.yield
    }) : () -> ()
    %mul3A_38 = arith.constant 1008 : i32
    %mul3A_39 = arith.muli %arg1, %mul3A_38 : i32
    "tpu.region"() ({
      %run_scoped3A_187 = tpu.sem_alloc : memref<!tpu.dma_semaphore, #tpu.memory_space<semaphore_mem>>
      %dma_start3A_188 = tpu.memref_slice %arg14[%mul3A_39] : memref<16128xf32, #tpu.memory_space<vmem_shared>> -> memref<1008xf32, #tpu.memory_space<vmem_shared>>
      %dma_start3A_189 = tpu.memref_slice %arg14[%mul3A_39] : memref<16128xf32, #tpu.memory_space<vmem_shared>> -> memref<1008xf32, #tpu.memory_space<vmem_shared>>
      tpu.enqueue_dma source(%arg12 : memref<1008xf32, #tpu.memory_space<vmem>>) target(%dma_start3A_189 : memref<1008xf32, #tpu.memory_space<vmem_shared>>) target_semaphore(%run_scoped3A_187 : memref<!tpu.dma_semaphore, #tpu.memory_space<semaphore_mem>>)
      %dma_wait3A_190 = tpu.memref_slice %arg14[%mul3A_39] : memref<16128xf32, #tpu.memory_space<vmem_shared>> -> memref<1008xf32, #tpu.memory_space<vmem_shared>>
      %dma_wait3A_191 = tpu.memref_slice %arg14[%mul3A_39] : memref<16128xf32, #tpu.memory_space<vmem_shared>> -> memref<1008xf32, #tpu.memory_space<vmem_shared>>
      tpu.wait_dma2 semaphore(%run_scoped3A_187 : memref<!tpu.dma_semaphore, #tpu.memory_space<semaphore_mem>>) src(%arg12 : memref<1008xf32, #tpu.memory_space<vmem>>) dst(%dma_wait3A_191 : memref<1008xf32, #tpu.memory_space<vmem_shared>>)
      tpu.yield
    }) : () -> ()
    %barrier3A = arith.constant 0 : index
    tpu.barrier barrier_id(%barrier3A)
    %broadcast_in_dim3A_40 = arith.constant 2 : i32
    %broadcast_in_dim3A_41 = vector.broadcast %broadcast_in_dim3A_40 : i32 to vector<16xi32>
    %run_scoped3A = arith.constant 0 : i32
    "tpu.region"() ({
      %run_scoped3A_187 = tpu.sem_alloc : memref<!tpu.dma_semaphore, #tpu.memory_space<semaphore_mem>>
      %dma_start3A_188 = arith.constant 0 : i32
      %dma_start3A_189 = arith.constant 0 : i32
      %dma_start3A_190 = tpu.memref_slice %arg3[%arg1, %run_scoped3A, %dma_start3A_188, %dma_start3A_189] : memref<16x2x98x128xi32, #tpu.memory_space<hbm>> -> memref<1x1x98x128xi32, #tpu.memory_space<hbm>>
      %dma_start3A_191 = tpu.memref_squeeze %dma_start3A_190 : memref<1x1x98x128xi32, #tpu.memory_space<hbm>> -> memref<98x128xi32, #tpu.memory_space<hbm>>
      %dma_start3A_192 = arith.constant 0 : i32
      %dma_start3A_193 = arith.constant 0 : i32
      %dma_start3A_194 = tpu.memref_slice %arg3[%arg1, %run_scoped3A, %dma_start3A_192, %dma_start3A_193] : memref<16x2x98x128xi32, #tpu.memory_space<hbm>> -> memref<1x1x98x128xi32, #tpu.memory_space<hbm>>
      %dma_start3A_195 = tpu.memref_squeeze %dma_start3A_194 : memref<1x1x98x128xi32, #tpu.memory_space<hbm>> -> memref<98x128xi32, #tpu.memory_space<hbm>>
      tpu.enqueue_dma source(%dma_start3A_195 : memref<98x128xi32, #tpu.memory_space<hbm>>) target(%arg7 : memref<98x128xi32, #tpu.memory_space<vmem>>) target_semaphore(%run_scoped3A_187 : memref<!tpu.dma_semaphore, #tpu.memory_space<semaphore_mem>>)
      %dma_wait3A_196 = arith.constant 0 : i32
      %dma_wait3A_197 = arith.constant 0 : i32
      %dma_wait3A_198 = tpu.memref_slice %arg3[%arg1, %run_scoped3A, %dma_wait3A_196, %dma_wait3A_197] : memref<16x2x98x128xi32, #tpu.memory_space<hbm>> -> memref<1x1x98x128xi32, #tpu.memory_space<hbm>>
      %dma_wait3A_199 = tpu.memref_squeeze %dma_wait3A_198 : memref<1x1x98x128xi32, #tpu.memory_space<hbm>> -> memref<98x128xi32, #tpu.memory_space<hbm>>
      %dma_wait3A_200 = arith.constant 0 : i32
      %dma_wait3A_201 = arith.constant 0 : i32
      %dma_wait3A_202 = tpu.memref_slice %arg3[%arg1, %run_scoped3A, %dma_wait3A_200, %dma_wait3A_201] : memref<16x2x98x128xi32, #tpu.memory_space<hbm>> -> memref<1x1x98x128xi32, #tpu.memory_space<hbm>>
      %dma_wait3A_203 = tpu.memref_squeeze %dma_wait3A_202 : memref<1x1x98x128xi32, #tpu.memory_space<hbm>> -> memref<98x128xi32, #tpu.memory_space<hbm>>
      tpu.wait_dma2 semaphore(%run_scoped3A_187 : memref<!tpu.dma_semaphore, #tpu.memory_space<semaphore_mem>>) src(%dma_wait3A_203 : memref<98x128xi32, #tpu.memory_space<hbm>>) dst(%arg7 : memref<98x128xi32, #tpu.memory_space<vmem>>)
      tpu.yield
    }) : () -> ()
    %run_scoped3A_42 = arith.constant 0 : i32
    "tpu.region"() ({
      %run_scoped3A_187 = tpu.sem_alloc : memref<!tpu.dma_semaphore, #tpu.memory_space<semaphore_mem>>
      %dma_start3A_188 = arith.constant 0 : i32
      %dma_start3A_189 = arith.constant 0 : i32
      %dma_start3A_190 = tpu.memref_slice %arg4[%arg1, %run_scoped3A_42, %dma_start3A_188, %dma_start3A_189] : memref<16x2x98x128xi32, #tpu.memory_space<hbm>> -> memref<1x1x98x128xi32, #tpu.memory_space<hbm>>
      %dma_start3A_191 = tpu.memref_squeeze %dma_start3A_190 : memref<1x1x98x128xi32, #tpu.memory_space<hbm>> -> memref<98x128xi32, #tpu.memory_space<hbm>>
      %dma_start3A_192 = arith.constant 0 : i32
      %dma_start3A_193 = arith.constant 0 : i32
      %dma_start3A_194 = tpu.memref_slice %arg4[%arg1, %run_scoped3A_42, %dma_start3A_192, %dma_start3A_193] : memref<16x2x98x128xi32, #tpu.memory_space<hbm>> -> memref<1x1x98x128xi32, #tpu.memory_space<hbm>>
      %dma_start3A_195 = tpu.memref_squeeze %dma_start3A_194 : memref<1x1x98x128xi32, #tpu.memory_space<hbm>> -> memref<98x128xi32, #tpu.memory_space<hbm>>
      tpu.enqueue_dma source(%dma_start3A_195 : memref<98x128xi32, #tpu.memory_space<hbm>>) target(%arg8 : memref<98x128xi32, #tpu.memory_space<vmem>>) target_semaphore(%run_scoped3A_187 : memref<!tpu.dma_semaphore, #tpu.memory_space<semaphore_mem>>)
      %dma_wait3A_196 = arith.constant 0 : i32
      %dma_wait3A_197 = arith.constant 0 : i32
      %dma_wait3A_198 = tpu.memref_slice %arg4[%arg1, %run_scoped3A_42, %dma_wait3A_196, %dma_wait3A_197] : memref<16x2x98x128xi32, #tpu.memory_space<hbm>> -> memref<1x1x98x128xi32, #tpu.memory_space<hbm>>
      %dma_wait3A_199 = tpu.memref_squeeze %dma_wait3A_198 : memref<1x1x98x128xi32, #tpu.memory_space<hbm>> -> memref<98x128xi32, #tpu.memory_space<hbm>>
      %dma_wait3A_200 = arith.constant 0 : i32
      %dma_wait3A_201 = arith.constant 0 : i32
      %dma_wait3A_202 = tpu.memref_slice %arg4[%arg1, %run_scoped3A_42, %dma_wait3A_200, %dma_wait3A_201] : memref<16x2x98x128xi32, #tpu.memory_space<hbm>> -> memref<1x1x98x128xi32, #tpu.memory_space<hbm>>
      %dma_wait3A_203 = tpu.memref_squeeze %dma_wait3A_202 : memref<1x1x98x128xi32, #tpu.memory_space<hbm>> -> memref<98x128xi32, #tpu.memory_space<hbm>>
      tpu.wait_dma2 semaphore(%run_scoped3A_187 : memref<!tpu.dma_semaphore, #tpu.memory_space<semaphore_mem>>) src(%dma_wait3A_203 : memref<98x128xi32, #tpu.memory_space<hbm>>) dst(%arg8 : memref<98x128xi32, #tpu.memory_space<vmem>>)
      tpu.yield
    }) : () -> ()
    %scan3A_43 = arith.constant 0 : i32
    %scan3A_44 = arith.constant 0 : i32
    %scan3A_45 = arith.constant 98 : i32
    %scan3A_46 = arith.addi %scan3A_44, %scan3A_45 : i32
    %scan3A_47 = arith.constant 1 : i32
    scf.for %scan3A_187 = %scan3A_44 to %scan3A_46 step %scan3A_47  : i32 {
      %get3A = arith.index_cast %scan3A_187 : i32 to index
      %get3A_188 = arith.constant 0 : index
      %get3A_189 = tpu.vector_load %arg7[%get3A, %get3A_188] {strides = array<i32>} : memref<98x128xi32, #tpu.memory_space<vmem>>, vector<1x16xi32>,
      %get3A_190 = vector.shape_cast %get3A_189 : vector<1x16xi32> to vector<16xi32>
      %mul3A_191 = arith.muli %get3A_190, %broadcast_in_dim3A_41 : vector<16xi32>
      %add3A_192 = vector.broadcast %arg0 : i32 to vector<16xi32>
      %add3A_193 = arith.addi %mul3A_191, %add3A_192 : vector<16xi32>
      %swap3A = arith.index_cast %scan3A_187 : i32 to index
      %swap3A_194 = arith.constant 0 : index
      %swap3A_195 = tpu.vector_load %arg7[%swap3A, %swap3A_194] {strides = array<i32>} : memref<98x128xi32, #tpu.memory_space<vmem>>, vector<1x16xi32>,
      %swap3A_196 = vector.shape_cast %swap3A_195 : vector<1x16xi32> to vector<16xi32>
      %swap3A_197 = vector.shape_cast %add3A_193 : vector<16xi32> to vector<1x16xi32>
      tpu.vector_store %arg7[%swap3A, %swap3A_194], %swap3A_197 {strides = array<i32>} : memref<98x128xi32, #tpu.memory_space<vmem>>, vector<1x16xi32>,
      %get3A_198 = arith.index_cast %scan3A_187 : i32 to index
      %get3A_199 = arith.constant 16 : index
      %get3A_200 = tpu.vector_load %arg7[%get3A_198, %get3A_199] {strides = array<i32>} : memref<98x128xi32, #tpu.memory_space<vmem>>, vector<1x16xi32>,
      %get3A_201 = vector.shape_cast %get3A_200 : vector<1x16xi32> to vector<16xi32>
      %mul3A_202 = arith.muli %get3A_201, %broadcast_in_dim3A_41 : vector<16xi32>
      %add3A_203 = vector.broadcast %arg0 : i32 to vector<16xi32>
      %add3A_204 = arith.addi %mul3A_202, %add3A_203 : vector<16xi32>
      %swap3A_205 = arith.index_cast %scan3A_187 : i32 to index
      %swap3A_206 = arith.constant 16 : index
      %swap3A_207 = tpu.vector_load %arg7[%swap3A_205, %swap3A_206] {strides = array<i32>} : memref<98x128xi32, #tpu.memory_space<vmem>>, vector<1x16xi32>,
      %swap3A_208 = vector.shape_cast %swap3A_207 : vector<1x16xi32> to vector<16xi32>
      %swap3A_209 = vector.shape_cast %add3A_204 : vector<16xi32> to vector<1x16xi32>
      tpu.vector_store %arg7[%swap3A_205, %swap3A_206], %swap3A_209 {strides = array<i32>} : memref<98x128xi32, #tpu.memory_space<vmem>>, vector<1x16xi32>,
      %get3A_210 = arith.index_cast %scan3A_187 : i32 to index
      %get3A_211 = arith.constant 32 : index
      %get3A_212 = tpu.vector_load %arg7[%get3A_210, %get3A_211] {strides = array<i32>} : memref<98x128xi32, #tpu.memory_space<vmem>>, vector<1x16xi32>,
      %get3A_213 = vector.shape_cast %get3A_212 : vector<1x16xi32> to vector<16xi32>
      %mul3A_214 = arith.muli %get3A_213, %broadcast_in_dim3A_41 : vector<16xi32>
      %add3A_215 = vector.broadcast %arg0 : i32 to vector<16xi32>
      %add3A_216 = arith.addi %mul3A_214, %add3A_215 : vector<16xi32>
      %swap3A_217 = arith.index_cast %scan3A_187 : i32 to index
      %swap3A_218 = arith.constant 32 : index
      %swap3A_219 = tpu.vector_load %arg7[%swap3A_217, %swap3A_218] {strides = array<i32>} : memref<98x128xi32, #tpu.memory_space<vmem>>, vector<1x16xi32>,
      %swap3A_220 = vector.shape_cast %swap3A_219 : vector<1x16xi32> to vector<16xi32>
      %swap3A_221 = vector.shape_cast %add3A_216 : vector<16xi32> to vector<1x16xi32>
      tpu.vector_store %arg7[%swap3A_217, %swap3A_218], %swap3A_221 {strides = array<i32>} : memref<98x128xi32, #tpu.memory_space<vmem>>, vector<1x16xi32>,
      %get3A_222 = arith.index_cast %scan3A_187 : i32 to index
      %get3A_223 = arith.constant 48 : index
      %get3A_224 = tpu.vector_load %arg7[%get3A_222, %get3A_223] {strides = array<i32>} : memref<98x128xi32, #tpu.memory_space<vmem>>, vector<1x16xi32>,
      %get3A_225 = vector.shape_cast %get3A_224 : vector<1x16xi32> to vector<16xi32>
      %mul3A_226 = arith.muli %get3A_225, %broadcast_in_dim3A_41 : vector<16xi32>
      %add3A_227 = vector.broadcast %arg0 : i32 to vector<16xi32>
      %add3A_228 = arith.addi %mul3A_226, %add3A_227 : vector<16xi32>
      %swap3A_229 = arith.index_cast %scan3A_187 : i32 to index
      %swap3A_230 = arith.constant 48 : index
      %swap3A_231 = tpu.vector_load %arg7[%swap3A_229, %swap3A_230] {strides = array<i32>} : memref<98x128xi32, #tpu.memory_space<vmem>>, vector<1x16xi32>,
      %swap3A_232 = vector.shape_cast %swap3A_231 : vector<1x16xi32> to vector<16xi32>
      %swap3A_233 = vector.shape_cast %add3A_228 : vector<16xi32> to vector<1x16xi32>
      tpu.vector_store %arg7[%swap3A_229, %swap3A_230], %swap3A_233 {strides = array<i32>} : memref<98x128xi32, #tpu.memory_space<vmem>>, vector<1x16xi32>,
      %get3A_234 = arith.index_cast %scan3A_187 : i32 to index
      %get3A_235 = arith.constant 64 : index
      %get3A_236 = tpu.vector_load %arg7[%get3A_234, %get3A_235] {strides = array<i32>} : memref<98x128xi32, #tpu.memory_space<vmem>>, vector<1x16xi32>,
      %get3A_237 = vector.shape_cast %get3A_236 : vector<1x16xi32> to vector<16xi32>
      %mul3A_238 = arith.muli %get3A_237, %broadcast_in_dim3A_41 : vector<16xi32>
      %add3A_239 = vector.broadcast %arg0 : i32 to vector<16xi32>
      %add3A_240 = arith.addi %mul3A_238, %add3A_239 : vector<16xi32>
      %swap3A_241 = arith.index_cast %scan3A_187 : i32 to index
      %swap3A_242 = arith.constant 64 : index
      %swap3A_243 = tpu.vector_load %arg7[%swap3A_241, %swap3A_242] {strides = array<i32>} : memref<98x128xi32, #tpu.memory_space<vmem>>, vector<1x16xi32>,
      %swap3A_244 = vector.shape_cast %swap3A_243 : vector<1x16xi32> to vector<16xi32>
      %swap3A_245 = vector.shape_cast %add3A_240 : vector<16xi32> to vector<1x16xi32>
      tpu.vector_store %arg7[%swap3A_241, %swap3A_242], %swap3A_245 {strides = array<i32>} : memref<98x128xi32, #tpu.memory_space<vmem>>, vector<1x16xi32>,
      %get3A_246 = arith.index_cast %scan3A_187 : i32 to index
      %get3A_247 = arith.constant 80 : index
      %get3A_248 = tpu.vector_load %arg7[%get3A_246, %get3A_247] {strides = array<i32>} : memref<98x128xi32, #tpu.memory_space<vmem>>, vector<1x16xi32>,
      %get3A_249 = vector.shape_cast %get3A_248 : vector<1x16xi32> to vector<16xi32>
      %mul3A_250 = arith.muli %get3A_249, %broadcast_in_dim3A_41 : vector<16xi32>
      %add3A_251 = vector.broadcast %arg0 : i32 to vector<16xi32>
      %add3A_252 = arith.addi %mul3A_250, %add3A_251 : vector<16xi32>
      %swap3A_253 = arith.index_cast %scan3A_187 : i32 to index
      %swap3A_254 = arith.constant 80 : index
      %swap3A_255 = tpu.vector_load %arg7[%swap3A_253, %swap3A_254] {strides = array<i32>} : memref<98x128xi32, #tpu.memory_space<vmem>>, vector<1x16xi32>,
      %swap3A_256 = vector.shape_cast %swap3A_255 : vector<1x16xi32> to vector<16xi32>
      %swap3A_257 = vector.shape_cast %add3A_252 : vector<16xi32> to vector<1x16xi32>
      tpu.vector_store %arg7[%swap3A_253, %swap3A_254], %swap3A_257 {strides = array<i32>} : memref<98x128xi32, #tpu.memory_space<vmem>>, vector<1x16xi32>,
      %get3A_258 = arith.index_cast %scan3A_187 : i32 to index
      %get3A_259 = arith.constant 96 : index
      %get3A_260 = tpu.vector_load %arg7[%get3A_258, %get3A_259] {strides = array<i32>} : memref<98x128xi32, #tpu.memory_space<vmem>>, vector<1x16xi32>,
      %get3A_261 = vector.shape_cast %get3A_260 : vector<1x16xi32> to vector<16xi32>
      %mul3A_262 = arith.muli %get3A_261, %broadcast_in_dim3A_41 : vector<16xi32>
      %add3A_263 = vector.broadcast %arg0 : i32 to vector<16xi32>
      %add3A_264 = arith.addi %mul3A_262, %add3A_263 : vector<16xi32>
      %swap3A_265 = arith.index_cast %scan3A_187 : i32 to index
      %swap3A_266 = arith.constant 96 : index
      %swap3A_267 = tpu.vector_load %arg7[%swap3A_265, %swap3A_266] {strides = array<i32>} : memref<98x128xi32, #tpu.memory_space<vmem>>, vector<1x16xi32>,
      %swap3A_268 = vector.shape_cast %swap3A_267 : vector<1x16xi32> to vector<16xi32>
      %swap3A_269 = vector.shape_cast %add3A_264 : vector<16xi32> to vector<1x16xi32>
      tpu.vector_store %arg7[%swap3A_265, %swap3A_266], %swap3A_269 {strides = array<i32>} : memref<98x128xi32, #tpu.memory_space<vmem>>, vector<1x16xi32>,
      %get3A_270 = arith.index_cast %scan3A_187 : i32 to index
      %get3A_271 = arith.constant 112 : index
      %get3A_272 = tpu.vector_load %arg7[%get3A_270, %get3A_271] {strides = array<i32>} : memref<98x128xi32, #tpu.memory_space<vmem>>, vector<1x16xi32>,
      %get3A_273 = vector.shape_cast %get3A_272 : vector<1x16xi32> to vector<16xi32>
      %mul3A_274 = arith.muli %get3A_273, %broadcast_in_dim3A_41 : vector<16xi32>
      %add3A_275 = vector.broadcast %arg0 : i32 to vector<16xi32>
      %add3A_276 = arith.addi %mul3A_274, %add3A_275 : vector<16xi32>
      %swap3A_277 = arith.index_cast %scan3A_187 : i32 to index
      %swap3A_278 = arith.constant 112 : index
      %swap3A_279 = tpu.vector_load %arg7[%swap3A_277, %swap3A_278] {strides = array<i32>} : memref<98x128xi32, #tpu.memory_space<vmem>>, vector<1x16xi32>,
      %swap3A_280 = vector.shape_cast %swap3A_279 : vector<1x16xi32> to vector<16xi32>
      %swap3A_281 = vector.shape_cast %add3A_276 : vector<16xi32> to vector<1x16xi32>
      tpu.vector_store %arg7[%swap3A_277, %swap3A_278], %swap3A_281 {strides = array<i32>} : memref<98x128xi32, #tpu.memory_space<vmem>>, vector<1x16xi32>,
    }
    %scan3A_48 = arith.constant 98 : i32
    %dma_start3A = arith.constant 0 : i32
    %dma_start3A_49 = arith.constant 0 : i32
    %dma_start3A_50 = tpu.memref_slice %arg7[%dma_start3A, %dma_start3A_49] : memref<98x128xi32, #tpu.memory_space<vmem>> -> memref<1x128xi32, #tpu.memory_space<vmem>>
    %dma_start3A_51 = tpu.memref_squeeze %dma_start3A_50 : memref<1x128xi32, #tpu.memory_space<vmem>> -> memref<128xi32, #tpu.memory_space<vmem>>
    %dma_start3A_52 = arith.constant 0 : i32
    %dma_start3A_53 = arith.constant 0 : i32
    %dma_start3A_54 = tpu.memref_slice %arg2[%dma_start3A_52, %dma_start3A_53] : memref<100000x64xf32, #tpu.memory_space<hbm>> -> memref<100000x64xf32, #tpu.memory_space<hbm>>
    tpu.enqueue_indirect_dma source(%dma_start3A_54 : memref<100000x64xf32, #tpu.memory_space<hbm>>) target(%arg9 : memref<128x64xf32, #tpu.memory_space<vmem>>) offsets(%dma_start3A_51 : memref<128xi32, #tpu.memory_space<vmem>>) semaphore(%arg15 : memref<!tpu.dma_semaphore, #tpu.memory_space<semaphore_mem>>)
    %scan3A_55 = arith.constant 0 : i32
    %scan3A_56 = arith.constant 0 : i32
    %scan3A_57 = arith.constant 48 : i32
    %scan3A_58 = arith.addi %scan3A_56, %scan3A_57 : i32
    %scan3A_59 = arith.constant 1 : i32
    scf.for %scan3A_187 = %scan3A_56 to %scan3A_58 step %scan3A_59  : i32 {
      %mul3A_188 = arith.constant 2 : i32
      %mul3A_189 = arith.muli %mul3A_188, %scan3A_187 : i32
      %add3A_190 = arith.constant 1 : i32
      %add3A_191 = arith.addi %mul3A_189, %add3A_190 : i32
      %dma_start3A_192 = arith.constant 0 : i32
      %dma_start3A_193 = tpu.memref_slice %arg7[%add3A_191, %dma_start3A_192] : memref<98x128xi32, #tpu.memory_space<vmem>> -> memref<1x128xi32, #tpu.memory_space<vmem>>
      %dma_start3A_194 = tpu.memref_squeeze %dma_start3A_193 : memref<1x128xi32, #tpu.memory_space<vmem>> -> memref<128xi32, #tpu.memory_space<vmem>>
      %dma_start3A_195 = arith.constant 0 : i32
      %dma_start3A_196 = arith.constant 0 : i32
      %dma_start3A_197 = tpu.memref_slice %arg2[%dma_start3A_195, %dma_start3A_196] : memref<100000x64xf32, #tpu.memory_space<hbm>> -> memref<100000x64xf32, #tpu.memory_space<hbm>>
      tpu.enqueue_indirect_dma source(%dma_start3A_197 : memref<100000x64xf32, #tpu.memory_space<hbm>>) target(%arg10 : memref<128x64xf32, #tpu.memory_space<vmem>>) offsets(%dma_start3A_194 : memref<128xi32, #tpu.memory_space<vmem>>) semaphore(%arg16 : memref<!tpu.dma_semaphore, #tpu.memory_space<semaphore_mem>>)
      %dma_wait3A_198 = arith.constant 0 : i32
      %dma_wait3A_199 = tpu.memref_slice %arg7[%mul3A_189, %dma_wait3A_198] : memref<98x128xi32, #tpu.memory_space<vmem>> -> memref<1x128xi32, #tpu.memory_space<vmem>>
      %dma_wait3A_200 = tpu.memref_squeeze %dma_wait3A_199 : memref<1x128xi32, #tpu.memory_space<vmem>> -> memref<128xi32, #tpu.memory_space<vmem>>
      %dma_wait3A_201 = arith.constant 0 : i32
      %dma_wait3A_202 = arith.constant 0 : i32
      %dma_wait3A_203 = tpu.memref_slice %arg2[%dma_wait3A_201, %dma_wait3A_202] : memref<100000x64xf32, #tpu.memory_space<hbm>> -> memref<100000x64xf32, #tpu.memory_space<hbm>>
      tpu.wait_indirect_dma semaphore(%arg15 : memref<!tpu.dma_semaphore, #tpu.memory_space<semaphore_mem>>) src(%dma_wait3A_203 : memref<100000x64xf32, #tpu.memory_space<hbm>>) dst(%arg9 : memref<128x64xf32, #tpu.memory_space<vmem>>)
      "tpu.region"() ({
        %run_scoped3A_232 = tpu.sem_alloc : memref<!tpu.dma_semaphore, #tpu.memory_space<semaphore_mem>>
        %dma_start3A_233 = arith.constant 0 : i32
        %dma_start3A_234 = tpu.memref_slice %arg8[%mul3A_189, %dma_start3A_233] : memref<98x128xi32, #tpu.memory_space<vmem>> -> memref<1x128xi32, #tpu.memory_space<vmem>>
        %dma_start3A_235 = tpu.memref_squeeze %dma_start3A_234 : memref<1x128xi32, #tpu.memory_space<vmem>> -> memref<128xi32, #tpu.memory_space<vmem>>
        %dma_start3A_236 = arith.constant 0 : i32
        %dma_start3A_237 = arith.constant 0 : i32
        %dma_start3A_238 = tpu.memref_slice %arg13[%dma_start3A_236, %dma_start3A_237] : memref<16128x64xf32, #tpu.memory_space<vmem_shared>> -> memref<16128x64xf32, #tpu.memory_space<vmem_shared>>
        tpu.enqueue_indirect_dma source(%arg9 : memref<128x64xf32, #tpu.memory_space<vmem>>) target(%dma_start3A_238 : memref<16128x64xf32, #tpu.memory_space<vmem_shared>>) offsets(%dma_start3A_235 : memref<128xi32, #tpu.memory_space<vmem>>) semaphore(%run_scoped3A_232 : memref<!tpu.dma_semaphore, #tpu.memory_space<semaphore_mem>>) {add = true}
        %dma_wait3A_239 = arith.constant 0 : i32
        %dma_wait3A_240 = tpu.memref_slice %arg8[%mul3A_189, %dma_wait3A_239] : memref<98x128xi32, #tpu.memory_space<vmem>> -> memref<1x128xi32, #tpu.memory_space<vmem>>
        %dma_wait3A_241 = tpu.memref_squeeze %dma_wait3A_240 : memref<1x128xi32, #tpu.memory_space<vmem>> -> memref<128xi32, #tpu.memory_space<vmem>>
        %dma_wait3A_242 = arith.constant 0 : i32
        %dma_wait3A_243 = arith.constant 0 : i32
        %dma_wait3A_244 = tpu.memref_slice %arg13[%dma_wait3A_242, %dma_wait3A_243] : memref<16128x64xf32, #tpu.memory_space<vmem_shared>> -> memref<16128x64xf32, #tpu.memory_space<vmem_shared>>
        tpu.wait_indirect_dma semaphore(%run_scoped3A_232 : memref<!tpu.dma_semaphore, #tpu.memory_space<semaphore_mem>>) src(%arg9 : memref<128x64xf32, #tpu.memory_space<vmem>>) dst(%dma_wait3A_244 : memref<16128x64xf32, #tpu.memory_space<vmem_shared>>)
        tpu.yield
      }) : () -> ()
      %eq3A_204 = arith.constant 0 : i32
      %eq3A_205 = arith.cmpi eq, %arg0, %eq3A_204 : i32
      %convert_element_type3A_206 = arith.extui %eq3A_205 : i1 to i32
      %cond3A_207 = arith.constant 0 : i32
      %cond3A_208 = arith.cmpi ne, %convert_element_type3A_206, %cond3A_207 : i32
      scf.if %cond3A_208 {
        "tpu.region"() ({
          %run_scoped3A_232 = tpu.sem_alloc : memref<!tpu.dma_semaphore, #tpu.memory_space<semaphore_mem>>
          %dma_start3A_233 = arith.constant 0 : i32
          %dma_start3A_234 = tpu.memref_slice %arg8[%mul3A_189, %dma_start3A_233] : memref<98x128xi32, #tpu.memory_space<vmem>> -> memref<1x128xi32, #tpu.memory_space<vmem>>
          %dma_start3A_235 = tpu.memref_squeeze %dma_start3A_234 : memref<1x128xi32, #tpu.memory_space<vmem>> -> memref<128xi32, #tpu.memory_space<vmem>>
          %dma_start3A_236 = arith.constant 0 : i32
          %dma_start3A_237 = tpu.memref_slice %arg14[%dma_start3A_236] : memref<16128xf32, #tpu.memory_space<vmem_shared>> -> memref<16128xf32, #tpu.memory_space<vmem_shared>>
          tpu.enqueue_indirect_dma source(%arg11 : memref<128xf32, #tpu.memory_space<vmem>>) target(%dma_start3A_237 : memref<16128xf32, #tpu.memory_space<vmem_shared>>) offsets(%dma_start3A_235 : memref<128xi32, #tpu.memory_space<vmem>>) semaphore(%run_scoped3A_232 : memref<!tpu.dma_semaphore, #tpu.memory_space<semaphore_mem>>) {add = true}
          %dma_wait3A_238 = arith.constant 0 : i32
          %dma_wait3A_239 = tpu.memref_slice %arg8[%mul3A_189, %dma_wait3A_238] : memref<98x128xi32, #tpu.memory_space<vmem>> -> memref<1x128xi32, #tpu.memory_space<vmem>>
          %dma_wait3A_240 = tpu.memref_squeeze %dma_wait3A_239 : memref<1x128xi32, #tpu.memory_space<vmem>> -> memref<128xi32, #tpu.memory_space<vmem>>
          %dma_wait3A_241 = arith.constant 0 : i32
          %dma_wait3A_242 = tpu.memref_slice %arg14[%dma_wait3A_241] : memref<16128xf32, #tpu.memory_space<vmem_shared>> -> memref<16128xf32, #tpu.memory_space<vmem_shared>>
          tpu.wait_indirect_dma semaphore(%run_scoped3A_232 : memref<!tpu.dma_semaphore, #tpu.memory_space<semaphore_mem>>) src(%arg11 : memref<128xf32, #tpu.memory_space<vmem>>) dst(%dma_wait3A_242 : memref<16128xf32, #tpu.memory_space<vmem_shared>>)
          tpu.yield
        }) : () -> ()
      } else {
      }
      %add3A_209 = arith.constant 2 : i32
      %add3A_210 = arith.addi %mul3A_189, %add3A_209 : i32
      %dma_start3A_211 = arith.constant 0 : i32
      %dma_start3A_212 = tpu.memref_slice %arg7[%add3A_210, %dma_start3A_211] : memref<98x128xi32, #tpu.memory_space<vmem>> -> memref<1x128xi32, #tpu.memory_space<vmem>>
      %dma_start3A_213 = tpu.memref_squeeze %dma_start3A_212 : memref<1x128xi32, #tpu.memory_space<vmem>> -> memref<128xi32, #tpu.memory_space<vmem>>
      %dma_start3A_214 = arith.constant 0 : i32
      %dma_start3A_215 = arith.constant 0 : i32
      %dma_start3A_216 = tpu.memref_slice %arg2[%dma_start3A_214, %dma_start3A_215] : memref<100000x64xf32, #tpu.memory_space<hbm>> -> memref<100000x64xf32, #tpu.memory_space<hbm>>
      tpu.enqueue_indirect_dma source(%dma_start3A_216 : memref<100000x64xf32, #tpu.memory_space<hbm>>) target(%arg9 : memref<128x64xf32, #tpu.memory_space<vmem>>) offsets(%dma_start3A_213 : memref<128xi32, #tpu.memory_space<vmem>>) semaphore(%arg15 : memref<!tpu.dma_semaphore, #tpu.memory_space<semaphore_mem>>)
      %add3A_217 = arith.constant 1 : i32
      %add3A_218 = arith.addi %mul3A_189, %add3A_217 : i32
      %dma_wait3A_219 = arith.constant 0 : i32
      %dma_wait3A_220 = tpu.memref_slice %arg7[%add3A_218, %dma_wait3A_219] : memref<98x128xi32, #tpu.memory_space<vmem>> -> memref<1x128xi32, #tpu.memory_space<vmem>>
      %dma_wait3A_221 = tpu.memref_squeeze %dma_wait3A_220 : memref<1x128xi32, #tpu.memory_space<vmem>> -> memref<128xi32, #tpu.memory_space<vmem>>
      %dma_wait3A_222 = arith.constant 0 : i32
      %dma_wait3A_223 = arith.constant 0 : i32
      %dma_wait3A_224 = tpu.memref_slice %arg2[%dma_wait3A_222, %dma_wait3A_223] : memref<100000x64xf32, #tpu.memory_space<hbm>> -> memref<100000x64xf32, #tpu.memory_space<hbm>>
      tpu.wait_indirect_dma semaphore(%arg16 : memref<!tpu.dma_semaphore, #tpu.memory_space<semaphore_mem>>) src(%dma_wait3A_224 : memref<100000x64xf32, #tpu.memory_space<hbm>>) dst(%arg10 : memref<128x64xf32, #tpu.memory_space<vmem>>)
      %add3A_225 = arith.constant 1 : i32
      %add3A_226 = arith.addi %mul3A_189, %add3A_225 : i32
      "tpu.region"() ({
        %run_scoped3A_232 = tpu.sem_alloc : memref<!tpu.dma_semaphore, #tpu.memory_space<semaphore_mem>>
        %dma_start3A_233 = arith.constant 0 : i32
        %dma_start3A_234 = tpu.memref_slice %arg8[%add3A_226, %dma_start3A_233] : memref<98x128xi32, #tpu.memory_space<vmem>> -> memref<1x128xi32, #tpu.memory_space<vmem>>
        %dma_start3A_235 = tpu.memref_squeeze %dma_start3A_234 : memref<1x128xi32, #tpu.memory_space<vmem>> -> memref<128xi32, #tpu.memory_space<vmem>>
        %dma_start3A_236 = arith.constant 0 : i32
        %dma_start3A_237 = arith.constant 0 : i32
        %dma_start3A_238 = tpu.memref_slice %arg13[%dma_start3A_236, %dma_start3A_237] : memref<16128x64xf32, #tpu.memory_space<vmem_shared>> -> memref<16128x64xf32, #tpu.memory_space<vmem_shared>>
        tpu.enqueue_indirect_dma source(%arg10 : memref<128x64xf32, #tpu.memory_space<vmem>>) target(%dma_start3A_238 : memref<16128x64xf32, #tpu.memory_space<vmem_shared>>) offsets(%dma_start3A_235 : memref<128xi32, #tpu.memory_space<vmem>>) semaphore(%run_scoped3A_232 : memref<!tpu.dma_semaphore, #tpu.memory_space<semaphore_mem>>) {add = true}
        %dma_wait3A_239 = arith.constant 0 : i32
        %dma_wait3A_240 = tpu.memref_slice %arg8[%add3A_226, %dma_wait3A_239] : memref<98x128xi32, #tpu.memory_space<vmem>> -> memref<1x128xi32, #tpu.memory_space<vmem>>
        %dma_wait3A_241 = tpu.memref_squeeze %dma_wait3A_240 : memref<1x128xi32, #tpu.memory_space<vmem>> -> memref<128xi32, #tpu.memory_space<vmem>>
        %dma_wait3A_242 = arith.constant 0 : i32
        %dma_wait3A_243 = arith.constant 0 : i32
        %dma_wait3A_244 = tpu.memref_slice %arg13[%dma_wait3A_242, %dma_wait3A_243] : memref<16128x64xf32, #tpu.memory_space<vmem_shared>> -> memref<16128x64xf32, #tpu.memory_space<vmem_shared>>
        tpu.wait_indirect_dma semaphore(%run_scoped3A_232 : memref<!tpu.dma_semaphore, #tpu.memory_space<semaphore_mem>>) src(%arg10 : memref<128x64xf32, #tpu.memory_space<vmem>>) dst(%dma_wait3A_244 : memref<16128x64xf32, #tpu.memory_space<vmem_shared>>)
        tpu.yield
      }) : () -> ()
      %eq3A_227 = arith.constant 0 : i32
      %eq3A_228 = arith.cmpi eq, %arg0, %eq3A_227 : i32
      %convert_element_type3A_229 = arith.extui %eq3A_228 : i1 to i32
      %cond3A_230 = arith.constant 0 : i32
      %cond3A_231 = arith.cmpi ne, %convert_element_type3A_229, %cond3A_230 : i32
      scf.if %cond3A_231 {
        "tpu.region"() ({
          %run_scoped3A_232 = tpu.sem_alloc : memref<!tpu.dma_semaphore, #tpu.memory_space<semaphore_mem>>
          %dma_start3A_233 = arith.constant 0 : i32
          %dma_start3A_234 = tpu.memref_slice %arg8[%add3A_226, %dma_start3A_233] : memref<98x128xi32, #tpu.memory_space<vmem>> -> memref<1x128xi32, #tpu.memory_space<vmem>>
          %dma_start3A_235 = tpu.memref_squeeze %dma_start3A_234 : memref<1x128xi32, #tpu.memory_space<vmem>> -> memref<128xi32, #tpu.memory_space<vmem>>
          %dma_start3A_236 = arith.constant 0 : i32
          %dma_start3A_237 = tpu.memref_slice %arg14[%dma_start3A_236] : memref<16128xf32, #tpu.memory_space<vmem_shared>> -> memref<16128xf32, #tpu.memory_space<vmem_shared>>
          tpu.enqueue_indirect_dma source(%arg11 : memref<128xf32, #tpu.memory_space<vmem>>) target(%dma_start3A_237 : memref<16128xf32, #tpu.memory_space<vmem_shared>>) offsets(%dma_start3A_235 : memref<128xi32, #tpu.memory_space<vmem>>) semaphore(%run_scoped3A_232 : memref<!tpu.dma_semaphore, #tpu.memory_space<semaphore_mem>>) {add = true}
          %dma_wait3A_238 = arith.constant 0 : i32
          %dma_wait3A_239 = tpu.memref_slice %arg8[%add3A_226, %dma_wait3A_238] : memref<98x128xi32, #tpu.memory_space<vmem>> -> memref<1x128xi32, #tpu.memory_space<vmem>>
          %dma_wait3A_240 = tpu.memref_squeeze %dma_wait3A_239 : memref<1x128xi32, #tpu.memory_space<vmem>> -> memref<128xi32, #tpu.memory_space<vmem>>
          %dma_wait3A_241 = arith.constant 0 : i32
          %dma_wait3A_242 = tpu.memref_slice %arg14[%dma_wait3A_241] : memref<16128xf32, #tpu.memory_space<vmem_shared>> -> memref<16128xf32, #tpu.memory_space<vmem_shared>>
          tpu.wait_indirect_dma semaphore(%run_scoped3A_232 : memref<!tpu.dma_semaphore, #tpu.memory_space<semaphore_mem>>) src(%arg11 : memref<128xf32, #tpu.memory_space<vmem>>) dst(%dma_wait3A_242 : memref<16128xf32, #tpu.memory_space<vmem_shared>>)
          tpu.yield
        }) : () -> ()
      } else {
      }
    }
    %scan3A_60 = arith.constant 48 : i32
    %dma_start3A_61 = arith.constant 97 : i32
    %dma_start3A_62 = arith.constant 0 : i32
    %dma_start3A_63 = tpu.memref_slice %arg7[%dma_start3A_61, %dma_start3A_62] : memref<98x128xi32, #tpu.memory_space<vmem>> -> memref<1x128xi32, #tpu.memory_space<vmem>>
    %dma_start3A_64 = tpu.memref_squeeze %dma_start3A_63 : memref<1x128xi32, #tpu.memory_space<vmem>> -> memref<128xi32, #tpu.memory_space<vmem>>
    %dma_start3A_65 = arith.constant 0 : i32
    %dma_start3A_66 = arith.constant 0 : i32
    %dma_start3A_67 = tpu.memref_slice %arg2[%dma_start3A_65, %dma_start3A_66] : memref<100000x64xf32, #tpu.memory_space<hbm>> -> memref<100000x64xf32, #tpu.memory_space<hbm>>
    tpu.enqueue_indirect_dma source(%dma_start3A_67 : memref<100000x64xf32, #tpu.memory_space<hbm>>) target(%arg10 : memref<128x64xf32, #tpu.memory_space<vmem>>) offsets(%dma_start3A_64 : memref<128xi32, #tpu.memory_space<vmem>>) semaphore(%arg16 : memref<!tpu.dma_semaphore, #tpu.memory_space<semaphore_mem>>)
    %dma_wait3A = arith.constant 96 : i32
    %dma_wait3A_68 = arith.constant 0 : i32
    %dma_wait3A_69 = tpu.memref_slice %arg7[%dma_wait3A, %dma_wait3A_68] : memref<98x128xi32, #tpu.memory_space<vmem>> -> memref<1x128xi32, #tpu.memory_space<vmem>>
    %dma_wait3A_70 = tpu.memref_squeeze %dma_wait3A_69 : memref<1x128xi32, #tpu.memory_space<vmem>> -> memref<128xi32, #tpu.memory_space<vmem>>
    %dma_wait3A_71 = arith.constant 0 : i32
    %dma_wait3A_72 = arith.constant 0 : i32
    %dma_wait3A_73 = tpu.memref_slice %arg2[%dma_wait3A_71, %dma_wait3A_72] : memref<100000x64xf32, #tpu.memory_space<hbm>> -> memref<100000x64xf32, #tpu.memory_space<hbm>>
    tpu.wait_indirect_dma semaphore(%arg15 : memref<!tpu.dma_semaphore, #tpu.memory_space<semaphore_mem>>) src(%dma_wait3A_73 : memref<100000x64xf32, #tpu.memory_space<hbm>>) dst(%arg9 : memref<128x64xf32, #tpu.memory_space<vmem>>)
    %run_scoped3A_74 = arith.constant 96 : i32
    "tpu.region"() ({
      %run_scoped3A_187 = tpu.sem_alloc : memref<!tpu.dma_semaphore, #tpu.memory_space<semaphore_mem>>
      %dma_start3A_188 = arith.constant 0 : i32
      %dma_start3A_189 = tpu.memref_slice %arg8[%run_scoped3A_74, %dma_start3A_188] : memref<98x128xi32, #tpu.memory_space<vmem>> -> memref<1x128xi32, #tpu.memory_space<vmem>>
      %dma_start3A_190 = tpu.memref_squeeze %dma_start3A_189 : memref<1x128xi32, #tpu.memory_space<vmem>> -> memref<128xi32, #tpu.memory_space<vmem>>
      %dma_start3A_191 = arith.constant 0 : i32
      %dma_start3A_192 = arith.constant 0 : i32
      %dma_start3A_193 = tpu.memref_slice %arg13[%dma_start3A_191, %dma_start3A_192] : memref<16128x64xf32, #tpu.memory_space<vmem_shared>> -> memref<16128x64xf32, #tpu.memory_space<vmem_shared>>
      tpu.enqueue_indirect_dma source(%arg9 : memref<128x64xf32, #tpu.memory_space<vmem>>) target(%dma_start3A_193 : memref<16128x64xf32, #tpu.memory_space<vmem_shared>>) offsets(%dma_start3A_190 : memref<128xi32, #tpu.memory_space<vmem>>) semaphore(%run_scoped3A_187 : memref<!tpu.dma_semaphore, #tpu.memory_space<semaphore_mem>>) {add = true}
      %dma_wait3A_194 = arith.constant 0 : i32
      %dma_wait3A_195 = tpu.memref_slice %arg8[%run_scoped3A_74, %dma_wait3A_194] : memref<98x128xi32, #tpu.memory_space<vmem>> -> memref<1x128xi32, #tpu.memory_space<vmem>>
      %dma_wait3A_196 = tpu.memref_squeeze %dma_wait3A_195 : memref<1x128xi32, #tpu.memory_space<vmem>> -> memref<128xi32, #tpu.memory_space<vmem>>
      %dma_wait3A_197 = arith.constant 0 : i32
      %dma_wait3A_198 = arith.constant 0 : i32
      %dma_wait3A_199 = tpu.memref_slice %arg13[%dma_wait3A_197, %dma_wait3A_198] : memref<16128x64xf32, #tpu.memory_space<vmem_shared>> -> memref<16128x64xf32, #tpu.memory_space<vmem_shared>>
      tpu.wait_indirect_dma semaphore(%run_scoped3A_187 : memref<!tpu.dma_semaphore, #tpu.memory_space<semaphore_mem>>) src(%arg9 : memref<128x64xf32, #tpu.memory_space<vmem>>) dst(%dma_wait3A_199 : memref<16128x64xf32, #tpu.memory_space<vmem_shared>>)
      tpu.yield
    }) : () -> ()
    %eq3A = arith.constant 0 : i32
    %eq3A_75 = arith.cmpi eq, %arg0, %eq3A : i32
    %convert_element_type3A = arith.extui %eq3A_75 : i1 to i32
    %cond3A = arith.constant 0 : i32
    %cond3A_76 = arith.cmpi ne, %convert_element_type3A, %cond3A : i32
    scf.if %cond3A_76 {
      %run_scoped3A_187 = arith.constant 96 : i32
      "tpu.region"() ({
        %run_scoped3A_188 = tpu.sem_alloc : memref<!tpu.dma_semaphore, #tpu.memory_space<semaphore_mem>>
        %dma_start3A_189 = arith.constant 0 : i32
        %dma_start3A_190 = tpu.memref_slice %arg8[%run_scoped3A_187, %dma_start3A_189] : memref<98x128xi32, #tpu.memory_space<vmem>> -> memref<1x128xi32, #tpu.memory_space<vmem>>
        %dma_start3A_191 = tpu.memref_squeeze %dma_start3A_190 : memref<1x128xi32, #tpu.memory_space<vmem>> -> memref<128xi32, #tpu.memory_space<vmem>>
        %dma_start3A_192 = arith.constant 0 : i32
        %dma_start3A_193 = tpu.memref_slice %arg14[%dma_start3A_192] : memref<16128xf32, #tpu.memory_space<vmem_shared>> -> memref<16128xf32, #tpu.memory_space<vmem_shared>>
        tpu.enqueue_indirect_dma source(%arg11 : memref<128xf32, #tpu.memory_space<vmem>>) target(%dma_start3A_193 : memref<16128xf32, #tpu.memory_space<vmem_shared>>) offsets(%dma_start3A_191 : memref<128xi32, #tpu.memory_space<vmem>>) semaphore(%run_scoped3A_188 : memref<!tpu.dma_semaphore, #tpu.memory_space<semaphore_mem>>) {add = true}
        %dma_wait3A_194 = arith.constant 0 : i32
        %dma_wait3A_195 = tpu.memref_slice %arg8[%run_scoped3A_187, %dma_wait3A_194] : memref<98x128xi32, #tpu.memory_space<vmem>> -> memref<1x128xi32, #tpu.memory_space<vmem>>
        %dma_wait3A_196 = tpu.memref_squeeze %dma_wait3A_195 : memref<1x128xi32, #tpu.memory_space<vmem>> -> memref<128xi32, #tpu.memory_space<vmem>>
        %dma_wait3A_197 = arith.constant 0 : i32
        %dma_wait3A_198 = tpu.memref_slice %arg14[%dma_wait3A_197] : memref<16128xf32, #tpu.memory_space<vmem_shared>> -> memref<16128xf32, #tpu.memory_space<vmem_shared>>
        tpu.wait_indirect_dma semaphore(%run_scoped3A_188 : memref<!tpu.dma_semaphore, #tpu.memory_space<semaphore_mem>>) src(%arg11 : memref<128xf32, #tpu.memory_space<vmem>>) dst(%dma_wait3A_198 : memref<16128xf32, #tpu.memory_space<vmem_shared>>)
        tpu.yield
      }) : () -> ()
    } else {
    }
    %dma_wait3A_77 = arith.constant 97 : i32
    %dma_wait3A_78 = arith.constant 0 : i32
    %dma_wait3A_79 = tpu.memref_slice %arg7[%dma_wait3A_77, %dma_wait3A_78] : memref<98x128xi32, #tpu.memory_space<vmem>> -> memref<1x128xi32, #tpu.memory_space<vmem>>
    %dma_wait3A_80 = tpu.memref_squeeze %dma_wait3A_79 : memref<1x128xi32, #tpu.memory_space<vmem>> -> memref<128xi32, #tpu.memory_space<vmem>>
    %dma_wait3A_81 = arith.constant 0 : i32
    %dma_wait3A_82 = arith.constant 0 : i32
    %dma_wait3A_83 = tpu.memref_slice %arg2[%dma_wait3A_81, %dma_wait3A_82] : memref<100000x64xf32, #tpu.memory_space<hbm>> -> memref<100000x64xf32, #tpu.memory_space<hbm>>
    tpu.wait_indirect_dma semaphore(%arg16 : memref<!tpu.dma_semaphore, #tpu.memory_space<semaphore_mem>>) src(%dma_wait3A_83 : memref<100000x64xf32, #tpu.memory_space<hbm>>) dst(%arg10 : memref<128x64xf32, #tpu.memory_space<vmem>>)
    %run_scoped3A_84 = arith.constant 97 : i32
    "tpu.region"() ({
      %run_scoped3A_187 = tpu.sem_alloc : memref<!tpu.dma_semaphore, #tpu.memory_space<semaphore_mem>>
      %dma_start3A_188 = arith.constant 0 : i32
      %dma_start3A_189 = tpu.memref_slice %arg8[%run_scoped3A_84, %dma_start3A_188] : memref<98x128xi32, #tpu.memory_space<vmem>> -> memref<1x128xi32, #tpu.memory_space<vmem>>
      %dma_start3A_190 = tpu.memref_squeeze %dma_start3A_189 : memref<1x128xi32, #tpu.memory_space<vmem>> -> memref<128xi32, #tpu.memory_space<vmem>>
      %dma_start3A_191 = arith.constant 0 : i32
      %dma_start3A_192 = arith.constant 0 : i32
      %dma_start3A_193 = tpu.memref_slice %arg13[%dma_start3A_191, %dma_start3A_192] : memref<16128x64xf32, #tpu.memory_space<vmem_shared>> -> memref<16128x64xf32, #tpu.memory_space<vmem_shared>>
      tpu.enqueue_indirect_dma source(%arg10 : memref<128x64xf32, #tpu.memory_space<vmem>>) target(%dma_start3A_193 : memref<16128x64xf32, #tpu.memory_space<vmem_shared>>) offsets(%dma_start3A_190 : memref<128xi32, #tpu.memory_space<vmem>>) semaphore(%run_scoped3A_187 : memref<!tpu.dma_semaphore, #tpu.memory_space<semaphore_mem>>) {add = true}
      %dma_wait3A_194 = arith.constant 0 : i32
      %dma_wait3A_195 = tpu.memref_slice %arg8[%run_scoped3A_84, %dma_wait3A_194] : memref<98x128xi32, #tpu.memory_space<vmem>> -> memref<1x128xi32, #tpu.memory_space<vmem>>
      %dma_wait3A_196 = tpu.memref_squeeze %dma_wait3A_195 : memref<1x128xi32, #tpu.memory_space<vmem>> -> memref<128xi32, #tpu.memory_space<vmem>>
      %dma_wait3A_197 = arith.constant 0 : i32
      %dma_wait3A_198 = arith.constant 0 : i32
      %dma_wait3A_199 = tpu.memref_slice %arg13[%dma_wait3A_197, %dma_wait3A_198] : memref<16128x64xf32, #tpu.memory_space<vmem_shared>> -> memref<16128x64xf32, #tpu.memory_space<vmem_shared>>
      tpu.wait_indirect_dma semaphore(%run_scoped3A_187 : memref<!tpu.dma_semaphore, #tpu.memory_space<semaphore_mem>>) src(%arg10 : memref<128x64xf32, #tpu.memory_space<vmem>>) dst(%dma_wait3A_199 : memref<16128x64xf32, #tpu.memory_space<vmem_shared>>)
      tpu.yield
    }) : () -> ()
    %eq3A_85 = arith.constant 0 : i32
    %eq3A_86 = arith.cmpi eq, %arg0, %eq3A_85 : i32
    %convert_element_type3A_87 = arith.extui %eq3A_86 : i1 to i32
    %cond3A_88 = arith.constant 0 : i32
    %cond3A_89 = arith.cmpi ne, %convert_element_type3A_87, %cond3A_88 : i32
    scf.if %cond3A_89 {
      %run_scoped3A_187 = arith.constant 97 : i32
      "tpu.region"() ({
        %run_scoped3A_188 = tpu.sem_alloc : memref<!tpu.dma_semaphore, #tpu.memory_space<semaphore_mem>>
        %dma_start3A_189 = arith.constant 0 : i32
        %dma_start3A_190 = tpu.memref_slice %arg8[%run_scoped3A_187, %dma_start3A_189] : memref<98x128xi32, #tpu.memory_space<vmem>> -> memref<1x128xi32, #tpu.memory_space<vmem>>
        %dma_start3A_191 = tpu.memref_squeeze %dma_start3A_190 : memref<1x128xi32, #tpu.memory_space<vmem>> -> memref<128xi32, #tpu.memory_space<vmem>>
        %dma_start3A_192 = arith.constant 0 : i32
        %dma_start3A_193 = tpu.memref_slice %arg14[%dma_start3A_192] : memref<16128xf32, #tpu.memory_space<vmem_shared>> -> memref<16128xf32, #tpu.memory_space<vmem_shared>>
        tpu.enqueue_indirect_dma source(%arg11 : memref<128xf32, #tpu.memory_space<vmem>>) target(%dma_start3A_193 : memref<16128xf32, #tpu.memory_space<vmem_shared>>) offsets(%dma_start3A_191 : memref<128xi32, #tpu.memory_space<vmem>>) semaphore(%run_scoped3A_188 : memref<!tpu.dma_semaphore, #tpu.memory_space<semaphore_mem>>) {add = true}
        %dma_wait3A_194 = arith.constant 0 : i32
        %dma_wait3A_195 = tpu.memref_slice %arg8[%run_scoped3A_187, %dma_wait3A_194] : memref<98x128xi32, #tpu.memory_space<vmem>> -> memref<1x128xi32, #tpu.memory_space<vmem>>
        %dma_wait3A_196 = tpu.memref_squeeze %dma_wait3A_195 : memref<1x128xi32, #tpu.memory_space<vmem>> -> memref<128xi32, #tpu.memory_space<vmem>>
        %dma_wait3A_197 = arith.constant 0 : i32
        %dma_wait3A_198 = tpu.memref_slice %arg14[%dma_wait3A_197] : memref<16128xf32, #tpu.memory_space<vmem_shared>> -> memref<16128xf32, #tpu.memory_space<vmem_shared>>
        tpu.wait_indirect_dma semaphore(%run_scoped3A_188 : memref<!tpu.dma_semaphore, #tpu.memory_space<semaphore_mem>>) src(%arg11 : memref<128xf32, #tpu.memory_space<vmem>>) dst(%dma_wait3A_198 : memref<16128xf32, #tpu.memory_space<vmem_shared>>)
        tpu.yield
      }) : () -> ()
    } else {
    }
    %run_scoped3A_90 = arith.constant 1 : i32
    "tpu.region"() ({
      %run_scoped3A_187 = tpu.sem_alloc : memref<!tpu.dma_semaphore, #tpu.memory_space<semaphore_mem>>
      %dma_start3A_188 = arith.constant 0 : i32
      %dma_start3A_189 = arith.constant 0 : i32
      %dma_start3A_190 = tpu.memref_slice %arg3[%arg1, %run_scoped3A_90, %dma_start3A_188, %dma_start3A_189] : memref<16x2x98x128xi32, #tpu.memory_space<hbm>> -> memref<1x1x98x128xi32, #tpu.memory_space<hbm>>
      %dma_start3A_191 = tpu.memref_squeeze %dma_start3A_190 : memref<1x1x98x128xi32, #tpu.memory_space<hbm>> -> memref<98x128xi32, #tpu.memory_space<hbm>>
      %dma_start3A_192 = arith.constant 0 : i32
      %dma_start3A_193 = arith.constant 0 : i32
      %dma_start3A_194 = tpu.memref_slice %arg3[%arg1, %run_scoped3A_90, %dma_start3A_192, %dma_start3A_193] : memref<16x2x98x128xi32, #tpu.memory_space<hbm>> -> memref<1x1x98x128xi32, #tpu.memory_space<hbm>>
      %dma_start3A_195 = tpu.memref_squeeze %dma_start3A_194 : memref<1x1x98x128xi32, #tpu.memory_space<hbm>> -> memref<98x128xi32, #tpu.memory_space<hbm>>
      tpu.enqueue_dma source(%dma_start3A_195 : memref<98x128xi32, #tpu.memory_space<hbm>>) target(%arg7 : memref<98x128xi32, #tpu.memory_space<vmem>>) target_semaphore(%run_scoped3A_187 : memref<!tpu.dma_semaphore, #tpu.memory_space<semaphore_mem>>)
      %dma_wait3A_196 = arith.constant 0 : i32
      %dma_wait3A_197 = arith.constant 0 : i32
      %dma_wait3A_198 = tpu.memref_slice %arg3[%arg1, %run_scoped3A_90, %dma_wait3A_196, %dma_wait3A_197] : memref<16x2x98x128xi32, #tpu.memory_space<hbm>> -> memref<1x1x98x128xi32, #tpu.memory_space<hbm>>
      %dma_wait3A_199 = tpu.memref_squeeze %dma_wait3A_198 : memref<1x1x98x128xi32, #tpu.memory_space<hbm>> -> memref<98x128xi32, #tpu.memory_space<hbm>>
      %dma_wait3A_200 = arith.constant 0 : i32
      %dma_wait3A_201 = arith.constant 0 : i32
      %dma_wait3A_202 = tpu.memref_slice %arg3[%arg1, %run_scoped3A_90, %dma_wait3A_200, %dma_wait3A_201] : memref<16x2x98x128xi32, #tpu.memory_space<hbm>> -> memref<1x1x98x128xi32, #tpu.memory_space<hbm>>
      %dma_wait3A_203 = tpu.memref_squeeze %dma_wait3A_202 : memref<1x1x98x128xi32, #tpu.memory_space<hbm>> -> memref<98x128xi32, #tpu.memory_space<hbm>>
      tpu.wait_dma2 semaphore(%run_scoped3A_187 : memref<!tpu.dma_semaphore, #tpu.memory_space<semaphore_mem>>) src(%dma_wait3A_203 : memref<98x128xi32, #tpu.memory_space<hbm>>) dst(%arg7 : memref<98x128xi32, #tpu.memory_space<vmem>>)
      tpu.yield
    }) : () -> ()
    %run_scoped3A_91 = arith.constant 1 : i32
    "tpu.region"() ({
      %run_scoped3A_187 = tpu.sem_alloc : memref<!tpu.dma_semaphore, #tpu.memory_space<semaphore_mem>>
      %dma_start3A_188 = arith.constant 0 : i32
      %dma_start3A_189 = arith.constant 0 : i32
      %dma_start3A_190 = tpu.memref_slice %arg4[%arg1, %run_scoped3A_91, %dma_start3A_188, %dma_start3A_189] : memref<16x2x98x128xi32, #tpu.memory_space<hbm>> -> memref<1x1x98x128xi32, #tpu.memory_space<hbm>>
      %dma_start3A_191 = tpu.memref_squeeze %dma_start3A_190 : memref<1x1x98x128xi32, #tpu.memory_space<hbm>> -> memref<98x128xi32, #tpu.memory_space<hbm>>
      %dma_start3A_192 = arith.constant 0 : i32
      %dma_start3A_193 = arith.constant 0 : i32
      %dma_start3A_194 = tpu.memref_slice %arg4[%arg1, %run_scoped3A_91, %dma_start3A_192, %dma_start3A_193] : memref<16x2x98x128xi32, #tpu.memory_space<hbm>> -> memref<1x1x98x128xi32, #tpu.memory_space<hbm>>
      %dma_start3A_195 = tpu.memref_squeeze %dma_start3A_194 : memref<1x1x98x128xi32, #tpu.memory_space<hbm>> -> memref<98x128xi32, #tpu.memory_space<hbm>>
      tpu.enqueue_dma source(%dma_start3A_195 : memref<98x128xi32, #tpu.memory_space<hbm>>) target(%arg8 : memref<98x128xi32, #tpu.memory_space<vmem>>) target_semaphore(%run_scoped3A_187 : memref<!tpu.dma_semaphore, #tpu.memory_space<semaphore_mem>>)
      %dma_wait3A_196 = arith.constant 0 : i32
      %dma_wait3A_197 = arith.constant 0 : i32
      %dma_wait3A_198 = tpu.memref_slice %arg4[%arg1, %run_scoped3A_91, %dma_wait3A_196, %dma_wait3A_197] : memref<16x2x98x128xi32, #tpu.memory_space<hbm>> -> memref<1x1x98x128xi32, #tpu.memory_space<hbm>>
      %dma_wait3A_199 = tpu.memref_squeeze %dma_wait3A_198 : memref<1x1x98x128xi32, #tpu.memory_space<hbm>> -> memref<98x128xi32, #tpu.memory_space<hbm>>
      %dma_wait3A_200 = arith.constant 0 : i32
      %dma_wait3A_201 = arith.constant 0 : i32
      %dma_wait3A_202 = tpu.memref_slice %arg4[%arg1, %run_scoped3A_91, %dma_wait3A_200, %dma_wait3A_201] : memref<16x2x98x128xi32, #tpu.memory_space<hbm>> -> memref<1x1x98x128xi32, #tpu.memory_space<hbm>>
      %dma_wait3A_203 = tpu.memref_squeeze %dma_wait3A_202 : memref<1x1x98x128xi32, #tpu.memory_space<hbm>> -> memref<98x128xi32, #tpu.memory_space<hbm>>
      tpu.wait_dma2 semaphore(%run_scoped3A_187 : memref<!tpu.dma_semaphore, #tpu.memory_space<semaphore_mem>>) src(%dma_wait3A_203 : memref<98x128xi32, #tpu.memory_space<hbm>>) dst(%arg8 : memref<98x128xi32, #tpu.memory_space<vmem>>)
      tpu.yield
    }) : () -> ()
    %scan3A_92 = arith.constant 0 : i32
    %scan3A_93 = arith.constant 0 : i32
    %scan3A_94 = arith.constant 98 : i32
    %scan3A_95 = arith.addi %scan3A_93, %scan3A_94 : i32
    %scan3A_96 = arith.constant 1 : i32
    scf.for %scan3A_187 = %scan3A_93 to %scan3A_95 step %scan3A_96  : i32 {
      %get3A = arith.index_cast %scan3A_187 : i32 to index
      %get3A_188 = arith.constant 0 : index
      %get3A_189 = tpu.vector_load %arg7[%get3A, %get3A_188] {strides = array<i32>} : memref<98x128xi32, #tpu.memory_space<vmem>>, vector<1x16xi32>,
      %get3A_190 = vector.shape_cast %get3A_189 : vector<1x16xi32> to vector<16xi32>
      %mul3A_191 = arith.muli %get3A_190, %broadcast_in_dim3A_41 : vector<16xi32>
      %add3A_192 = vector.broadcast %arg0 : i32 to vector<16xi32>
      %add3A_193 = arith.addi %mul3A_191, %add3A_192 : vector<16xi32>
      %swap3A = arith.index_cast %scan3A_187 : i32 to index
      %swap3A_194 = arith.constant 0 : index
      %swap3A_195 = tpu.vector_load %arg7[%swap3A, %swap3A_194] {strides = array<i32>} : memref<98x128xi32, #tpu.memory_space<vmem>>, vector<1x16xi32>,
      %swap3A_196 = vector.shape_cast %swap3A_195 : vector<1x16xi32> to vector<16xi32>
      %swap3A_197 = vector.shape_cast %add3A_193 : vector<16xi32> to vector<1x16xi32>
      tpu.vector_store %arg7[%swap3A, %swap3A_194], %swap3A_197 {strides = array<i32>} : memref<98x128xi32, #tpu.memory_space<vmem>>, vector<1x16xi32>,
      %get3A_198 = arith.index_cast %scan3A_187 : i32 to index
      %get3A_199 = arith.constant 16 : index
      %get3A_200 = tpu.vector_load %arg7[%get3A_198, %get3A_199] {strides = array<i32>} : memref<98x128xi32, #tpu.memory_space<vmem>>, vector<1x16xi32>,
      %get3A_201 = vector.shape_cast %get3A_200 : vector<1x16xi32> to vector<16xi32>
      %mul3A_202 = arith.muli %get3A_201, %broadcast_in_dim3A_41 : vector<16xi32>
      %add3A_203 = vector.broadcast %arg0 : i32 to vector<16xi32>
      %add3A_204 = arith.addi %mul3A_202, %add3A_203 : vector<16xi32>
      %swap3A_205 = arith.index_cast %scan3A_187 : i32 to index
      %swap3A_206 = arith.constant 16 : index
      %swap3A_207 = tpu.vector_load %arg7[%swap3A_205, %swap3A_206] {strides = array<i32>} : memref<98x128xi32, #tpu.memory_space<vmem>>, vector<1x16xi32>,
      %swap3A_208 = vector.shape_cast %swap3A_207 : vector<1x16xi32> to vector<16xi32>
      %swap3A_209 = vector.shape_cast %add3A_204 : vector<16xi32> to vector<1x16xi32>
      tpu.vector_store %arg7[%swap3A_205, %swap3A_206], %swap3A_209 {strides = array<i32>} : memref<98x128xi32, #tpu.memory_space<vmem>>, vector<1x16xi32>,
      %get3A_210 = arith.index_cast %scan3A_187 : i32 to index
      %get3A_211 = arith.constant 32 : index
      %get3A_212 = tpu.vector_load %arg7[%get3A_210, %get3A_211] {strides = array<i32>} : memref<98x128xi32, #tpu.memory_space<vmem>>, vector<1x16xi32>,
      %get3A_213 = vector.shape_cast %get3A_212 : vector<1x16xi32> to vector<16xi32>
      %mul3A_214 = arith.muli %get3A_213, %broadcast_in_dim3A_41 : vector<16xi32>
      %add3A_215 = vector.broadcast %arg0 : i32 to vector<16xi32>
      %add3A_216 = arith.addi %mul3A_214, %add3A_215 : vector<16xi32>
      %swap3A_217 = arith.index_cast %scan3A_187 : i32 to index
      %swap3A_218 = arith.constant 32 : index
      %swap3A_219 = tpu.vector_load %arg7[%swap3A_217, %swap3A_218] {strides = array<i32>} : memref<98x128xi32, #tpu.memory_space<vmem>>, vector<1x16xi32>,
      %swap3A_220 = vector.shape_cast %swap3A_219 : vector<1x16xi32> to vector<16xi32>
      %swap3A_221 = vector.shape_cast %add3A_216 : vector<16xi32> to vector<1x16xi32>
      tpu.vector_store %arg7[%swap3A_217, %swap3A_218], %swap3A_221 {strides = array<i32>} : memref<98x128xi32, #tpu.memory_space<vmem>>, vector<1x16xi32>,
      %get3A_222 = arith.index_cast %scan3A_187 : i32 to index
      %get3A_223 = arith.constant 48 : index
      %get3A_224 = tpu.vector_load %arg7[%get3A_222, %get3A_223] {strides = array<i32>} : memref<98x128xi32, #tpu.memory_space<vmem>>, vector<1x16xi32>,
      %get3A_225 = vector.shape_cast %get3A_224 : vector<1x16xi32> to vector<16xi32>
      %mul3A_226 = arith.muli %get3A_225, %broadcast_in_dim3A_41 : vector<16xi32>
      %add3A_227 = vector.broadcast %arg0 : i32 to vector<16xi32>
      %add3A_228 = arith.addi %mul3A_226, %add3A_227 : vector<16xi32>
      %swap3A_229 = arith.index_cast %scan3A_187 : i32 to index
      %swap3A_230 = arith.constant 48 : index
      %swap3A_231 = tpu.vector_load %arg7[%swap3A_229, %swap3A_230] {strides = array<i32>} : memref<98x128xi32, #tpu.memory_space<vmem>>, vector<1x16xi32>,
      %swap3A_232 = vector.shape_cast %swap3A_231 : vector<1x16xi32> to vector<16xi32>
      %swap3A_233 = vector.shape_cast %add3A_228 : vector<16xi32> to vector<1x16xi32>
      tpu.vector_store %arg7[%swap3A_229, %swap3A_230], %swap3A_233 {strides = array<i32>} : memref<98x128xi32, #tpu.memory_space<vmem>>, vector<1x16xi32>,
      %get3A_234 = arith.index_cast %scan3A_187 : i32 to index
      %get3A_235 = arith.constant 64 : index
      %get3A_236 = tpu.vector_load %arg7[%get3A_234, %get3A_235] {strides = array<i32>} : memref<98x128xi32, #tpu.memory_space<vmem>>, vector<1x16xi32>,
      %get3A_237 = vector.shape_cast %get3A_236 : vector<1x16xi32> to vector<16xi32>
      %mul3A_238 = arith.muli %get3A_237, %broadcast_in_dim3A_41 : vector<16xi32>
      %add3A_239 = vector.broadcast %arg0 : i32 to vector<16xi32>
      %add3A_240 = arith.addi %mul3A_238, %add3A_239 : vector<16xi32>
      %swap3A_241 = arith.index_cast %scan3A_187 : i32 to index
      %swap3A_242 = arith.constant 64 : index
      %swap3A_243 = tpu.vector_load %arg7[%swap3A_241, %swap3A_242] {strides = array<i32>} : memref<98x128xi32, #tpu.memory_space<vmem>>, vector<1x16xi32>,
      %swap3A_244 = vector.shape_cast %swap3A_243 : vector<1x16xi32> to vector<16xi32>
      %swap3A_245 = vector.shape_cast %add3A_240 : vector<16xi32> to vector<1x16xi32>
      tpu.vector_store %arg7[%swap3A_241, %swap3A_242], %swap3A_245 {strides = array<i32>} : memref<98x128xi32, #tpu.memory_space<vmem>>, vector<1x16xi32>,
      %get3A_246 = arith.index_cast %scan3A_187 : i32 to index
      %get3A_247 = arith.constant 80 : index
      %get3A_248 = tpu.vector_load %arg7[%get3A_246, %get3A_247] {strides = array<i32>} : memref<98x128xi32, #tpu.memory_space<vmem>>, vector<1x16xi32>,
      %get3A_249 = vector.shape_cast %get3A_248 : vector<1x16xi32> to vector<16xi32>
      %mul3A_250 = arith.muli %get3A_249, %broadcast_in_dim3A_41 : vector<16xi32>
      %add3A_251 = vector.broadcast %arg0 : i32 to vector<16xi32>
      %add3A_252 = arith.addi %mul3A_250, %add3A_251 : vector<16xi32>
      %swap3A_253 = arith.index_cast %scan3A_187 : i32 to index
      %swap3A_254 = arith.constant 80 : index
      %swap3A_255 = tpu.vector_load %arg7[%swap3A_253, %swap3A_254] {strides = array<i32>} : memref<98x128xi32, #tpu.memory_space<vmem>>, vector<1x16xi32>,
      %swap3A_256 = vector.shape_cast %swap3A_255 : vector<1x16xi32> to vector<16xi32>
      %swap3A_257 = vector.shape_cast %add3A_252 : vector<16xi32> to vector<1x16xi32>
      tpu.vector_store %arg7[%swap3A_253, %swap3A_254], %swap3A_257 {strides = array<i32>} : memref<98x128xi32, #tpu.memory_space<vmem>>, vector<1x16xi32>,
      %get3A_258 = arith.index_cast %scan3A_187 : i32 to index
      %get3A_259 = arith.constant 96 : index
      %get3A_260 = tpu.vector_load %arg7[%get3A_258, %get3A_259] {strides = array<i32>} : memref<98x128xi32, #tpu.memory_space<vmem>>, vector<1x16xi32>,
      %get3A_261 = vector.shape_cast %get3A_260 : vector<1x16xi32> to vector<16xi32>
      %mul3A_262 = arith.muli %get3A_261, %broadcast_in_dim3A_41 : vector<16xi32>
      %add3A_263 = vector.broadcast %arg0 : i32 to vector<16xi32>
      %add3A_264 = arith.addi %mul3A_262, %add3A_263 : vector<16xi32>
      %swap3A_265 = arith.index_cast %scan3A_187 : i32 to index
      %swap3A_266 = arith.constant 96 : index
      %swap3A_267 = tpu.vector_load %arg7[%swap3A_265, %swap3A_266] {strides = array<i32>} : memref<98x128xi32, #tpu.memory_space<vmem>>, vector<1x16xi32>,
      %swap3A_268 = vector.shape_cast %swap3A_267 : vector<1x16xi32> to vector<16xi32>
      %swap3A_269 = vector.shape_cast %add3A_264 : vector<16xi32> to vector<1x16xi32>
      tpu.vector_store %arg7[%swap3A_265, %swap3A_266], %swap3A_269 {strides = array<i32>} : memref<98x128xi32, #tpu.memory_space<vmem>>, vector<1x16xi32>,
      %get3A_270 = arith.index_cast %scan3A_187 : i32 to index
      %get3A_271 = arith.constant 112 : index
      %get3A_272 = tpu.vector_load %arg7[%get3A_270, %get3A_271] {strides = array<i32>} : memref<98x128xi32, #tpu.memory_space<vmem>>, vector<1x16xi32>,
      %get3A_273 = vector.shape_cast %get3A_272 : vector<1x16xi32> to vector<16xi32>
      %mul3A_274 = arith.muli %get3A_273, %broadcast_in_dim3A_41 : vector<16xi32>
      %add3A_275 = vector.broadcast %arg0 : i32 to vector<16xi32>
      %add3A_276 = arith.addi %mul3A_274, %add3A_275 : vector<16xi32>
      %swap3A_277 = arith.index_cast %scan3A_187 : i32 to index
      %swap3A_278 = arith.constant 112 : index
      %swap3A_279 = tpu.vector_load %arg7[%swap3A_277, %swap3A_278] {strides = array<i32>} : memref<98x128xi32, #tpu.memory_space<vmem>>, vector<1x16xi32>,
      %swap3A_280 = vector.shape_cast %swap3A_279 : vector<1x16xi32> to vector<16xi32>
      %swap3A_281 = vector.shape_cast %add3A_276 : vector<16xi32> to vector<1x16xi32>
      tpu.vector_store %arg7[%swap3A_277, %swap3A_278], %swap3A_281 {strides = array<i32>} : memref<98x128xi32, #tpu.memory_space<vmem>>, vector<1x16xi32>,
    }
    %scan3A_97 = arith.constant 98 : i32
    %dma_start3A_98 = arith.constant 0 : i32
    %dma_start3A_99 = arith.constant 0 : i32
    %dma_start3A_100 = tpu.memref_slice %arg7[%dma_start3A_98, %dma_start3A_99] : memref<98x128xi32, #tpu.memory_space<vmem>> -> memref<1x128xi32, #tpu.memory_space<vmem>>
    %dma_start3A_101 = tpu.memref_squeeze %dma_start3A_100 : memref<1x128xi32, #tpu.memory_space<vmem>> -> memref<128xi32, #tpu.memory_space<vmem>>
    %dma_start3A_102 = arith.constant 0 : i32
    %dma_start3A_103 = arith.constant 0 : i32
    %dma_start3A_104 = tpu.memref_slice %arg2[%dma_start3A_102, %dma_start3A_103] : memref<100000x64xf32, #tpu.memory_space<hbm>> -> memref<100000x64xf32, #tpu.memory_space<hbm>>
    tpu.enqueue_indirect_dma source(%dma_start3A_104 : memref<100000x64xf32, #tpu.memory_space<hbm>>) target(%arg9 : memref<128x64xf32, #tpu.memory_space<vmem>>) offsets(%dma_start3A_101 : memref<128xi32, #tpu.memory_space<vmem>>) semaphore(%arg15 : memref<!tpu.dma_semaphore, #tpu.memory_space<semaphore_mem>>)
    %scan3A_105 = arith.constant 0 : i32
    %scan3A_106 = arith.constant 0 : i32
    %scan3A_107 = arith.constant 48 : i32
    %scan3A_108 = arith.addi %scan3A_106, %scan3A_107 : i32
    %scan3A_109 = arith.constant 1 : i32
    scf.for %scan3A_187 = %scan3A_106 to %scan3A_108 step %scan3A_109  : i32 {
      %mul3A_188 = arith.constant 2 : i32
      %mul3A_189 = arith.muli %mul3A_188, %scan3A_187 : i32
      %add3A_190 = arith.constant 1 : i32
      %add3A_191 = arith.addi %mul3A_189, %add3A_190 : i32
      %dma_start3A_192 = arith.constant 0 : i32
      %dma_start3A_193 = tpu.memref_slice %arg7[%add3A_191, %dma_start3A_192] : memref<98x128xi32, #tpu.memory_space<vmem>> -> memref<1x128xi32, #tpu.memory_space<vmem>>
      %dma_start3A_194 = tpu.memref_squeeze %dma_start3A_193 : memref<1x128xi32, #tpu.memory_space<vmem>> -> memref<128xi32, #tpu.memory_space<vmem>>
      %dma_start3A_195 = arith.constant 0 : i32
      %dma_start3A_196 = arith.constant 0 : i32
      %dma_start3A_197 = tpu.memref_slice %arg2[%dma_start3A_195, %dma_start3A_196] : memref<100000x64xf32, #tpu.memory_space<hbm>> -> memref<100000x64xf32, #tpu.memory_space<hbm>>
      tpu.enqueue_indirect_dma source(%dma_start3A_197 : memref<100000x64xf32, #tpu.memory_space<hbm>>) target(%arg10 : memref<128x64xf32, #tpu.memory_space<vmem>>) offsets(%dma_start3A_194 : memref<128xi32, #tpu.memory_space<vmem>>) semaphore(%arg16 : memref<!tpu.dma_semaphore, #tpu.memory_space<semaphore_mem>>)
      %dma_wait3A_198 = arith.constant 0 : i32
      %dma_wait3A_199 = tpu.memref_slice %arg7[%mul3A_189, %dma_wait3A_198] : memref<98x128xi32, #tpu.memory_space<vmem>> -> memref<1x128xi32, #tpu.memory_space<vmem>>
      %dma_wait3A_200 = tpu.memref_squeeze %dma_wait3A_199 : memref<1x128xi32, #tpu.memory_space<vmem>> -> memref<128xi32, #tpu.memory_space<vmem>>
      %dma_wait3A_201 = arith.constant 0 : i32
      %dma_wait3A_202 = arith.constant 0 : i32
      %dma_wait3A_203 = tpu.memref_slice %arg2[%dma_wait3A_201, %dma_wait3A_202] : memref<100000x64xf32, #tpu.memory_space<hbm>> -> memref<100000x64xf32, #tpu.memory_space<hbm>>
      tpu.wait_indirect_dma semaphore(%arg15 : memref<!tpu.dma_semaphore, #tpu.memory_space<semaphore_mem>>) src(%dma_wait3A_203 : memref<100000x64xf32, #tpu.memory_space<hbm>>) dst(%arg9 : memref<128x64xf32, #tpu.memory_space<vmem>>)
      "tpu.region"() ({
        %run_scoped3A_232 = tpu.sem_alloc : memref<!tpu.dma_semaphore, #tpu.memory_space<semaphore_mem>>
        %dma_start3A_233 = arith.constant 0 : i32
        %dma_start3A_234 = tpu.memref_slice %arg8[%mul3A_189, %dma_start3A_233] : memref<98x128xi32, #tpu.memory_space<vmem>> -> memref<1x128xi32, #tpu.memory_space<vmem>>
        %dma_start3A_235 = tpu.memref_squeeze %dma_start3A_234 : memref<1x128xi32, #tpu.memory_space<vmem>> -> memref<128xi32, #tpu.memory_space<vmem>>
        %dma_start3A_236 = arith.constant 0 : i32
        %dma_start3A_237 = arith.constant 0 : i32
        %dma_start3A_238 = tpu.memref_slice %arg13[%dma_start3A_236, %dma_start3A_237] : memref<16128x64xf32, #tpu.memory_space<vmem_shared>> -> memref<16128x64xf32, #tpu.memory_space<vmem_shared>>
        tpu.enqueue_indirect_dma source(%arg9 : memref<128x64xf32, #tpu.memory_space<vmem>>) target(%dma_start3A_238 : memref<16128x64xf32, #tpu.memory_space<vmem_shared>>) offsets(%dma_start3A_235 : memref<128xi32, #tpu.memory_space<vmem>>) semaphore(%run_scoped3A_232 : memref<!tpu.dma_semaphore, #tpu.memory_space<semaphore_mem>>) {add = true}
        %dma_wait3A_239 = arith.constant 0 : i32
        %dma_wait3A_240 = tpu.memref_slice %arg8[%mul3A_189, %dma_wait3A_239] : memref<98x128xi32, #tpu.memory_space<vmem>> -> memref<1x128xi32, #tpu.memory_space<vmem>>
        %dma_wait3A_241 = tpu.memref_squeeze %dma_wait3A_240 : memref<1x128xi32, #tpu.memory_space<vmem>> -> memref<128xi32, #tpu.memory_space<vmem>>
        %dma_wait3A_242 = arith.constant 0 : i32
        %dma_wait3A_243 = arith.constant 0 : i32
        %dma_wait3A_244 = tpu.memref_slice %arg13[%dma_wait3A_242, %dma_wait3A_243] : memref<16128x64xf32, #tpu.memory_space<vmem_shared>> -> memref<16128x64xf32, #tpu.memory_space<vmem_shared>>
        tpu.wait_indirect_dma semaphore(%run_scoped3A_232 : memref<!tpu.dma_semaphore, #tpu.memory_space<semaphore_mem>>) src(%arg9 : memref<128x64xf32, #tpu.memory_space<vmem>>) dst(%dma_wait3A_244 : memref<16128x64xf32, #tpu.memory_space<vmem_shared>>)
        tpu.yield
      }) : () -> ()
      %eq3A_204 = arith.constant 0 : i32
      %eq3A_205 = arith.cmpi eq, %arg0, %eq3A_204 : i32
      %convert_element_type3A_206 = arith.extui %eq3A_205 : i1 to i32
      %cond3A_207 = arith.constant 0 : i32
      %cond3A_208 = arith.cmpi ne, %convert_element_type3A_206, %cond3A_207 : i32
      scf.if %cond3A_208 {
        "tpu.region"() ({
          %run_scoped3A_232 = tpu.sem_alloc : memref<!tpu.dma_semaphore, #tpu.memory_space<semaphore_mem>>
          %dma_start3A_233 = arith.constant 0 : i32
          %dma_start3A_234 = tpu.memref_slice %arg8[%mul3A_189, %dma_start3A_233] : memref<98x128xi32, #tpu.memory_space<vmem>> -> memref<1x128xi32, #tpu.memory_space<vmem>>
          %dma_start3A_235 = tpu.memref_squeeze %dma_start3A_234 : memref<1x128xi32, #tpu.memory_space<vmem>> -> memref<128xi32, #tpu.memory_space<vmem>>
          %dma_start3A_236 = arith.constant 0 : i32
          %dma_start3A_237 = tpu.memref_slice %arg14[%dma_start3A_236] : memref<16128xf32, #tpu.memory_space<vmem_shared>> -> memref<16128xf32, #tpu.memory_space<vmem_shared>>
          tpu.enqueue_indirect_dma source(%arg11 : memref<128xf32, #tpu.memory_space<vmem>>) target(%dma_start3A_237 : memref<16128xf32, #tpu.memory_space<vmem_shared>>) offsets(%dma_start3A_235 : memref<128xi32, #tpu.memory_space<vmem>>) semaphore(%run_scoped3A_232 : memref<!tpu.dma_semaphore, #tpu.memory_space<semaphore_mem>>) {add = true}
          %dma_wait3A_238 = arith.constant 0 : i32
          %dma_wait3A_239 = tpu.memref_slice %arg8[%mul3A_189, %dma_wait3A_238] : memref<98x128xi32, #tpu.memory_space<vmem>> -> memref<1x128xi32, #tpu.memory_space<vmem>>
          %dma_wait3A_240 = tpu.memref_squeeze %dma_wait3A_239 : memref<1x128xi32, #tpu.memory_space<vmem>> -> memref<128xi32, #tpu.memory_space<vmem>>
          %dma_wait3A_241 = arith.constant 0 : i32
          %dma_wait3A_242 = tpu.memref_slice %arg14[%dma_wait3A_241] : memref<16128xf32, #tpu.memory_space<vmem_shared>> -> memref<16128xf32, #tpu.memory_space<vmem_shared>>
          tpu.wait_indirect_dma semaphore(%run_scoped3A_232 : memref<!tpu.dma_semaphore, #tpu.memory_space<semaphore_mem>>) src(%arg11 : memref<128xf32, #tpu.memory_space<vmem>>) dst(%dma_wait3A_242 : memref<16128xf32, #tpu.memory_space<vmem_shared>>)
          tpu.yield
        }) : () -> ()
      } else {
      }
      %add3A_209 = arith.constant 2 : i32
      %add3A_210 = arith.addi %mul3A_189, %add3A_209 : i32
      %dma_start3A_211 = arith.constant 0 : i32
      %dma_start3A_212 = tpu.memref_slice %arg7[%add3A_210, %dma_start3A_211] : memref<98x128xi32, #tpu.memory_space<vmem>> -> memref<1x128xi32, #tpu.memory_space<vmem>>
      %dma_start3A_213 = tpu.memref_squeeze %dma_start3A_212 : memref<1x128xi32, #tpu.memory_space<vmem>> -> memref<128xi32, #tpu.memory_space<vmem>>
      %dma_start3A_214 = arith.constant 0 : i32
      %dma_start3A_215 = arith.constant 0 : i32
      %dma_start3A_216 = tpu.memref_slice %arg2[%dma_start3A_214, %dma_start3A_215] : memref<100000x64xf32, #tpu.memory_space<hbm>> -> memref<100000x64xf32, #tpu.memory_space<hbm>>
      tpu.enqueue_indirect_dma source(%dma_start3A_216 : memref<100000x64xf32, #tpu.memory_space<hbm>>) target(%arg9 : memref<128x64xf32, #tpu.memory_space<vmem>>) offsets(%dma_start3A_213 : memref<128xi32, #tpu.memory_space<vmem>>) semaphore(%arg15 : memref<!tpu.dma_semaphore, #tpu.memory_space<semaphore_mem>>)
      %add3A_217 = arith.constant 1 : i32
      %add3A_218 = arith.addi %mul3A_189, %add3A_217 : i32
      %dma_wait3A_219 = arith.constant 0 : i32
      %dma_wait3A_220 = tpu.memref_slice %arg7[%add3A_218, %dma_wait3A_219] : memref<98x128xi32, #tpu.memory_space<vmem>> -> memref<1x128xi32, #tpu.memory_space<vmem>>
      %dma_wait3A_221 = tpu.memref_squeeze %dma_wait3A_220 : memref<1x128xi32, #tpu.memory_space<vmem>> -> memref<128xi32, #tpu.memory_space<vmem>>
      %dma_wait3A_222 = arith.constant 0 : i32
      %dma_wait3A_223 = arith.constant 0 : i32
      %dma_wait3A_224 = tpu.memref_slice %arg2[%dma_wait3A_222, %dma_wait3A_223] : memref<100000x64xf32, #tpu.memory_space<hbm>> -> memref<100000x64xf32, #tpu.memory_space<hbm>>
      tpu.wait_indirect_dma semaphore(%arg16 : memref<!tpu.dma_semaphore, #tpu.memory_space<semaphore_mem>>) src(%dma_wait3A_224 : memref<100000x64xf32, #tpu.memory_space<hbm>>) dst(%arg10 : memref<128x64xf32, #tpu.memory_space<vmem>>)
      %add3A_225 = arith.constant 1 : i32
      %add3A_226 = arith.addi %mul3A_189, %add3A_225 : i32
      "tpu.region"() ({
        %run_scoped3A_232 = tpu.sem_alloc : memref<!tpu.dma_semaphore, #tpu.memory_space<semaphore_mem>>
        %dma_start3A_233 = arith.constant 0 : i32
        %dma_start3A_234 = tpu.memref_slice %arg8[%add3A_226, %dma_start3A_233] : memref<98x128xi32, #tpu.memory_space<vmem>> -> memref<1x128xi32, #tpu.memory_space<vmem>>
        %dma_start3A_235 = tpu.memref_squeeze %dma_start3A_234 : memref<1x128xi32, #tpu.memory_space<vmem>> -> memref<128xi32, #tpu.memory_space<vmem>>
        %dma_start3A_236 = arith.constant 0 : i32
        %dma_start3A_237 = arith.constant 0 : i32
        %dma_start3A_238 = tpu.memref_slice %arg13[%dma_start3A_236, %dma_start3A_237] : memref<16128x64xf32, #tpu.memory_space<vmem_shared>> -> memref<16128x64xf32, #tpu.memory_space<vmem_shared>>
        tpu.enqueue_indirect_dma source(%arg10 : memref<128x64xf32, #tpu.memory_space<vmem>>) target(%dma_start3A_238 : memref<16128x64xf32, #tpu.memory_space<vmem_shared>>) offsets(%dma_start3A_235 : memref<128xi32, #tpu.memory_space<vmem>>) semaphore(%run_scoped3A_232 : memref<!tpu.dma_semaphore, #tpu.memory_space<semaphore_mem>>) {add = true}
        %dma_wait3A_239 = arith.constant 0 : i32
        %dma_wait3A_240 = tpu.memref_slice %arg8[%add3A_226, %dma_wait3A_239] : memref<98x128xi32, #tpu.memory_space<vmem>> -> memref<1x128xi32, #tpu.memory_space<vmem>>
        %dma_wait3A_241 = tpu.memref_squeeze %dma_wait3A_240 : memref<1x128xi32, #tpu.memory_space<vmem>> -> memref<128xi32, #tpu.memory_space<vmem>>
        %dma_wait3A_242 = arith.constant 0 : i32
        %dma_wait3A_243 = arith.constant 0 : i32
        %dma_wait3A_244 = tpu.memref_slice %arg13[%dma_wait3A_242, %dma_wait3A_243] : memref<16128x64xf32, #tpu.memory_space<vmem_shared>> -> memref<16128x64xf32, #tpu.memory_space<vmem_shared>>
        tpu.wait_indirect_dma semaphore(%run_scoped3A_232 : memref<!tpu.dma_semaphore, #tpu.memory_space<semaphore_mem>>) src(%arg10 : memref<128x64xf32, #tpu.memory_space<vmem>>) dst(%dma_wait3A_244 : memref<16128x64xf32, #tpu.memory_space<vmem_shared>>)
        tpu.yield
      }) : () -> ()
      %eq3A_227 = arith.constant 0 : i32
      %eq3A_228 = arith.cmpi eq, %arg0, %eq3A_227 : i32
      %convert_element_type3A_229 = arith.extui %eq3A_228 : i1 to i32
      %cond3A_230 = arith.constant 0 : i32
      %cond3A_231 = arith.cmpi ne, %convert_element_type3A_229, %cond3A_230 : i32
      scf.if %cond3A_231 {
        "tpu.region"() ({
          %run_scoped3A_232 = tpu.sem_alloc : memref<!tpu.dma_semaphore, #tpu.memory_space<semaphore_mem>>
          %dma_start3A_233 = arith.constant 0 : i32
          %dma_start3A_234 = tpu.memref_slice %arg8[%add3A_226, %dma_start3A_233] : memref<98x128xi32, #tpu.memory_space<vmem>> -> memref<1x128xi32, #tpu.memory_space<vmem>>
          %dma_start3A_235 = tpu.memref_squeeze %dma_start3A_234 : memref<1x128xi32, #tpu.memory_space<vmem>> -> memref<128xi32, #tpu.memory_space<vmem>>
          %dma_start3A_236 = arith.constant 0 : i32
          %dma_start3A_237 = tpu.memref_slice %arg14[%dma_start3A_236] : memref<16128xf32, #tpu.memory_space<vmem_shared>> -> memref<16128xf32, #tpu.memory_space<vmem_shared>>
          tpu.enqueue_indirect_dma source(%arg11 : memref<128xf32, #tpu.memory_space<vmem>>) target(%dma_start3A_237 : memref<16128xf32, #tpu.memory_space<vmem_shared>>) offsets(%dma_start3A_235 : memref<128xi32, #tpu.memory_space<vmem>>) semaphore(%run_scoped3A_232 : memref<!tpu.dma_semaphore, #tpu.memory_space<semaphore_mem>>) {add = true}
          %dma_wait3A_238 = arith.constant 0 : i32
          %dma_wait3A_239 = tpu.memref_slice %arg8[%add3A_226, %dma_wait3A_238] : memref<98x128xi32, #tpu.memory_space<vmem>> -> memref<1x128xi32, #tpu.memory_space<vmem>>
          %dma_wait3A_240 = tpu.memref_squeeze %dma_wait3A_239 : memref<1x128xi32, #tpu.memory_space<vmem>> -> memref<128xi32, #tpu.memory_space<vmem>>
          %dma_wait3A_241 = arith.constant 0 : i32
          %dma_wait3A_242 = tpu.memref_slice %arg14[%dma_wait3A_241] : memref<16128xf32, #tpu.memory_space<vmem_shared>> -> memref<16128xf32, #tpu.memory_space<vmem_shared>>
          tpu.wait_indirect_dma semaphore(%run_scoped3A_232 : memref<!tpu.dma_semaphore, #tpu.memory_space<semaphore_mem>>) src(%arg11 : memref<128xf32, #tpu.memory_space<vmem>>) dst(%dma_wait3A_242 : memref<16128xf32, #tpu.memory_space<vmem_shared>>)
          tpu.yield
        }) : () -> ()
      } else {
      }
    }
    %scan3A_110 = arith.constant 48 : i32
    %dma_start3A_111 = arith.constant 97 : i32
    %dma_start3A_112 = arith.constant 0 : i32
    %dma_start3A_113 = tpu.memref_slice %arg7[%dma_start3A_111, %dma_start3A_112] : memref<98x128xi32, #tpu.memory_space<vmem>> -> memref<1x128xi32, #tpu.memory_space<vmem>>
    %dma_start3A_114 = tpu.memref_squeeze %dma_start3A_113 : memref<1x128xi32, #tpu.memory_space<vmem>> -> memref<128xi32, #tpu.memory_space<vmem>>
    %dma_start3A_115 = arith.constant 0 : i32
    %dma_start3A_116 = arith.constant 0 : i32
    %dma_start3A_117 = tpu.memref_slice %arg2[%dma_start3A_115, %dma_start3A_116] : memref<100000x64xf32, #tpu.memory_space<hbm>> -> memref<100000x64xf32, #tpu.memory_space<hbm>>
    tpu.enqueue_indirect_dma source(%dma_start3A_117 : memref<100000x64xf32, #tpu.memory_space<hbm>>) target(%arg10 : memref<128x64xf32, #tpu.memory_space<vmem>>) offsets(%dma_start3A_114 : memref<128xi32, #tpu.memory_space<vmem>>) semaphore(%arg16 : memref<!tpu.dma_semaphore, #tpu.memory_space<semaphore_mem>>)
    %dma_wait3A_118 = arith.constant 96 : i32
    %dma_wait3A_119 = arith.constant 0 : i32
    %dma_wait3A_120 = tpu.memref_slice %arg7[%dma_wait3A_118, %dma_wait3A_119] : memref<98x128xi32, #tpu.memory_space<vmem>> -> memref<1x128xi32, #tpu.memory_space<vmem>>
    %dma_wait3A_121 = tpu.memref_squeeze %dma_wait3A_120 : memref<1x128xi32, #tpu.memory_space<vmem>> -> memref<128xi32, #tpu.memory_space<vmem>>
    %dma_wait3A_122 = arith.constant 0 : i32
    %dma_wait3A_123 = arith.constant 0 : i32
    %dma_wait3A_124 = tpu.memref_slice %arg2[%dma_wait3A_122, %dma_wait3A_123] : memref<100000x64xf32, #tpu.memory_space<hbm>> -> memref<100000x64xf32, #tpu.memory_space<hbm>>
    tpu.wait_indirect_dma semaphore(%arg15 : memref<!tpu.dma_semaphore, #tpu.memory_space<semaphore_mem>>) src(%dma_wait3A_124 : memref<100000x64xf32, #tpu.memory_space<hbm>>) dst(%arg9 : memref<128x64xf32, #tpu.memory_space<vmem>>)
    %run_scoped3A_125 = arith.constant 96 : i32
    "tpu.region"() ({
      %run_scoped3A_187 = tpu.sem_alloc : memref<!tpu.dma_semaphore, #tpu.memory_space<semaphore_mem>>
      %dma_start3A_188 = arith.constant 0 : i32
      %dma_start3A_189 = tpu.memref_slice %arg8[%run_scoped3A_125, %dma_start3A_188] : memref<98x128xi32, #tpu.memory_space<vmem>> -> memref<1x128xi32, #tpu.memory_space<vmem>>
      %dma_start3A_190 = tpu.memref_squeeze %dma_start3A_189 : memref<1x128xi32, #tpu.memory_space<vmem>> -> memref<128xi32, #tpu.memory_space<vmem>>
      %dma_start3A_191 = arith.constant 0 : i32
      %dma_start3A_192 = arith.constant 0 : i32
      %dma_start3A_193 = tpu.memref_slice %arg13[%dma_start3A_191, %dma_start3A_192] : memref<16128x64xf32, #tpu.memory_space<vmem_shared>> -> memref<16128x64xf32, #tpu.memory_space<vmem_shared>>
      tpu.enqueue_indirect_dma source(%arg9 : memref<128x64xf32, #tpu.memory_space<vmem>>) target(%dma_start3A_193 : memref<16128x64xf32, #tpu.memory_space<vmem_shared>>) offsets(%dma_start3A_190 : memref<128xi32, #tpu.memory_space<vmem>>) semaphore(%run_scoped3A_187 : memref<!tpu.dma_semaphore, #tpu.memory_space<semaphore_mem>>) {add = true}
      %dma_wait3A_194 = arith.constant 0 : i32
      %dma_wait3A_195 = tpu.memref_slice %arg8[%run_scoped3A_125, %dma_wait3A_194] : memref<98x128xi32, #tpu.memory_space<vmem>> -> memref<1x128xi32, #tpu.memory_space<vmem>>
      %dma_wait3A_196 = tpu.memref_squeeze %dma_wait3A_195 : memref<1x128xi32, #tpu.memory_space<vmem>> -> memref<128xi32, #tpu.memory_space<vmem>>
      %dma_wait3A_197 = arith.constant 0 : i32
      %dma_wait3A_198 = arith.constant 0 : i32
      %dma_wait3A_199 = tpu.memref_slice %arg13[%dma_wait3A_197, %dma_wait3A_198] : memref<16128x64xf32, #tpu.memory_space<vmem_shared>> -> memref<16128x64xf32, #tpu.memory_space<vmem_shared>>
      tpu.wait_indirect_dma semaphore(%run_scoped3A_187 : memref<!tpu.dma_semaphore, #tpu.memory_space<semaphore_mem>>) src(%arg9 : memref<128x64xf32, #tpu.memory_space<vmem>>) dst(%dma_wait3A_199 : memref<16128x64xf32, #tpu.memory_space<vmem_shared>>)
      tpu.yield
    }) : () -> ()
    %eq3A_126 = arith.constant 0 : i32
    %eq3A_127 = arith.cmpi eq, %arg0, %eq3A_126 : i32
    %convert_element_type3A_128 = arith.extui %eq3A_127 : i1 to i32
    %cond3A_129 = arith.constant 0 : i32
    %cond3A_130 = arith.cmpi ne, %convert_element_type3A_128, %cond3A_129 : i32
    scf.if %cond3A_130 {
      %run_scoped3A_187 = arith.constant 96 : i32
      "tpu.region"() ({
        %run_scoped3A_188 = tpu.sem_alloc : memref<!tpu.dma_semaphore, #tpu.memory_space<semaphore_mem>>
        %dma_start3A_189 = arith.constant 0 : i32
        %dma_start3A_190 = tpu.memref_slice %arg8[%run_scoped3A_187, %dma_start3A_189] : memref<98x128xi32, #tpu.memory_space<vmem>> -> memref<1x128xi32, #tpu.memory_space<vmem>>
        %dma_start3A_191 = tpu.memref_squeeze %dma_start3A_190 : memref<1x128xi32, #tpu.memory_space<vmem>> -> memref<128xi32, #tpu.memory_space<vmem>>
        %dma_start3A_192 = arith.constant 0 : i32
        %dma_start3A_193 = tpu.memref_slice %arg14[%dma_start3A_192] : memref<16128xf32, #tpu.memory_space<vmem_shared>> -> memref<16128xf32, #tpu.memory_space<vmem_shared>>
        tpu.enqueue_indirect_dma source(%arg11 : memref<128xf32, #tpu.memory_space<vmem>>) target(%dma_start3A_193 : memref<16128xf32, #tpu.memory_space<vmem_shared>>) offsets(%dma_start3A_191 : memref<128xi32, #tpu.memory_space<vmem>>) semaphore(%run_scoped3A_188 : memref<!tpu.dma_semaphore, #tpu.memory_space<semaphore_mem>>) {add = true}
        %dma_wait3A_194 = arith.constant 0 : i32
        %dma_wait3A_195 = tpu.memref_slice %arg8[%run_scoped3A_187, %dma_wait3A_194] : memref<98x128xi32, #tpu.memory_space<vmem>> -> memref<1x128xi32, #tpu.memory_space<vmem>>
        %dma_wait3A_196 = tpu.memref_squeeze %dma_wait3A_195 : memref<1x128xi32, #tpu.memory_space<vmem>> -> memref<128xi32, #tpu.memory_space<vmem>>
        %dma_wait3A_197 = arith.constant 0 : i32
        %dma_wait3A_198 = tpu.memref_slice %arg14[%dma_wait3A_197] : memref<16128xf32, #tpu.memory_space<vmem_shared>> -> memref<16128xf32, #tpu.memory_space<vmem_shared>>
        tpu.wait_indirect_dma semaphore(%run_scoped3A_188 : memref<!tpu.dma_semaphore, #tpu.memory_space<semaphore_mem>>) src(%arg11 : memref<128xf32, #tpu.memory_space<vmem>>) dst(%dma_wait3A_198 : memref<16128xf32, #tpu.memory_space<vmem_shared>>)
        tpu.yield
      }) : () -> ()
    } else {
    }
    %dma_wait3A_131 = arith.constant 97 : i32
    %dma_wait3A_132 = arith.constant 0 : i32
    %dma_wait3A_133 = tpu.memref_slice %arg7[%dma_wait3A_131, %dma_wait3A_132] : memref<98x128xi32, #tpu.memory_space<vmem>> -> memref<1x128xi32, #tpu.memory_space<vmem>>
    %dma_wait3A_134 = tpu.memref_squeeze %dma_wait3A_133 : memref<1x128xi32, #tpu.memory_space<vmem>> -> memref<128xi32, #tpu.memory_space<vmem>>
    %dma_wait3A_135 = arith.constant 0 : i32
    %dma_wait3A_136 = arith.constant 0 : i32
    %dma_wait3A_137 = tpu.memref_slice %arg2[%dma_wait3A_135, %dma_wait3A_136] : memref<100000x64xf32, #tpu.memory_space<hbm>> -> memref<100000x64xf32, #tpu.memory_space<hbm>>
    tpu.wait_indirect_dma semaphore(%arg16 : memref<!tpu.dma_semaphore, #tpu.memory_space<semaphore_mem>>) src(%dma_wait3A_137 : memref<100000x64xf32, #tpu.memory_space<hbm>>) dst(%arg10 : memref<128x64xf32, #tpu.memory_space<vmem>>)
    %run_scoped3A_138 = arith.constant 97 : i32
    "tpu.region"() ({
      %run_scoped3A_187 = tpu.sem_alloc : memref<!tpu.dma_semaphore, #tpu.memory_space<semaphore_mem>>
      %dma_start3A_188 = arith.constant 0 : i32
      %dma_start3A_189 = tpu.memref_slice %arg8[%run_scoped3A_138, %dma_start3A_188] : memref<98x128xi32, #tpu.memory_space<vmem>> -> memref<1x128xi32, #tpu.memory_space<vmem>>
      %dma_start3A_190 = tpu.memref_squeeze %dma_start3A_189 : memref<1x128xi32, #tpu.memory_space<vmem>> -> memref<128xi32, #tpu.memory_space<vmem>>
      %dma_start3A_191 = arith.constant 0 : i32
      %dma_start3A_192 = arith.constant 0 : i32
      %dma_start3A_193 = tpu.memref_slice %arg13[%dma_start3A_191, %dma_start3A_192] : memref<16128x64xf32, #tpu.memory_space<vmem_shared>> -> memref<16128x64xf32, #tpu.memory_space<vmem_shared>>
      tpu.enqueue_indirect_dma source(%arg10 : memref<128x64xf32, #tpu.memory_space<vmem>>) target(%dma_start3A_193 : memref<16128x64xf32, #tpu.memory_space<vmem_shared>>) offsets(%dma_start3A_190 : memref<128xi32, #tpu.memory_space<vmem>>) semaphore(%run_scoped3A_187 : memref<!tpu.dma_semaphore, #tpu.memory_space<semaphore_mem>>) {add = true}
      %dma_wait3A_194 = arith.constant 0 : i32
      %dma_wait3A_195 = tpu.memref_slice %arg8[%run_scoped3A_138, %dma_wait3A_194] : memref<98x128xi32, #tpu.memory_space<vmem>> -> memref<1x128xi32, #tpu.memory_space<vmem>>
      %dma_wait3A_196 = tpu.memref_squeeze %dma_wait3A_195 : memref<1x128xi32, #tpu.memory_space<vmem>> -> memref<128xi32, #tpu.memory_space<vmem>>
      %dma_wait3A_197 = arith.constant 0 : i32
      %dma_wait3A_198 = arith.constant 0 : i32
      %dma_wait3A_199 = tpu.memref_slice %arg13[%dma_wait3A_197, %dma_wait3A_198] : memref<16128x64xf32, #tpu.memory_space<vmem_shared>> -> memref<16128x64xf32, #tpu.memory_space<vmem_shared>>
      tpu.wait_indirect_dma semaphore(%run_scoped3A_187 : memref<!tpu.dma_semaphore, #tpu.memory_space<semaphore_mem>>) src(%arg10 : memref<128x64xf32, #tpu.memory_space<vmem>>) dst(%dma_wait3A_199 : memref<16128x64xf32, #tpu.memory_space<vmem_shared>>)
      tpu.yield
    }) : () -> ()
    %eq3A_139 = arith.constant 0 : i32
    %eq3A_140 = arith.cmpi eq, %arg0, %eq3A_139 : i32
    %convert_element_type3A_141 = arith.extui %eq3A_140 : i1 to i32
    %cond3A_142 = arith.constant 0 : i32
    %cond3A_143 = arith.cmpi ne, %convert_element_type3A_141, %cond3A_142 : i32
    scf.if %cond3A_143 {
      %run_scoped3A_187 = arith.constant 97 : i32
      "tpu.region"() ({
        %run_scoped3A_188 = tpu.sem_alloc : memref<!tpu.dma_semaphore, #tpu.memory_space<semaphore_mem>>
        %dma_start3A_189 = arith.constant 0 : i32
        %dma_start3A_190 = tpu.memref_slice %arg8[%run_scoped3A_187, %dma_start3A_189] : memref<98x128xi32, #tpu.memory_space<vmem>> -> memref<1x128xi32, #tpu.memory_space<vmem>>
        %dma_start3A_191 = tpu.memref_squeeze %dma_start3A_190 : memref<1x128xi32, #tpu.memory_space<vmem>> -> memref<128xi32, #tpu.memory_space<vmem>>
        %dma_start3A_192 = arith.constant 0 : i32
        %dma_start3A_193 = tpu.memref_slice %arg14[%dma_start3A_192] : memref<16128xf32, #tpu.memory_space<vmem_shared>> -> memref<16128xf32, #tpu.memory_space<vmem_shared>>
        tpu.enqueue_indirect_dma source(%arg11 : memref<128xf32, #tpu.memory_space<vmem>>) target(%dma_start3A_193 : memref<16128xf32, #tpu.memory_space<vmem_shared>>) offsets(%dma_start3A_191 : memref<128xi32, #tpu.memory_space<vmem>>) semaphore(%run_scoped3A_188 : memref<!tpu.dma_semaphore, #tpu.memory_space<semaphore_mem>>) {add = true}
        %dma_wait3A_194 = arith.constant 0 : i32
        %dma_wait3A_195 = tpu.memref_slice %arg8[%run_scoped3A_187, %dma_wait3A_194] : memref<98x128xi32, #tpu.memory_space<vmem>> -> memref<1x128xi32, #tpu.memory_space<vmem>>
        %dma_wait3A_196 = tpu.memref_squeeze %dma_wait3A_195 : memref<1x128xi32, #tpu.memory_space<vmem>> -> memref<128xi32, #tpu.memory_space<vmem>>
        %dma_wait3A_197 = arith.constant 0 : i32
        %dma_wait3A_198 = tpu.memref_slice %arg14[%dma_wait3A_197] : memref<16128xf32, #tpu.memory_space<vmem_shared>> -> memref<16128xf32, #tpu.memory_space<vmem_shared>>
        tpu.wait_indirect_dma semaphore(%run_scoped3A_188 : memref<!tpu.dma_semaphore, #tpu.memory_space<semaphore_mem>>) src(%arg11 : memref<128xf32, #tpu.memory_space<vmem>>) dst(%dma_wait3A_198 : memref<16128xf32, #tpu.memory_space<vmem_shared>>)
        tpu.yield
      }) : () -> ()
    } else {
    }
    %barrier3A_144 = arith.constant 0 : index
    tpu.barrier barrier_id(%barrier3A_144)
    %mul3A_145 = arith.constant 16128 : i32
    %mul3A_146 = arith.muli %arg0, %mul3A_145 : i32
    %add3A_147 = arith.addi %mul3A_146, %mul3A_22 : i32
    %add3A_148 = arith.constant 0 : i32
    %add3A_149 = arith.addi %mul3A_22, %add3A_148 : i32
    %add3A_150 = arith.constant 0 : i32
    %add3A_151 = arith.addi %add3A_147, %add3A_150 : i32
    "tpu.region"() ({
      %run_scoped3A_187 = tpu.sem_alloc : memref<!tpu.dma_semaphore, #tpu.memory_space<semaphore_mem>>
      %dma_start3A_188 = arith.constant 0 : i32
      %dma_start3A_189 = tpu.memref_slice %arg5[%add3A_151, %dma_start3A_188] : memref<32256x64xf32, #tpu.memory_space<hbm>> -> memref<128x64xf32, #tpu.memory_space<hbm>>
      %dma_start3A_190 = arith.constant 0 : i32
      %dma_start3A_191 = tpu.memref_slice %arg13[%add3A_149, %dma_start3A_190] : memref<16128x64xf32, #tpu.memory_space<vmem_shared>> -> memref<128x64xf32, #tpu.memory_space<vmem_shared>>
      tpu.enqueue_dma source(%dma_start3A_191 : memref<128x64xf32, #tpu.memory_space<vmem_shared>>) target(%dma_start3A_189 : memref<128x64xf32, #tpu.memory_space<hbm>>) target_semaphore(%run_scoped3A_187 : memref<!tpu.dma_semaphore, #tpu.memory_space<semaphore_mem>>)
      %dma_wait3A_192 = arith.constant 0 : i32
      %dma_wait3A_193 = tpu.memref_slice %arg5[%add3A_151, %dma_wait3A_192] : memref<32256x64xf32, #tpu.memory_space<hbm>> -> memref<128x64xf32, #tpu.memory_space<hbm>>
      %dma_wait3A_194 = arith.constant 0 : i32
      %dma_wait3A_195 = tpu.memref_slice %arg13[%add3A_149, %dma_wait3A_194] : memref<16128x64xf32, #tpu.memory_space<vmem_shared>> -> memref<128x64xf32, #tpu.memory_space<vmem_shared>>
      tpu.wait_dma2 semaphore(%run_scoped3A_187 : memref<!tpu.dma_semaphore, #tpu.memory_space<semaphore_mem>>) src(%dma_wait3A_195 : memref<128x64xf32, #tpu.memory_space<vmem_shared>>) dst(%dma_wait3A_193 : memref<128x64xf32, #tpu.memory_space<hbm>>)
      tpu.yield
    }) : () -> ()
    %add3A_152 = arith.constant 128 : i32
    %add3A_153 = arith.addi %mul3A_22, %add3A_152 : i32
    %add3A_154 = arith.constant 128 : i32
    %add3A_155 = arith.addi %add3A_147, %add3A_154 : i32
    "tpu.region"() ({
      %run_scoped3A_187 = tpu.sem_alloc : memref<!tpu.dma_semaphore, #tpu.memory_space<semaphore_mem>>
      %dma_start3A_188 = arith.constant 0 : i32
      %dma_start3A_189 = tpu.memref_slice %arg5[%add3A_155, %dma_start3A_188] : memref<32256x64xf32, #tpu.memory_space<hbm>> -> memref<128x64xf32, #tpu.memory_space<hbm>>
      %dma_start3A_190 = arith.constant 0 : i32
      %dma_start3A_191 = tpu.memref_slice %arg13[%add3A_153, %dma_start3A_190] : memref<16128x64xf32, #tpu.memory_space<vmem_shared>> -> memref<128x64xf32, #tpu.memory_space<vmem_shared>>
      tpu.enqueue_dma source(%dma_start3A_191 : memref<128x64xf32, #tpu.memory_space<vmem_shared>>) target(%dma_start3A_189 : memref<128x64xf32, #tpu.memory_space<hbm>>) target_semaphore(%run_scoped3A_187 : memref<!tpu.dma_semaphore, #tpu.memory_space<semaphore_mem>>)
      %dma_wait3A_192 = arith.constant 0 : i32
      %dma_wait3A_193 = tpu.memref_slice %arg5[%add3A_155, %dma_wait3A_192] : memref<32256x64xf32, #tpu.memory_space<hbm>> -> memref<128x64xf32, #tpu.memory_space<hbm>>
      %dma_wait3A_194 = arith.constant 0 : i32
      %dma_wait3A_195 = tpu.memref_slice %arg13[%add3A_153, %dma_wait3A_194] : memref<16128x64xf32, #tpu.memory_space<vmem_shared>> -> memref<128x64xf32, #tpu.memory_space<vmem_shared>>
      tpu.wait_dma2 semaphore(%run_scoped3A_187 : memref<!tpu.dma_semaphore, #tpu.memory_space<semaphore_mem>>) src(%dma_wait3A_195 : memref<128x64xf32, #tpu.memory_space<vmem_shared>>) dst(%dma_wait3A_193 : memref<128x64xf32, #tpu.memory_space<hbm>>)
      tpu.yield
    }) : () -> ()
    %add3A_156 = arith.constant 256 : i32
    %add3A_157 = arith.addi %mul3A_22, %add3A_156 : i32
    %add3A_158 = arith.constant 256 : i32
    %add3A_159 = arith.addi %add3A_147, %add3A_158 : i32
    "tpu.region"() ({
      %run_scoped3A_187 = tpu.sem_alloc : memref<!tpu.dma_semaphore, #tpu.memory_space<semaphore_mem>>
      %dma_start3A_188 = arith.constant 0 : i32
      %dma_start3A_189 = tpu.memref_slice %arg5[%add3A_159, %dma_start3A_188] : memref<32256x64xf32, #tpu.memory_space<hbm>> -> memref<128x64xf32, #tpu.memory_space<hbm>>
      %dma_start3A_190 = arith.constant 0 : i32
      %dma_start3A_191 = tpu.memref_slice %arg13[%add3A_157, %dma_start3A_190] : memref<16128x64xf32, #tpu.memory_space<vmem_shared>> -> memref<128x64xf32, #tpu.memory_space<vmem_shared>>
      tpu.enqueue_dma source(%dma_start3A_191 : memref<128x64xf32, #tpu.memory_space<vmem_shared>>) target(%dma_start3A_189 : memref<128x64xf32, #tpu.memory_space<hbm>>) target_semaphore(%run_scoped3A_187 : memref<!tpu.dma_semaphore, #tpu.memory_space<semaphore_mem>>)
      %dma_wait3A_192 = arith.constant 0 : i32
      %dma_wait3A_193 = tpu.memref_slice %arg5[%add3A_159, %dma_wait3A_192] : memref<32256x64xf32, #tpu.memory_space<hbm>> -> memref<128x64xf32, #tpu.memory_space<hbm>>
      %dma_wait3A_194 = arith.constant 0 : i32
      %dma_wait3A_195 = tpu.memref_slice %arg13[%add3A_157, %dma_wait3A_194] : memref<16128x64xf32, #tpu.memory_space<vmem_shared>> -> memref<128x64xf32, #tpu.memory_space<vmem_shared>>
      tpu.wait_dma2 semaphore(%run_scoped3A_187 : memref<!tpu.dma_semaphore, #tpu.memory_space<semaphore_mem>>) src(%dma_wait3A_195 : memref<128x64xf32, #tpu.memory_space<vmem_shared>>) dst(%dma_wait3A_193 : memref<128x64xf32, #tpu.memory_space<hbm>>)
      tpu.yield
    }) : () -> ()
    %add3A_160 = arith.constant 384 : i32
    %add3A_161 = arith.addi %mul3A_22, %add3A_160 : i32
    %add3A_162 = arith.constant 384 : i32
    %add3A_163 = arith.addi %add3A_147, %add3A_162 : i32
    "tpu.region"() ({
      %run_scoped3A_187 = tpu.sem_alloc : memref<!tpu.dma_semaphore, #tpu.memory_space<semaphore_mem>>
      %dma_start3A_188 = arith.constant 0 : i32
      %dma_start3A_189 = tpu.memref_slice %arg5[%add3A_163, %dma_start3A_188] : memref<32256x64xf32, #tpu.memory_space<hbm>> -> memref<128x64xf32, #tpu.memory_space<hbm>>
      %dma_start3A_190 = arith.constant 0 : i32
      %dma_start3A_191 = tpu.memref_slice %arg13[%add3A_161, %dma_start3A_190] : memref<16128x64xf32, #tpu.memory_space<vmem_shared>> -> memref<128x64xf32, #tpu.memory_space<vmem_shared>>
      tpu.enqueue_dma source(%dma_start3A_191 : memref<128x64xf32, #tpu.memory_space<vmem_shared>>) target(%dma_start3A_189 : memref<128x64xf32, #tpu.memory_space<hbm>>) target_semaphore(%run_scoped3A_187 : memref<!tpu.dma_semaphore, #tpu.memory_space<semaphore_mem>>)
      %dma_wait3A_192 = arith.constant 0 : i32
      %dma_wait3A_193 = tpu.memref_slice %arg5[%add3A_163, %dma_wait3A_192] : memref<32256x64xf32, #tpu.memory_space<hbm>> -> memref<128x64xf32, #tpu.memory_space<hbm>>
      %dma_wait3A_194 = arith.constant 0 : i32
      %dma_wait3A_195 = tpu.memref_slice %arg13[%add3A_161, %dma_wait3A_194] : memref<16128x64xf32, #tpu.memory_space<vmem_shared>> -> memref<128x64xf32, #tpu.memory_space<vmem_shared>>
      tpu.wait_dma2 semaphore(%run_scoped3A_187 : memref<!tpu.dma_semaphore, #tpu.memory_space<semaphore_mem>>) src(%dma_wait3A_195 : memref<128x64xf32, #tpu.memory_space<vmem_shared>>) dst(%dma_wait3A_193 : memref<128x64xf32, #tpu.memory_space<hbm>>)
      tpu.yield
    }) : () -> ()
    %add3A_164 = arith.constant 512 : i32
    %add3A_165 = arith.addi %mul3A_22, %add3A_164 : i32
    %add3A_166 = arith.constant 512 : i32
    %add3A_167 = arith.addi %add3A_147, %add3A_166 : i32
    "tpu.region"() ({
      %run_scoped3A_187 = tpu.sem_alloc : memref<!tpu.dma_semaphore, #tpu.memory_space<semaphore_mem>>
      %dma_start3A_188 = arith.constant 0 : i32
      %dma_start3A_189 = tpu.memref_slice %arg5[%add3A_167, %dma_start3A_188] : memref<32256x64xf32, #tpu.memory_space<hbm>> -> memref<128x64xf32, #tpu.memory_space<hbm>>
      %dma_start3A_190 = arith.constant 0 : i32
      %dma_start3A_191 = tpu.memref_slice %arg13[%add3A_165, %dma_start3A_190] : memref<16128x64xf32, #tpu.memory_space<vmem_shared>> -> memref<128x64xf32, #tpu.memory_space<vmem_shared>>
      tpu.enqueue_dma source(%dma_start3A_191 : memref<128x64xf32, #tpu.memory_space<vmem_shared>>) target(%dma_start3A_189 : memref<128x64xf32, #tpu.memory_space<hbm>>) target_semaphore(%run_scoped3A_187 : memref<!tpu.dma_semaphore, #tpu.memory_space<semaphore_mem>>)
      %dma_wait3A_192 = arith.constant 0 : i32
      %dma_wait3A_193 = tpu.memref_slice %arg5[%add3A_167, %dma_wait3A_192] : memref<32256x64xf32, #tpu.memory_space<hbm>> -> memref<128x64xf32, #tpu.memory_space<hbm>>
      %dma_wait3A_194 = arith.constant 0 : i32
      %dma_wait3A_195 = tpu.memref_slice %arg13[%add3A_165, %dma_wait3A_194] : memref<16128x64xf32, #tpu.memory_space<vmem_shared>> -> memref<128x64xf32, #tpu.memory_space<vmem_shared>>
      tpu.wait_dma2 semaphore(%run_scoped3A_187 : memref<!tpu.dma_semaphore, #tpu.memory_space<semaphore_mem>>) src(%dma_wait3A_195 : memref<128x64xf32, #tpu.memory_space<vmem_shared>>) dst(%dma_wait3A_193 : memref<128x64xf32, #tpu.memory_space<hbm>>)
      tpu.yield
    }) : () -> ()
    %add3A_168 = arith.constant 640 : i32
    %add3A_169 = arith.addi %mul3A_22, %add3A_168 : i32
    %add3A_170 = arith.constant 640 : i32
    %add3A_171 = arith.addi %add3A_147, %add3A_170 : i32
    "tpu.region"() ({
      %run_scoped3A_187 = tpu.sem_alloc : memref<!tpu.dma_semaphore, #tpu.memory_space<semaphore_mem>>
      %dma_start3A_188 = arith.constant 0 : i32
      %dma_start3A_189 = tpu.memref_slice %arg5[%add3A_171, %dma_start3A_188] : memref<32256x64xf32, #tpu.memory_space<hbm>> -> memref<128x64xf32, #tpu.memory_space<hbm>>
      %dma_start3A_190 = arith.constant 0 : i32
      %dma_start3A_191 = tpu.memref_slice %arg13[%add3A_169, %dma_start3A_190] : memref<16128x64xf32, #tpu.memory_space<vmem_shared>> -> memref<128x64xf32, #tpu.memory_space<vmem_shared>>
      tpu.enqueue_dma source(%dma_start3A_191 : memref<128x64xf32, #tpu.memory_space<vmem_shared>>) target(%dma_start3A_189 : memref<128x64xf32, #tpu.memory_space<hbm>>) target_semaphore(%run_scoped3A_187 : memref<!tpu.dma_semaphore, #tpu.memory_space<semaphore_mem>>)
      %dma_wait3A_192 = arith.constant 0 : i32
      %dma_wait3A_193 = tpu.memref_slice %arg5[%add3A_171, %dma_wait3A_192] : memref<32256x64xf32, #tpu.memory_space<hbm>> -> memref<128x64xf32, #tpu.memory_space<hbm>>
      %dma_wait3A_194 = arith.constant 0 : i32
      %dma_wait3A_195 = tpu.memref_slice %arg13[%add3A_169, %dma_wait3A_194] : memref<16128x64xf32, #tpu.memory_space<vmem_shared>> -> memref<128x64xf32, #tpu.memory_space<vmem_shared>>
      tpu.wait_dma2 semaphore(%run_scoped3A_187 : memref<!tpu.dma_semaphore, #tpu.memory_space<semaphore_mem>>) src(%dma_wait3A_195 : memref<128x64xf32, #tpu.memory_space<vmem_shared>>) dst(%dma_wait3A_193 : memref<128x64xf32, #tpu.memory_space<hbm>>)
      tpu.yield
    }) : () -> ()
    %add3A_172 = arith.constant 768 : i32
    %add3A_173 = arith.addi %mul3A_22, %add3A_172 : i32
    %add3A_174 = arith.constant 768 : i32
    %add3A_175 = arith.addi %add3A_147, %add3A_174 : i32
    "tpu.region"() ({
      %run_scoped3A_187 = tpu.sem_alloc : memref<!tpu.dma_semaphore, #tpu.memory_space<semaphore_mem>>
      %dma_start3A_188 = arith.constant 0 : i32
      %dma_start3A_189 = tpu.memref_slice %arg5[%add3A_175, %dma_start3A_188] : memref<32256x64xf32, #tpu.memory_space<hbm>> -> memref<128x64xf32, #tpu.memory_space<hbm>>
      %dma_start3A_190 = arith.constant 0 : i32
      %dma_start3A_191 = tpu.memref_slice %arg13[%add3A_173, %dma_start3A_190] : memref<16128x64xf32, #tpu.memory_space<vmem_shared>> -> memref<128x64xf32, #tpu.memory_space<vmem_shared>>
      tpu.enqueue_dma source(%dma_start3A_191 : memref<128x64xf32, #tpu.memory_space<vmem_shared>>) target(%dma_start3A_189 : memref<128x64xf32, #tpu.memory_space<hbm>>) target_semaphore(%run_scoped3A_187 : memref<!tpu.dma_semaphore, #tpu.memory_space<semaphore_mem>>)
      %dma_wait3A_192 = arith.constant 0 : i32
      %dma_wait3A_193 = tpu.memref_slice %arg5[%add3A_175, %dma_wait3A_192] : memref<32256x64xf32, #tpu.memory_space<hbm>> -> memref<128x64xf32, #tpu.memory_space<hbm>>
      %dma_wait3A_194 = arith.constant 0 : i32
      %dma_wait3A_195 = tpu.memref_slice %arg13[%add3A_173, %dma_wait3A_194] : memref<16128x64xf32, #tpu.memory_space<vmem_shared>> -> memref<128x64xf32, #tpu.memory_space<vmem_shared>>
      tpu.wait_dma2 semaphore(%run_scoped3A_187 : memref<!tpu.dma_semaphore, #tpu.memory_space<semaphore_mem>>) src(%dma_wait3A_195 : memref<128x64xf32, #tpu.memory_space<vmem_shared>>) dst(%dma_wait3A_193 : memref<128x64xf32, #tpu.memory_space<hbm>>)
      tpu.yield
    }) : () -> ()
    %add3A_176 = arith.constant 896 : i32
    %add3A_177 = arith.addi %mul3A_22, %add3A_176 : i32
    %add3A_178 = arith.constant 896 : i32
    %add3A_179 = arith.addi %add3A_147, %add3A_178 : i32
    "tpu.region"() ({
      %run_scoped3A_187 = tpu.sem_alloc : memref<!tpu.dma_semaphore, #tpu.memory_space<semaphore_mem>>
      %dma_start3A_188 = arith.constant 0 : i32
      %dma_start3A_189 = tpu.memref_slice %arg5[%add3A_179, %dma_start3A_188] : memref<32256x64xf32, #tpu.memory_space<hbm>> -> memref<112x64xf32, #tpu.memory_space<hbm>>
      %dma_start3A_190 = arith.constant 0 : i32
      %dma_start3A_191 = tpu.memref_slice %arg13[%add3A_177, %dma_start3A_190] : memref<16128x64xf32, #tpu.memory_space<vmem_shared>> -> memref<112x64xf32, #tpu.memory_space<vmem_shared>>
      tpu.enqueue_dma source(%dma_start3A_191 : memref<112x64xf32, #tpu.memory_space<vmem_shared>>) target(%dma_start3A_189 : memref<112x64xf32, #tpu.memory_space<hbm>>) target_semaphore(%run_scoped3A_187 : memref<!tpu.dma_semaphore, #tpu.memory_space<semaphore_mem>>)
      %dma_wait3A_192 = arith.constant 0 : i32
      %dma_wait3A_193 = tpu.memref_slice %arg5[%add3A_179, %dma_wait3A_192] : memref<32256x64xf32, #tpu.memory_space<hbm>> -> memref<112x64xf32, #tpu.memory_space<hbm>>
      %dma_wait3A_194 = arith.constant 0 : i32
      %dma_wait3A_195 = tpu.memref_slice %arg13[%add3A_177, %dma_wait3A_194] : memref<16128x64xf32, #tpu.memory_space<vmem_shared>> -> memref<112x64xf32, #tpu.memory_space<vmem_shared>>
      tpu.wait_dma2 semaphore(%run_scoped3A_187 : memref<!tpu.dma_semaphore, #tpu.memory_space<semaphore_mem>>) src(%dma_wait3A_195 : memref<112x64xf32, #tpu.memory_space<vmem_shared>>) dst(%dma_wait3A_193 : memref<112x64xf32, #tpu.memory_space<hbm>>)
      tpu.yield
    }) : () -> ()
    %eq3A_180 = arith.constant 0 : i32
    %eq3A_181 = arith.cmpi eq, %arg0, %eq3A_180 : i32
    %eq3A_182 = arith.constant 0 : i32
    %eq3A_183 = arith.cmpi eq, %arg1, %eq3A_182 : i32
    %and3A = arith.andi %eq3A_181, %eq3A_183 : i1
    %convert_element_type3A_184 = arith.extui %and3A : i1 to i32
    %cond3A_185 = arith.constant 0 : i32
    %cond3A_186 = arith.cmpi ne, %convert_element_type3A_184, %cond3A_185 : i32
    scf.if %cond3A_186 {
      %run_scoped3A_187 = arith.constant 0 : i32
      "tpu.region"() ({
        %run_scoped3A_188 = tpu.sem_alloc : memref<!tpu.dma_semaphore, #tpu.memory_space<semaphore_mem>>
        %dma_start3A_189 = arith.constant 0 : i32
        %dma_start3A_190 = tpu.memref_slice %arg6[%run_scoped3A_187, %dma_start3A_189] : memref<1x16128xf32, #tpu.memory_space<hbm>> -> memref<1x16128xf32, #tpu.memory_space<hbm>>
        %dma_start3A_191 = tpu.memref_squeeze %dma_start3A_190 : memref<1x16128xf32, #tpu.memory_space<hbm>> -> memref<16128xf32, #tpu.memory_space<hbm>>
        tpu.enqueue_dma source(%arg14 : memref<16128xf32, #tpu.memory_space<vmem_shared>>) target(%dma_start3A_191 : memref<16128xf32, #tpu.memory_space<hbm>>) target_semaphore(%run_scoped3A_188 : memref<!tpu.dma_semaphore, #tpu.memory_space<semaphore_mem>>)
        %dma_wait3A_192 = arith.constant 0 : i32
        %dma_wait3A_193 = tpu.memref_slice %arg6[%run_scoped3A_187, %dma_wait3A_192] : memref<1x16128xf32, #tpu.memory_space<hbm>> -> memref<1x16128xf32, #tpu.memory_space<hbm>>
        %dma_wait3A_194 = tpu.memref_squeeze %dma_wait3A_193 : memref<1x16128xf32, #tpu.memory_space<hbm>> -> memref<16128xf32, #tpu.memory_space<hbm>>
        tpu.wait_dma2 semaphore(%run_scoped3A_188 : memref<!tpu.dma_semaphore, #tpu.memory_space<semaphore_mem>>) src(%arg14 : memref<16128xf32, #tpu.memory_space<vmem_shared>>) dst(%dma_wait3A_194 : memref<16128xf32, #tpu.memory_space<hbm>>)
        tpu.yield
      }) : () -> ()
    } else {
    }
    return
  }
}

#map = affine_map<(d0, d1) -> (0, 0)>
#map1 = affine_map<(d0, d1) -> (0, 0, 0)>
module attributes {stable_mosaic.version = 14 : i64} {
  func.func @sc_sage_agg1(%arg0: i32, %arg1: i32, %arg2: memref<16000x128xf32, #tpu.memory_space<hbm>>, %arg3: memref<32x25x128xi32, #tpu.memory_space<hbm>>, %arg4: memref<32x25x128xi32, #tpu.memory_space<hbm>>, %arg5: memref<8192x128xf32, #tpu.memory_space<hbm>>, %arg6: memref<2x4096xf32, #tpu.memory_space<hbm>>, %arg7: memref<25x128xi32, #tpu.memory_space<vmem>>, %arg8: memref<25x128xi32, #tpu.memory_space<vmem>>, %arg9: memref<128x128xf32, #tpu.memory_space<vmem>>, %arg10: memref<128x128xf32, #tpu.memory_space<vmem>>, %arg11: memref<128xf32, #tpu.memory_space<vmem>>, %arg12: memref<256xf32, #tpu.memory_space<vmem>>, %arg13: memref<4096x128xf32, #tpu.memory_space<vmem_shared>>, %arg14: memref<4096xf32, #tpu.memory_space<vmem_shared>>, %arg15: memref<!tpu.dma_semaphore, #tpu.memory_space<semaphore_mem>>, %arg16: memref<!tpu.dma_semaphore, #tpu.memory_space<semaphore_mem>>) attributes {dimension_semantics = [#tpu.dimension_semantics<core_parallel>, #tpu.dimension_semantics<subcore_parallel>], iteration_bounds = array<i64: 2, 16>, scalar_prefetch = 0 : i64, scratch_operands = 10 : i64, tpu.core_type = #tpu.core_type<sc_vector_subcore>, window_params = [{transform_indices = #map}, {transform_indices = #map1}, {transform_indices = #map1}, {transform_indices = #map}, {transform_indices = #map}]} {
    %mul3A = arith.constant 2 : i32
    %mul3A_0 = arith.muli %arg1, %mul3A : i32
    %add3A = arith.addi %mul3A_0, %arg0 : i32
    %broadcast_in_dim3A = arith.constant 0.000000e+00 : f32
    %broadcast_in_dim3A_1 = vector.broadcast %broadcast_in_dim3A : f32 to vector<16xf32>
    %scan3A = arith.constant 0 : i32
    %scan3A_2 = arith.constant 0 : i32
    %scan3A_3 = arith.constant 128 : i32
    %scan3A_4 = arith.addi %scan3A_2, %scan3A_3 : i32
    %scan3A_5 = arith.constant 1 : i32
    scf.for %scan3A_64 = %scan3A_2 to %scan3A_4 step %scan3A_5  : i32 {
      %swap3A = arith.index_cast %scan3A_64 : i32 to index
      %swap3A_65 = arith.constant 0 : index
      %swap3A_66 = tpu.vector_load %arg9[%swap3A, %swap3A_65] {strides = array<i32>} : memref<128x128xf32, #tpu.memory_space<vmem>>, vector<1x16xf32>,
      %swap3A_67 = vector.shape_cast %swap3A_66 : vector<1x16xf32> to vector<16xf32>
      %swap3A_68 = vector.shape_cast %broadcast_in_dim3A_1 : vector<16xf32> to vector<1x16xf32>
      tpu.vector_store %arg9[%swap3A, %swap3A_65], %swap3A_68 {strides = array<i32>} : memref<128x128xf32, #tpu.memory_space<vmem>>, vector<1x16xf32>,
      %swap3A_69 = arith.index_cast %scan3A_64 : i32 to index
      %swap3A_70 = arith.constant 16 : index
      %swap3A_71 = tpu.vector_load %arg9[%swap3A_69, %swap3A_70] {strides = array<i32>} : memref<128x128xf32, #tpu.memory_space<vmem>>, vector<1x16xf32>,
      %swap3A_72 = vector.shape_cast %swap3A_71 : vector<1x16xf32> to vector<16xf32>
      %swap3A_73 = vector.shape_cast %broadcast_in_dim3A_1 : vector<16xf32> to vector<1x16xf32>
      tpu.vector_store %arg9[%swap3A_69, %swap3A_70], %swap3A_73 {strides = array<i32>} : memref<128x128xf32, #tpu.memory_space<vmem>>, vector<1x16xf32>,
      %swap3A_74 = arith.index_cast %scan3A_64 : i32 to index
      %swap3A_75 = arith.constant 32 : index
      %swap3A_76 = tpu.vector_load %arg9[%swap3A_74, %swap3A_75] {strides = array<i32>} : memref<128x128xf32, #tpu.memory_space<vmem>>, vector<1x16xf32>,
      %swap3A_77 = vector.shape_cast %swap3A_76 : vector<1x16xf32> to vector<16xf32>
      %swap3A_78 = vector.shape_cast %broadcast_in_dim3A_1 : vector<16xf32> to vector<1x16xf32>
      tpu.vector_store %arg9[%swap3A_74, %swap3A_75], %swap3A_78 {strides = array<i32>} : memref<128x128xf32, #tpu.memory_space<vmem>>, vector<1x16xf32>,
      %swap3A_79 = arith.index_cast %scan3A_64 : i32 to index
      %swap3A_80 = arith.constant 48 : index
      %swap3A_81 = tpu.vector_load %arg9[%swap3A_79, %swap3A_80] {strides = array<i32>} : memref<128x128xf32, #tpu.memory_space<vmem>>, vector<1x16xf32>,
      %swap3A_82 = vector.shape_cast %swap3A_81 : vector<1x16xf32> to vector<16xf32>
      %swap3A_83 = vector.shape_cast %broadcast_in_dim3A_1 : vector<16xf32> to vector<1x16xf32>
      tpu.vector_store %arg9[%swap3A_79, %swap3A_80], %swap3A_83 {strides = array<i32>} : memref<128x128xf32, #tpu.memory_space<vmem>>, vector<1x16xf32>,
      %swap3A_84 = arith.index_cast %scan3A_64 : i32 to index
      %swap3A_85 = arith.constant 64 : index
      %swap3A_86 = tpu.vector_load %arg9[%swap3A_84, %swap3A_85] {strides = array<i32>} : memref<128x128xf32, #tpu.memory_space<vmem>>, vector<1x16xf32>,
      %swap3A_87 = vector.shape_cast %swap3A_86 : vector<1x16xf32> to vector<16xf32>
      %swap3A_88 = vector.shape_cast %broadcast_in_dim3A_1 : vector<16xf32> to vector<1x16xf32>
      tpu.vector_store %arg9[%swap3A_84, %swap3A_85], %swap3A_88 {strides = array<i32>} : memref<128x128xf32, #tpu.memory_space<vmem>>, vector<1x16xf32>,
      %swap3A_89 = arith.index_cast %scan3A_64 : i32 to index
      %swap3A_90 = arith.constant 80 : index
      %swap3A_91 = tpu.vector_load %arg9[%swap3A_89, %swap3A_90] {strides = array<i32>} : memref<128x128xf32, #tpu.memory_space<vmem>>, vector<1x16xf32>,
      %swap3A_92 = vector.shape_cast %swap3A_91 : vector<1x16xf32> to vector<16xf32>
      %swap3A_93 = vector.shape_cast %broadcast_in_dim3A_1 : vector<16xf32> to vector<1x16xf32>
      tpu.vector_store %arg9[%swap3A_89, %swap3A_90], %swap3A_93 {strides = array<i32>} : memref<128x128xf32, #tpu.memory_space<vmem>>, vector<1x16xf32>,
      %swap3A_94 = arith.index_cast %scan3A_64 : i32 to index
      %swap3A_95 = arith.constant 96 : index
      %swap3A_96 = tpu.vector_load %arg9[%swap3A_94, %swap3A_95] {strides = array<i32>} : memref<128x128xf32, #tpu.memory_space<vmem>>, vector<1x16xf32>,
      %swap3A_97 = vector.shape_cast %swap3A_96 : vector<1x16xf32> to vector<16xf32>
      %swap3A_98 = vector.shape_cast %broadcast_in_dim3A_1 : vector<16xf32> to vector<1x16xf32>
      tpu.vector_store %arg9[%swap3A_94, %swap3A_95], %swap3A_98 {strides = array<i32>} : memref<128x128xf32, #tpu.memory_space<vmem>>, vector<1x16xf32>,
      %swap3A_99 = arith.index_cast %scan3A_64 : i32 to index
      %swap3A_100 = arith.constant 112 : index
      %swap3A_101 = tpu.vector_load %arg9[%swap3A_99, %swap3A_100] {strides = array<i32>} : memref<128x128xf32, #tpu.memory_space<vmem>>, vector<1x16xf32>,
      %swap3A_102 = vector.shape_cast %swap3A_101 : vector<1x16xf32> to vector<16xf32>
      %swap3A_103 = vector.shape_cast %broadcast_in_dim3A_1 : vector<16xf32> to vector<1x16xf32>
      tpu.vector_store %arg9[%swap3A_99, %swap3A_100], %swap3A_103 {strides = array<i32>} : memref<128x128xf32, #tpu.memory_space<vmem>>, vector<1x16xf32>,
    }
    %scan3A_6 = arith.constant 128 : i32
    %broadcast_in_dim3A_7 = arith.constant 1.000000e+00 : f32
    %broadcast_in_dim3A_8 = vector.broadcast %broadcast_in_dim3A_7 : f32 to vector<16xf32>
    %scan3A_9 = arith.constant 0 : i32
    %scan3A_10 = arith.constant 0 : i32
    %scan3A_11 = arith.constant 8 : i32
    %scan3A_12 = arith.addi %scan3A_10, %scan3A_11 : i32
    %scan3A_13 = arith.constant 1 : i32
    scf.for %scan3A_64 = %scan3A_10 to %scan3A_12 step %scan3A_13  : i32 {
      %mul3A_65 = arith.constant 16 : i32
      %mul3A_66 = arith.muli %scan3A_64, %mul3A_65 : i32
      %swap3A = arith.index_cast %mul3A_66 : i32 to index
      %swap3A_67 = tpu.vector_load %arg11[%swap3A] {strides = array<i32>} : memref<128xf32, #tpu.memory_space<vmem>>, vector<16xf32>,
      %swap3A_68 = vector.shape_cast %swap3A_67 : vector<16xf32> to vector<16xf32>
      %swap3A_69 = vector.shape_cast %broadcast_in_dim3A_8 : vector<16xf32> to vector<16xf32>
      tpu.vector_store %arg11[%swap3A], %swap3A_69 {strides = array<i32>} : memref<128xf32, #tpu.memory_space<vmem>>, vector<16xf32>,
    }
    %scan3A_14 = arith.constant 8 : i32
    %broadcast_in_dim3A_15 = arith.constant 0.000000e+00 : f32
    %broadcast_in_dim3A_16 = vector.broadcast %broadcast_in_dim3A_15 : f32 to vector<16xf32>
    %scan3A_17 = arith.constant 0 : i32
    %scan3A_18 = arith.constant 0 : i32
    %scan3A_19 = arith.constant 16 : i32
    %scan3A_20 = arith.addi %scan3A_18, %scan3A_19 : i32
    %scan3A_21 = arith.constant 1 : i32
    scf.for %scan3A_64 = %scan3A_18 to %scan3A_20 step %scan3A_21  : i32 {
      %mul3A_65 = arith.constant 16 : i32
      %mul3A_66 = arith.muli %scan3A_64, %mul3A_65 : i32
      %swap3A = arith.index_cast %mul3A_66 : i32 to index
      %swap3A_67 = tpu.vector_load %arg12[%swap3A] {strides = array<i32>} : memref<256xf32, #tpu.memory_space<vmem>>, vector<16xf32>,
      %swap3A_68 = vector.shape_cast %swap3A_67 : vector<16xf32> to vector<16xf32>
      %swap3A_69 = vector.shape_cast %broadcast_in_dim3A_16 : vector<16xf32> to vector<16xf32>
      tpu.vector_store %arg12[%swap3A], %swap3A_69 {strides = array<i32>} : memref<256xf32, #tpu.memory_space<vmem>>, vector<16xf32>,
    }
    %scan3A_22 = arith.constant 16 : i32
    %mul3A_23 = arith.constant 256 : i32
    %mul3A_24 = arith.muli %arg1, %mul3A_23 : i32
    %add3A_25 = arith.constant 0 : i32
    %add3A_26 = arith.addi %mul3A_24, %add3A_25 : i32
    "tpu.region"() ({
      %run_scoped3A_64 = tpu.sem_alloc : memref<!tpu.dma_semaphore, #tpu.memory_space<semaphore_mem>>
      %dma_start3A_65 = arith.constant 0 : i32
      %dma_start3A_66 = arith.constant 0 : i32
      %dma_start3A_67 = tpu.memref_slice %arg9[%dma_start3A_65, %dma_start3A_66] : memref<128x128xf32, #tpu.memory_space<vmem>> -> memref<128x128xf32, #tpu.memory_space<vmem>>
      %dma_start3A_68 = arith.constant 0 : i32
      %dma_start3A_69 = tpu.memref_slice %arg13[%add3A_26, %dma_start3A_68] : memref<4096x128xf32, #tpu.memory_space<vmem_shared>> -> memref<128x128xf32, #tpu.memory_space<vmem_shared>>
      %dma_start3A_70 = arith.constant 0 : i32
      %dma_start3A_71 = tpu.memref_slice %arg13[%add3A_26, %dma_start3A_70] : memref<4096x128xf32, #tpu.memory_space<vmem_shared>> -> memref<128x128xf32, #tpu.memory_space<vmem_shared>>
      %dma_start3A_72 = arith.constant 0 : i32
      %dma_start3A_73 = arith.constant 0 : i32
      %dma_start3A_74 = tpu.memref_slice %arg9[%dma_start3A_72, %dma_start3A_73] : memref<128x128xf32, #tpu.memory_space<vmem>> -> memref<128x128xf32, #tpu.memory_space<vmem>>
      tpu.enqueue_dma source(%dma_start3A_74 : memref<128x128xf32, #tpu.memory_space<vmem>>) target(%dma_start3A_71 : memref<128x128xf32, #tpu.memory_space<vmem_shared>>) target_semaphore(%run_scoped3A_64 : memref<!tpu.dma_semaphore, #tpu.memory_space<semaphore_mem>>)
      %dma_wait3A_75 = arith.constant 0 : i32
      %dma_wait3A_76 = arith.constant 0 : i32
      %dma_wait3A_77 = tpu.memref_slice %arg9[%dma_wait3A_75, %dma_wait3A_76] : memref<128x128xf32, #tpu.memory_space<vmem>> -> memref<128x128xf32, #tpu.memory_space<vmem>>
      %dma_wait3A_78 = arith.constant 0 : i32
      %dma_wait3A_79 = tpu.memref_slice %arg13[%add3A_26, %dma_wait3A_78] : memref<4096x128xf32, #tpu.memory_space<vmem_shared>> -> memref<128x128xf32, #tpu.memory_space<vmem_shared>>
      %dma_wait3A_80 = arith.constant 0 : i32
      %dma_wait3A_81 = tpu.memref_slice %arg13[%add3A_26, %dma_wait3A_80] : memref<4096x128xf32, #tpu.memory_space<vmem_shared>> -> memref<128x128xf32, #tpu.memory_space<vmem_shared>>
      %dma_wait3A_82 = arith.constant 0 : i32
      %dma_wait3A_83 = arith.constant 0 : i32
      %dma_wait3A_84 = tpu.memref_slice %arg9[%dma_wait3A_82, %dma_wait3A_83] : memref<128x128xf32, #tpu.memory_space<vmem>> -> memref<128x128xf32, #tpu.memory_space<vmem>>
      tpu.wait_dma2 semaphore(%run_scoped3A_64 : memref<!tpu.dma_semaphore, #tpu.memory_space<semaphore_mem>>) src(%dma_wait3A_84 : memref<128x128xf32, #tpu.memory_space<vmem>>) dst(%dma_wait3A_81 : memref<128x128xf32, #tpu.memory_space<vmem_shared>>)
      tpu.yield
    }) : () -> ()
    %add3A_27 = arith.constant 128 : i32
    %add3A_28 = arith.addi %mul3A_24, %add3A_27 : i32
    "tpu.region"() ({
      %run_scoped3A_64 = tpu.sem_alloc : memref<!tpu.dma_semaphore, #tpu.memory_space<semaphore_mem>>
      %dma_start3A_65 = arith.constant 0 : i32
      %dma_start3A_66 = arith.constant 0 : i32
      %dma_start3A_67 = tpu.memref_slice %arg9[%dma_start3A_65, %dma_start3A_66] : memref<128x128xf32, #tpu.memory_space<vmem>> -> memref<128x128xf32, #tpu.memory_space<vmem>>
      %dma_start3A_68 = arith.constant 0 : i32
      %dma_start3A_69 = tpu.memref_slice %arg13[%add3A_28, %dma_start3A_68] : memref<4096x128xf32, #tpu.memory_space<vmem_shared>> -> memref<128x128xf32, #tpu.memory_space<vmem_shared>>
      %dma_start3A_70 = arith.constant 0 : i32
      %dma_start3A_71 = tpu.memref_slice %arg13[%add3A_28, %dma_start3A_70] : memref<4096x128xf32, #tpu.memory_space<vmem_shared>> -> memref<128x128xf32, #tpu.memory_space<vmem_shared>>
      %dma_start3A_72 = arith.constant 0 : i32
      %dma_start3A_73 = arith.constant 0 : i32
      %dma_start3A_74 = tpu.memref_slice %arg9[%dma_start3A_72, %dma_start3A_73] : memref<128x128xf32, #tpu.memory_space<vmem>> -> memref<128x128xf32, #tpu.memory_space<vmem>>
      tpu.enqueue_dma source(%dma_start3A_74 : memref<128x128xf32, #tpu.memory_space<vmem>>) target(%dma_start3A_71 : memref<128x128xf32, #tpu.memory_space<vmem_shared>>) target_semaphore(%run_scoped3A_64 : memref<!tpu.dma_semaphore, #tpu.memory_space<semaphore_mem>>)
      %dma_wait3A_75 = arith.constant 0 : i32
      %dma_wait3A_76 = arith.constant 0 : i32
      %dma_wait3A_77 = tpu.memref_slice %arg9[%dma_wait3A_75, %dma_wait3A_76] : memref<128x128xf32, #tpu.memory_space<vmem>> -> memref<128x128xf32, #tpu.memory_space<vmem>>
      %dma_wait3A_78 = arith.constant 0 : i32
      %dma_wait3A_79 = tpu.memref_slice %arg13[%add3A_28, %dma_wait3A_78] : memref<4096x128xf32, #tpu.memory_space<vmem_shared>> -> memref<128x128xf32, #tpu.memory_space<vmem_shared>>
      %dma_wait3A_80 = arith.constant 0 : i32
      %dma_wait3A_81 = tpu.memref_slice %arg13[%add3A_28, %dma_wait3A_80] : memref<4096x128xf32, #tpu.memory_space<vmem_shared>> -> memref<128x128xf32, #tpu.memory_space<vmem_shared>>
      %dma_wait3A_82 = arith.constant 0 : i32
      %dma_wait3A_83 = arith.constant 0 : i32
      %dma_wait3A_84 = tpu.memref_slice %arg9[%dma_wait3A_82, %dma_wait3A_83] : memref<128x128xf32, #tpu.memory_space<vmem>> -> memref<128x128xf32, #tpu.memory_space<vmem>>
      tpu.wait_dma2 semaphore(%run_scoped3A_64 : memref<!tpu.dma_semaphore, #tpu.memory_space<semaphore_mem>>) src(%dma_wait3A_84 : memref<128x128xf32, #tpu.memory_space<vmem>>) dst(%dma_wait3A_81 : memref<128x128xf32, #tpu.memory_space<vmem_shared>>)
      tpu.yield
    }) : () -> ()
    %mul3A_29 = arith.constant 256 : i32
    %mul3A_30 = arith.muli %arg1, %mul3A_29 : i32
    "tpu.region"() ({
      %run_scoped3A_64 = tpu.sem_alloc : memref<!tpu.dma_semaphore, #tpu.memory_space<semaphore_mem>>
      %dma_start3A_65 = tpu.memref_slice %arg14[%mul3A_30] : memref<4096xf32, #tpu.memory_space<vmem_shared>> -> memref<256xf32, #tpu.memory_space<vmem_shared>>
      %dma_start3A_66 = tpu.memref_slice %arg14[%mul3A_30] : memref<4096xf32, #tpu.memory_space<vmem_shared>> -> memref<256xf32, #tpu.memory_space<vmem_shared>>
      tpu.enqueue_dma source(%arg12 : memref<256xf32, #tpu.memory_space<vmem>>) target(%dma_start3A_66 : memref<256xf32, #tpu.memory_space<vmem_shared>>) target_semaphore(%run_scoped3A_64 : memref<!tpu.dma_semaphore, #tpu.memory_space<semaphore_mem>>)
      %dma_wait3A_67 = tpu.memref_slice %arg14[%mul3A_30] : memref<4096xf32, #tpu.memory_space<vmem_shared>> -> memref<256xf32, #tpu.memory_space<vmem_shared>>
      %dma_wait3A_68 = tpu.memref_slice %arg14[%mul3A_30] : memref<4096xf32, #tpu.memory_space<vmem_shared>> -> memref<256xf32, #tpu.memory_space<vmem_shared>>
      tpu.wait_dma2 semaphore(%run_scoped3A_64 : memref<!tpu.dma_semaphore, #tpu.memory_space<semaphore_mem>>) src(%arg12 : memref<256xf32, #tpu.memory_space<vmem>>) dst(%dma_wait3A_68 : memref<256xf32, #tpu.memory_space<vmem_shared>>)
      tpu.yield
    }) : () -> ()
    %barrier3A = arith.constant 0 : index
    tpu.barrier barrier_id(%barrier3A)
    "tpu.region"() ({
      %run_scoped3A_64 = tpu.sem_alloc : memref<!tpu.dma_semaphore, #tpu.memory_space<semaphore_mem>>
      %dma_start3A_65 = arith.constant 0 : i32
      %dma_start3A_66 = arith.constant 0 : i32
      %dma_start3A_67 = tpu.memref_slice %arg3[%add3A, %dma_start3A_65, %dma_start3A_66] : memref<32x25x128xi32, #tpu.memory_space<hbm>> -> memref<1x25x128xi32, #tpu.memory_space<hbm>>
      %dma_start3A_68 = tpu.memref_squeeze %dma_start3A_67 : memref<1x25x128xi32, #tpu.memory_space<hbm>> -> memref<25x128xi32, #tpu.memory_space<hbm>>
      %dma_start3A_69 = arith.constant 0 : i32
      %dma_start3A_70 = arith.constant 0 : i32
      %dma_start3A_71 = tpu.memref_slice %arg3[%add3A, %dma_start3A_69, %dma_start3A_70] : memref<32x25x128xi32, #tpu.memory_space<hbm>> -> memref<1x25x128xi32, #tpu.memory_space<hbm>>
      %dma_start3A_72 = tpu.memref_squeeze %dma_start3A_71 : memref<1x25x128xi32, #tpu.memory_space<hbm>> -> memref<25x128xi32, #tpu.memory_space<hbm>>
      tpu.enqueue_dma source(%dma_start3A_72 : memref<25x128xi32, #tpu.memory_space<hbm>>) target(%arg7 : memref<25x128xi32, #tpu.memory_space<vmem>>) target_semaphore(%run_scoped3A_64 : memref<!tpu.dma_semaphore, #tpu.memory_space<semaphore_mem>>)
      %dma_wait3A_73 = arith.constant 0 : i32
      %dma_wait3A_74 = arith.constant 0 : i32
      %dma_wait3A_75 = tpu.memref_slice %arg3[%add3A, %dma_wait3A_73, %dma_wait3A_74] : memref<32x25x128xi32, #tpu.memory_space<hbm>> -> memref<1x25x128xi32, #tpu.memory_space<hbm>>
      %dma_wait3A_76 = tpu.memref_squeeze %dma_wait3A_75 : memref<1x25x128xi32, #tpu.memory_space<hbm>> -> memref<25x128xi32, #tpu.memory_space<hbm>>
      %dma_wait3A_77 = arith.constant 0 : i32
      %dma_wait3A_78 = arith.constant 0 : i32
      %dma_wait3A_79 = tpu.memref_slice %arg3[%add3A, %dma_wait3A_77, %dma_wait3A_78] : memref<32x25x128xi32, #tpu.memory_space<hbm>> -> memref<1x25x128xi32, #tpu.memory_space<hbm>>
      %dma_wait3A_80 = tpu.memref_squeeze %dma_wait3A_79 : memref<1x25x128xi32, #tpu.memory_space<hbm>> -> memref<25x128xi32, #tpu.memory_space<hbm>>
      tpu.wait_dma2 semaphore(%run_scoped3A_64 : memref<!tpu.dma_semaphore, #tpu.memory_space<semaphore_mem>>) src(%dma_wait3A_80 : memref<25x128xi32, #tpu.memory_space<hbm>>) dst(%arg7 : memref<25x128xi32, #tpu.memory_space<vmem>>)
      tpu.yield
    }) : () -> ()
    "tpu.region"() ({
      %run_scoped3A_64 = tpu.sem_alloc : memref<!tpu.dma_semaphore, #tpu.memory_space<semaphore_mem>>
      %dma_start3A_65 = arith.constant 0 : i32
      %dma_start3A_66 = arith.constant 0 : i32
      %dma_start3A_67 = tpu.memref_slice %arg4[%add3A, %dma_start3A_65, %dma_start3A_66] : memref<32x25x128xi32, #tpu.memory_space<hbm>> -> memref<1x25x128xi32, #tpu.memory_space<hbm>>
      %dma_start3A_68 = tpu.memref_squeeze %dma_start3A_67 : memref<1x25x128xi32, #tpu.memory_space<hbm>> -> memref<25x128xi32, #tpu.memory_space<hbm>>
      %dma_start3A_69 = arith.constant 0 : i32
      %dma_start3A_70 = arith.constant 0 : i32
      %dma_start3A_71 = tpu.memref_slice %arg4[%add3A, %dma_start3A_69, %dma_start3A_70] : memref<32x25x128xi32, #tpu.memory_space<hbm>> -> memref<1x25x128xi32, #tpu.memory_space<hbm>>
      %dma_start3A_72 = tpu.memref_squeeze %dma_start3A_71 : memref<1x25x128xi32, #tpu.memory_space<hbm>> -> memref<25x128xi32, #tpu.memory_space<hbm>>
      tpu.enqueue_dma source(%dma_start3A_72 : memref<25x128xi32, #tpu.memory_space<hbm>>) target(%arg8 : memref<25x128xi32, #tpu.memory_space<vmem>>) target_semaphore(%run_scoped3A_64 : memref<!tpu.dma_semaphore, #tpu.memory_space<semaphore_mem>>)
      %dma_wait3A_73 = arith.constant 0 : i32
      %dma_wait3A_74 = arith.constant 0 : i32
      %dma_wait3A_75 = tpu.memref_slice %arg4[%add3A, %dma_wait3A_73, %dma_wait3A_74] : memref<32x25x128xi32, #tpu.memory_space<hbm>> -> memref<1x25x128xi32, #tpu.memory_space<hbm>>
      %dma_wait3A_76 = tpu.memref_squeeze %dma_wait3A_75 : memref<1x25x128xi32, #tpu.memory_space<hbm>> -> memref<25x128xi32, #tpu.memory_space<hbm>>
      %dma_wait3A_77 = arith.constant 0 : i32
      %dma_wait3A_78 = arith.constant 0 : i32
      %dma_wait3A_79 = tpu.memref_slice %arg4[%add3A, %dma_wait3A_77, %dma_wait3A_78] : memref<32x25x128xi32, #tpu.memory_space<hbm>> -> memref<1x25x128xi32, #tpu.memory_space<hbm>>
      %dma_wait3A_80 = tpu.memref_squeeze %dma_wait3A_79 : memref<1x25x128xi32, #tpu.memory_space<hbm>> -> memref<25x128xi32, #tpu.memory_space<hbm>>
      tpu.wait_dma2 semaphore(%run_scoped3A_64 : memref<!tpu.dma_semaphore, #tpu.memory_space<semaphore_mem>>) src(%dma_wait3A_80 : memref<25x128xi32, #tpu.memory_space<hbm>>) dst(%arg8 : memref<25x128xi32, #tpu.memory_space<vmem>>)
      tpu.yield
    }) : () -> ()
    %dma_start3A = arith.constant 0 : i32
    %dma_start3A_31 = arith.constant 0 : i32
    %dma_start3A_32 = tpu.memref_slice %arg7[%dma_start3A, %dma_start3A_31] : memref<25x128xi32, #tpu.memory_space<vmem>> -> memref<1x128xi32, #tpu.memory_space<vmem>>
    %dma_start3A_33 = tpu.memref_squeeze %dma_start3A_32 : memref<1x128xi32, #tpu.memory_space<vmem>> -> memref<128xi32, #tpu.memory_space<vmem>>
    %dma_start3A_34 = arith.constant 0 : i32
    %dma_start3A_35 = arith.constant 0 : i32
    %dma_start3A_36 = tpu.memref_slice %arg2[%dma_start3A_34, %dma_start3A_35] : memref<16000x128xf32, #tpu.memory_space<hbm>> -> memref<16000x128xf32, #tpu.memory_space<hbm>>
    tpu.enqueue_indirect_dma source(%dma_start3A_36 : memref<16000x128xf32, #tpu.memory_space<hbm>>) target(%arg9 : memref<128x128xf32, #tpu.memory_space<vmem>>) offsets(%dma_start3A_33 : memref<128xi32, #tpu.memory_space<vmem>>) semaphore(%arg15 : memref<!tpu.dma_semaphore, #tpu.memory_space<semaphore_mem>>)
    %scan3A_37 = arith.constant 0 : i32
    %scan3A_38 = arith.constant 0 : i32
    %scan3A_39 = arith.constant 12 : i32
    %scan3A_40 = arith.addi %scan3A_38, %scan3A_39 : i32
    %scan3A_41 = arith.constant 1 : i32
    scf.for %scan3A_64 = %scan3A_38 to %scan3A_40 step %scan3A_41  : i32 {
      %mul3A_65 = arith.constant 2 : i32
      %mul3A_66 = arith.muli %mul3A_65, %scan3A_64 : i32
      %add3A_67 = arith.constant 1 : i32
      %add3A_68 = arith.addi %mul3A_66, %add3A_67 : i32
      %dma_start3A_69 = arith.constant 0 : i32
      %dma_start3A_70 = tpu.memref_slice %arg7[%add3A_68, %dma_start3A_69] : memref<25x128xi32, #tpu.memory_space<vmem>> -> memref<1x128xi32, #tpu.memory_space<vmem>>
      %dma_start3A_71 = tpu.memref_squeeze %dma_start3A_70 : memref<1x128xi32, #tpu.memory_space<vmem>> -> memref<128xi32, #tpu.memory_space<vmem>>
      %dma_start3A_72 = arith.constant 0 : i32
      %dma_start3A_73 = arith.constant 0 : i32
      %dma_start3A_74 = tpu.memref_slice %arg2[%dma_start3A_72, %dma_start3A_73] : memref<16000x128xf32, #tpu.memory_space<hbm>> -> memref<16000x128xf32, #tpu.memory_space<hbm>>
      tpu.enqueue_indirect_dma source(%dma_start3A_74 : memref<16000x128xf32, #tpu.memory_space<hbm>>) target(%arg10 : memref<128x128xf32, #tpu.memory_space<vmem>>) offsets(%dma_start3A_71 : memref<128xi32, #tpu.memory_space<vmem>>) semaphore(%arg16 : memref<!tpu.dma_semaphore, #tpu.memory_space<semaphore_mem>>)
      %dma_wait3A_75 = arith.constant 0 : i32
      %dma_wait3A_76 = tpu.memref_slice %arg7[%mul3A_66, %dma_wait3A_75] : memref<25x128xi32, #tpu.memory_space<vmem>> -> memref<1x128xi32, #tpu.memory_space<vmem>>
      %dma_wait3A_77 = tpu.memref_squeeze %dma_wait3A_76 : memref<1x128xi32, #tpu.memory_space<vmem>> -> memref<128xi32, #tpu.memory_space<vmem>>
      %dma_wait3A_78 = arith.constant 0 : i32
      %dma_wait3A_79 = arith.constant 0 : i32
      %dma_wait3A_80 = tpu.memref_slice %arg2[%dma_wait3A_78, %dma_wait3A_79] : memref<16000x128xf32, #tpu.memory_space<hbm>> -> memref<16000x128xf32, #tpu.memory_space<hbm>>
      tpu.wait_indirect_dma semaphore(%arg15 : memref<!tpu.dma_semaphore, #tpu.memory_space<semaphore_mem>>) src(%dma_wait3A_80 : memref<16000x128xf32, #tpu.memory_space<hbm>>) dst(%arg9 : memref<128x128xf32, #tpu.memory_space<vmem>>)
      "tpu.region"() ({
        %run_scoped3A_99 = tpu.sem_alloc : memref<!tpu.dma_semaphore, #tpu.memory_space<semaphore_mem>>
        %dma_start3A_100 = arith.constant 0 : i32
        %dma_start3A_101 = tpu.memref_slice %arg8[%mul3A_66, %dma_start3A_100] : memref<25x128xi32, #tpu.memory_space<vmem>> -> memref<1x128xi32, #tpu.memory_space<vmem>>
        %dma_start3A_102 = tpu.memref_squeeze %dma_start3A_101 : memref<1x128xi32, #tpu.memory_space<vmem>> -> memref<128xi32, #tpu.memory_space<vmem>>
        %dma_start3A_103 = arith.constant 0 : i32
        %dma_start3A_104 = arith.constant 0 : i32
        %dma_start3A_105 = tpu.memref_slice %arg13[%dma_start3A_103, %dma_start3A_104] : memref<4096x128xf32, #tpu.memory_space<vmem_shared>> -> memref<4096x128xf32, #tpu.memory_space<vmem_shared>>
        tpu.enqueue_indirect_dma source(%arg9 : memref<128x128xf32, #tpu.memory_space<vmem>>) target(%dma_start3A_105 : memref<4096x128xf32, #tpu.memory_space<vmem_shared>>) offsets(%dma_start3A_102 : memref<128xi32, #tpu.memory_space<vmem>>) semaphore(%run_scoped3A_99 : memref<!tpu.dma_semaphore, #tpu.memory_space<semaphore_mem>>) {add = true}
        %dma_wait3A_106 = arith.constant 0 : i32
        %dma_wait3A_107 = tpu.memref_slice %arg8[%mul3A_66, %dma_wait3A_106] : memref<25x128xi32, #tpu.memory_space<vmem>> -> memref<1x128xi32, #tpu.memory_space<vmem>>
        %dma_wait3A_108 = tpu.memref_squeeze %dma_wait3A_107 : memref<1x128xi32, #tpu.memory_space<vmem>> -> memref<128xi32, #tpu.memory_space<vmem>>
        %dma_wait3A_109 = arith.constant 0 : i32
        %dma_wait3A_110 = arith.constant 0 : i32
        %dma_wait3A_111 = tpu.memref_slice %arg13[%dma_wait3A_109, %dma_wait3A_110] : memref<4096x128xf32, #tpu.memory_space<vmem_shared>> -> memref<4096x128xf32, #tpu.memory_space<vmem_shared>>
        tpu.wait_indirect_dma semaphore(%run_scoped3A_99 : memref<!tpu.dma_semaphore, #tpu.memory_space<semaphore_mem>>) src(%arg9 : memref<128x128xf32, #tpu.memory_space<vmem>>) dst(%dma_wait3A_111 : memref<4096x128xf32, #tpu.memory_space<vmem_shared>>)
        tpu.yield
      }) : () -> ()
      "tpu.region"() ({
        %run_scoped3A_99 = tpu.sem_alloc : memref<!tpu.dma_semaphore, #tpu.memory_space<semaphore_mem>>
        %dma_start3A_100 = arith.constant 0 : i32
        %dma_start3A_101 = tpu.memref_slice %arg8[%mul3A_66, %dma_start3A_100] : memref<25x128xi32, #tpu.memory_space<vmem>> -> memref<1x128xi32, #tpu.memory_space<vmem>>
        %dma_start3A_102 = tpu.memref_squeeze %dma_start3A_101 : memref<1x128xi32, #tpu.memory_space<vmem>> -> memref<128xi32, #tpu.memory_space<vmem>>
        %dma_start3A_103 = arith.constant 0 : i32
        %dma_start3A_104 = tpu.memref_slice %arg14[%dma_start3A_103] : memref<4096xf32, #tpu.memory_space<vmem_shared>> -> memref<4096xf32, #tpu.memory_space<vmem_shared>>
        tpu.enqueue_indirect_dma source(%arg11 : memref<128xf32, #tpu.memory_space<vmem>>) target(%dma_start3A_104 : memref<4096xf32, #tpu.memory_space<vmem_shared>>) offsets(%dma_start3A_102 : memref<128xi32, #tpu.memory_space<vmem>>) semaphore(%run_scoped3A_99 : memref<!tpu.dma_semaphore, #tpu.memory_space<semaphore_mem>>) {add = true}
        %dma_wait3A_105 = arith.constant 0 : i32
        %dma_wait3A_106 = tpu.memref_slice %arg8[%mul3A_66, %dma_wait3A_105] : memref<25x128xi32, #tpu.memory_space<vmem>> -> memref<1x128xi32, #tpu.memory_space<vmem>>
        %dma_wait3A_107 = tpu.memref_squeeze %dma_wait3A_106 : memref<1x128xi32, #tpu.memory_space<vmem>> -> memref<128xi32, #tpu.memory_space<vmem>>
        %dma_wait3A_108 = arith.constant 0 : i32
        %dma_wait3A_109 = tpu.memref_slice %arg14[%dma_wait3A_108] : memref<4096xf32, #tpu.memory_space<vmem_shared>> -> memref<4096xf32, #tpu.memory_space<vmem_shared>>
        tpu.wait_indirect_dma semaphore(%run_scoped3A_99 : memref<!tpu.dma_semaphore, #tpu.memory_space<semaphore_mem>>) src(%arg11 : memref<128xf32, #tpu.memory_space<vmem>>) dst(%dma_wait3A_109 : memref<4096xf32, #tpu.memory_space<vmem_shared>>)
        tpu.yield
      }) : () -> ()
      %add3A_81 = arith.constant 2 : i32
      %add3A_82 = arith.addi %mul3A_66, %add3A_81 : i32
      %dma_start3A_83 = arith.constant 0 : i32
      %dma_start3A_84 = tpu.memref_slice %arg7[%add3A_82, %dma_start3A_83] : memref<25x128xi32, #tpu.memory_space<vmem>> -> memref<1x128xi32, #tpu.memory_space<vmem>>
      %dma_start3A_85 = tpu.memref_squeeze %dma_start3A_84 : memref<1x128xi32, #tpu.memory_space<vmem>> -> memref<128xi32, #tpu.memory_space<vmem>>
      %dma_start3A_86 = arith.constant 0 : i32
      %dma_start3A_87 = arith.constant 0 : i32
      %dma_start3A_88 = tpu.memref_slice %arg2[%dma_start3A_86, %dma_start3A_87] : memref<16000x128xf32, #tpu.memory_space<hbm>> -> memref<16000x128xf32, #tpu.memory_space<hbm>>
      tpu.enqueue_indirect_dma source(%dma_start3A_88 : memref<16000x128xf32, #tpu.memory_space<hbm>>) target(%arg9 : memref<128x128xf32, #tpu.memory_space<vmem>>) offsets(%dma_start3A_85 : memref<128xi32, #tpu.memory_space<vmem>>) semaphore(%arg15 : memref<!tpu.dma_semaphore, #tpu.memory_space<semaphore_mem>>)
      %add3A_89 = arith.constant 1 : i32
      %add3A_90 = arith.addi %mul3A_66, %add3A_89 : i32
      %dma_wait3A_91 = arith.constant 0 : i32
      %dma_wait3A_92 = tpu.memref_slice %arg7[%add3A_90, %dma_wait3A_91] : memref<25x128xi32, #tpu.memory_space<vmem>> -> memref<1x128xi32, #tpu.memory_space<vmem>>
      %dma_wait3A_93 = tpu.memref_squeeze %dma_wait3A_92 : memref<1x128xi32, #tpu.memory_space<vmem>> -> memref<128xi32, #tpu.memory_space<vmem>>
      %dma_wait3A_94 = arith.constant 0 : i32
      %dma_wait3A_95 = arith.constant 0 : i32
      %dma_wait3A_96 = tpu.memref_slice %arg2[%dma_wait3A_94, %dma_wait3A_95] : memref<16000x128xf32, #tpu.memory_space<hbm>> -> memref<16000x128xf32, #tpu.memory_space<hbm>>
      tpu.wait_indirect_dma semaphore(%arg16 : memref<!tpu.dma_semaphore, #tpu.memory_space<semaphore_mem>>) src(%dma_wait3A_96 : memref<16000x128xf32, #tpu.memory_space<hbm>>) dst(%arg10 : memref<128x128xf32, #tpu.memory_space<vmem>>)
      %add3A_97 = arith.constant 1 : i32
      %add3A_98 = arith.addi %mul3A_66, %add3A_97 : i32
      "tpu.region"() ({
        %run_scoped3A_99 = tpu.sem_alloc : memref<!tpu.dma_semaphore, #tpu.memory_space<semaphore_mem>>
        %dma_start3A_100 = arith.constant 0 : i32
        %dma_start3A_101 = tpu.memref_slice %arg8[%add3A_98, %dma_start3A_100] : memref<25x128xi32, #tpu.memory_space<vmem>> -> memref<1x128xi32, #tpu.memory_space<vmem>>
        %dma_start3A_102 = tpu.memref_squeeze %dma_start3A_101 : memref<1x128xi32, #tpu.memory_space<vmem>> -> memref<128xi32, #tpu.memory_space<vmem>>
        %dma_start3A_103 = arith.constant 0 : i32
        %dma_start3A_104 = arith.constant 0 : i32
        %dma_start3A_105 = tpu.memref_slice %arg13[%dma_start3A_103, %dma_start3A_104] : memref<4096x128xf32, #tpu.memory_space<vmem_shared>> -> memref<4096x128xf32, #tpu.memory_space<vmem_shared>>
        tpu.enqueue_indirect_dma source(%arg10 : memref<128x128xf32, #tpu.memory_space<vmem>>) target(%dma_start3A_105 : memref<4096x128xf32, #tpu.memory_space<vmem_shared>>) offsets(%dma_start3A_102 : memref<128xi32, #tpu.memory_space<vmem>>) semaphore(%run_scoped3A_99 : memref<!tpu.dma_semaphore, #tpu.memory_space<semaphore_mem>>) {add = true}
        %dma_wait3A_106 = arith.constant 0 : i32
        %dma_wait3A_107 = tpu.memref_slice %arg8[%add3A_98, %dma_wait3A_106] : memref<25x128xi32, #tpu.memory_space<vmem>> -> memref<1x128xi32, #tpu.memory_space<vmem>>
        %dma_wait3A_108 = tpu.memref_squeeze %dma_wait3A_107 : memref<1x128xi32, #tpu.memory_space<vmem>> -> memref<128xi32, #tpu.memory_space<vmem>>
        %dma_wait3A_109 = arith.constant 0 : i32
        %dma_wait3A_110 = arith.constant 0 : i32
        %dma_wait3A_111 = tpu.memref_slice %arg13[%dma_wait3A_109, %dma_wait3A_110] : memref<4096x128xf32, #tpu.memory_space<vmem_shared>> -> memref<4096x128xf32, #tpu.memory_space<vmem_shared>>
        tpu.wait_indirect_dma semaphore(%run_scoped3A_99 : memref<!tpu.dma_semaphore, #tpu.memory_space<semaphore_mem>>) src(%arg10 : memref<128x128xf32, #tpu.memory_space<vmem>>) dst(%dma_wait3A_111 : memref<4096x128xf32, #tpu.memory_space<vmem_shared>>)
        tpu.yield
      }) : () -> ()
      "tpu.region"() ({
        %run_scoped3A_99 = tpu.sem_alloc : memref<!tpu.dma_semaphore, #tpu.memory_space<semaphore_mem>>
        %dma_start3A_100 = arith.constant 0 : i32
        %dma_start3A_101 = tpu.memref_slice %arg8[%add3A_98, %dma_start3A_100] : memref<25x128xi32, #tpu.memory_space<vmem>> -> memref<1x128xi32, #tpu.memory_space<vmem>>
        %dma_start3A_102 = tpu.memref_squeeze %dma_start3A_101 : memref<1x128xi32, #tpu.memory_space<vmem>> -> memref<128xi32, #tpu.memory_space<vmem>>
        %dma_start3A_103 = arith.constant 0 : i32
        %dma_start3A_104 = tpu.memref_slice %arg14[%dma_start3A_103] : memref<4096xf32, #tpu.memory_space<vmem_shared>> -> memref<4096xf32, #tpu.memory_space<vmem_shared>>
        tpu.enqueue_indirect_dma source(%arg11 : memref<128xf32, #tpu.memory_space<vmem>>) target(%dma_start3A_104 : memref<4096xf32, #tpu.memory_space<vmem_shared>>) offsets(%dma_start3A_102 : memref<128xi32, #tpu.memory_space<vmem>>) semaphore(%run_scoped3A_99 : memref<!tpu.dma_semaphore, #tpu.memory_space<semaphore_mem>>) {add = true}
        %dma_wait3A_105 = arith.constant 0 : i32
        %dma_wait3A_106 = tpu.memref_slice %arg8[%add3A_98, %dma_wait3A_105] : memref<25x128xi32, #tpu.memory_space<vmem>> -> memref<1x128xi32, #tpu.memory_space<vmem>>
        %dma_wait3A_107 = tpu.memref_squeeze %dma_wait3A_106 : memref<1x128xi32, #tpu.memory_space<vmem>> -> memref<128xi32, #tpu.memory_space<vmem>>
        %dma_wait3A_108 = arith.constant 0 : i32
        %dma_wait3A_109 = tpu.memref_slice %arg14[%dma_wait3A_108] : memref<4096xf32, #tpu.memory_space<vmem_shared>> -> memref<4096xf32, #tpu.memory_space<vmem_shared>>
        tpu.wait_indirect_dma semaphore(%run_scoped3A_99 : memref<!tpu.dma_semaphore, #tpu.memory_space<semaphore_mem>>) src(%arg11 : memref<128xf32, #tpu.memory_space<vmem>>) dst(%dma_wait3A_109 : memref<4096xf32, #tpu.memory_space<vmem_shared>>)
        tpu.yield
      }) : () -> ()
    }
    %scan3A_42 = arith.constant 12 : i32
    %dma_wait3A = arith.constant 24 : i32
    %dma_wait3A_43 = arith.constant 0 : i32
    %dma_wait3A_44 = tpu.memref_slice %arg7[%dma_wait3A, %dma_wait3A_43] : memref<25x128xi32, #tpu.memory_space<vmem>> -> memref<1x128xi32, #tpu.memory_space<vmem>>
    %dma_wait3A_45 = tpu.memref_squeeze %dma_wait3A_44 : memref<1x128xi32, #tpu.memory_space<vmem>> -> memref<128xi32, #tpu.memory_space<vmem>>
    %dma_wait3A_46 = arith.constant 0 : i32
    %dma_wait3A_47 = arith.constant 0 : i32
    %dma_wait3A_48 = tpu.memref_slice %arg2[%dma_wait3A_46, %dma_wait3A_47] : memref<16000x128xf32, #tpu.memory_space<hbm>> -> memref<16000x128xf32, #tpu.memory_space<hbm>>
    tpu.wait_indirect_dma semaphore(%arg15 : memref<!tpu.dma_semaphore, #tpu.memory_space<semaphore_mem>>) src(%dma_wait3A_48 : memref<16000x128xf32, #tpu.memory_space<hbm>>) dst(%arg9 : memref<128x128xf32, #tpu.memory_space<vmem>>)
    %run_scoped3A = arith.constant 24 : i32
    "tpu.region"() ({
      %run_scoped3A_64 = tpu.sem_alloc : memref<!tpu.dma_semaphore, #tpu.memory_space<semaphore_mem>>
      %dma_start3A_65 = arith.constant 0 : i32
      %dma_start3A_66 = tpu.memref_slice %arg8[%run_scoped3A, %dma_start3A_65] : memref<25x128xi32, #tpu.memory_space<vmem>> -> memref<1x128xi32, #tpu.memory_space<vmem>>
      %dma_start3A_67 = tpu.memref_squeeze %dma_start3A_66 : memref<1x128xi32, #tpu.memory_space<vmem>> -> memref<128xi32, #tpu.memory_space<vmem>>
      %dma_start3A_68 = arith.constant 0 : i32
      %dma_start3A_69 = arith.constant 0 : i32
      %dma_start3A_70 = tpu.memref_slice %arg13[%dma_start3A_68, %dma_start3A_69] : memref<4096x128xf32, #tpu.memory_space<vmem_shared>> -> memref<4096x128xf32, #tpu.memory_space<vmem_shared>>
      tpu.enqueue_indirect_dma source(%arg9 : memref<128x128xf32, #tpu.memory_space<vmem>>) target(%dma_start3A_70 : memref<4096x128xf32, #tpu.memory_space<vmem_shared>>) offsets(%dma_start3A_67 : memref<128xi32, #tpu.memory_space<vmem>>) semaphore(%run_scoped3A_64 : memref<!tpu.dma_semaphore, #tpu.memory_space<semaphore_mem>>) {add = true}
      %dma_wait3A_71 = arith.constant 0 : i32
      %dma_wait3A_72 = tpu.memref_slice %arg8[%run_scoped3A, %dma_wait3A_71] : memref<25x128xi32, #tpu.memory_space<vmem>> -> memref<1x128xi32, #tpu.memory_space<vmem>>
      %dma_wait3A_73 = tpu.memref_squeeze %dma_wait3A_72 : memref<1x128xi32, #tpu.memory_space<vmem>> -> memref<128xi32, #tpu.memory_space<vmem>>
      %dma_wait3A_74 = arith.constant 0 : i32
      %dma_wait3A_75 = arith.constant 0 : i32
      %dma_wait3A_76 = tpu.memref_slice %arg13[%dma_wait3A_74, %dma_wait3A_75] : memref<4096x128xf32, #tpu.memory_space<vmem_shared>> -> memref<4096x128xf32, #tpu.memory_space<vmem_shared>>
      tpu.wait_indirect_dma semaphore(%run_scoped3A_64 : memref<!tpu.dma_semaphore, #tpu.memory_space<semaphore_mem>>) src(%arg9 : memref<128x128xf32, #tpu.memory_space<vmem>>) dst(%dma_wait3A_76 : memref<4096x128xf32, #tpu.memory_space<vmem_shared>>)
      tpu.yield
    }) : () -> ()
    %run_scoped3A_49 = arith.constant 24 : i32
    "tpu.region"() ({
      %run_scoped3A_64 = tpu.sem_alloc : memref<!tpu.dma_semaphore, #tpu.memory_space<semaphore_mem>>
      %dma_start3A_65 = arith.constant 0 : i32
      %dma_start3A_66 = tpu.memref_slice %arg8[%run_scoped3A_49, %dma_start3A_65] : memref<25x128xi32, #tpu.memory_space<vmem>> -> memref<1x128xi32, #tpu.memory_space<vmem>>
      %dma_start3A_67 = tpu.memref_squeeze %dma_start3A_66 : memref<1x128xi32, #tpu.memory_space<vmem>> -> memref<128xi32, #tpu.memory_space<vmem>>
      %dma_start3A_68 = arith.constant 0 : i32
      %dma_start3A_69 = tpu.memref_slice %arg14[%dma_start3A_68] : memref<4096xf32, #tpu.memory_space<vmem_shared>> -> memref<4096xf32, #tpu.memory_space<vmem_shared>>
      tpu.enqueue_indirect_dma source(%arg11 : memref<128xf32, #tpu.memory_space<vmem>>) target(%dma_start3A_69 : memref<4096xf32, #tpu.memory_space<vmem_shared>>) offsets(%dma_start3A_67 : memref<128xi32, #tpu.memory_space<vmem>>) semaphore(%run_scoped3A_64 : memref<!tpu.dma_semaphore, #tpu.memory_space<semaphore_mem>>) {add = true}
      %dma_wait3A_70 = arith.constant 0 : i32
      %dma_wait3A_71 = tpu.memref_slice %arg8[%run_scoped3A_49, %dma_wait3A_70] : memref<25x128xi32, #tpu.memory_space<vmem>> -> memref<1x128xi32, #tpu.memory_space<vmem>>
      %dma_wait3A_72 = tpu.memref_squeeze %dma_wait3A_71 : memref<1x128xi32, #tpu.memory_space<vmem>> -> memref<128xi32, #tpu.memory_space<vmem>>
      %dma_wait3A_73 = arith.constant 0 : i32
      %dma_wait3A_74 = tpu.memref_slice %arg14[%dma_wait3A_73] : memref<4096xf32, #tpu.memory_space<vmem_shared>> -> memref<4096xf32, #tpu.memory_space<vmem_shared>>
      tpu.wait_indirect_dma semaphore(%run_scoped3A_64 : memref<!tpu.dma_semaphore, #tpu.memory_space<semaphore_mem>>) src(%arg11 : memref<128xf32, #tpu.memory_space<vmem>>) dst(%dma_wait3A_74 : memref<4096xf32, #tpu.memory_space<vmem_shared>>)
      tpu.yield
    }) : () -> ()
    %barrier3A_50 = arith.constant 0 : index
    tpu.barrier barrier_id(%barrier3A_50)
    %mul3A_51 = arith.constant 4096 : i32
    %mul3A_52 = arith.muli %arg0, %mul3A_51 : i32
    %add3A_53 = arith.addi %mul3A_52, %mul3A_24 : i32
    %add3A_54 = arith.constant 0 : i32
    %add3A_55 = arith.addi %mul3A_24, %add3A_54 : i32
    %add3A_56 = arith.constant 0 : i32
    %add3A_57 = arith.addi %add3A_53, %add3A_56 : i32
    "tpu.region"() ({
      %run_scoped3A_64 = tpu.sem_alloc : memref<!tpu.dma_semaphore, #tpu.memory_space<semaphore_mem>>
      %dma_start3A_65 = arith.constant 0 : i32
      %dma_start3A_66 = tpu.memref_slice %arg5[%add3A_57, %dma_start3A_65] : memref<8192x128xf32, #tpu.memory_space<hbm>> -> memref<128x128xf32, #tpu.memory_space<hbm>>
      %dma_start3A_67 = arith.constant 0 : i32
      %dma_start3A_68 = tpu.memref_slice %arg13[%add3A_55, %dma_start3A_67] : memref<4096x128xf32, #tpu.memory_space<vmem_shared>> -> memref<128x128xf32, #tpu.memory_space<vmem_shared>>
      tpu.enqueue_dma source(%dma_start3A_68 : memref<128x128xf32, #tpu.memory_space<vmem_shared>>) target(%dma_start3A_66 : memref<128x128xf32, #tpu.memory_space<hbm>>) target_semaphore(%run_scoped3A_64 : memref<!tpu.dma_semaphore, #tpu.memory_space<semaphore_mem>>)
      %dma_wait3A_69 = arith.constant 0 : i32
      %dma_wait3A_70 = tpu.memref_slice %arg5[%add3A_57, %dma_wait3A_69] : memref<8192x128xf32, #tpu.memory_space<hbm>> -> memref<128x128xf32, #tpu.memory_space<hbm>>
      %dma_wait3A_71 = arith.constant 0 : i32
      %dma_wait3A_72 = tpu.memref_slice %arg13[%add3A_55, %dma_wait3A_71] : memref<4096x128xf32, #tpu.memory_space<vmem_shared>> -> memref<128x128xf32, #tpu.memory_space<vmem_shared>>
      tpu.wait_dma2 semaphore(%run_scoped3A_64 : memref<!tpu.dma_semaphore, #tpu.memory_space<semaphore_mem>>) src(%dma_wait3A_72 : memref<128x128xf32, #tpu.memory_space<vmem_shared>>) dst(%dma_wait3A_70 : memref<128x128xf32, #tpu.memory_space<hbm>>)
      tpu.yield
    }) : () -> ()
    %add3A_58 = arith.constant 128 : i32
    %add3A_59 = arith.addi %mul3A_24, %add3A_58 : i32
    %add3A_60 = arith.constant 128 : i32
    %add3A_61 = arith.addi %add3A_53, %add3A_60 : i32
    "tpu.region"() ({
      %run_scoped3A_64 = tpu.sem_alloc : memref<!tpu.dma_semaphore, #tpu.memory_space<semaphore_mem>>
      %dma_start3A_65 = arith.constant 0 : i32
      %dma_start3A_66 = tpu.memref_slice %arg5[%add3A_61, %dma_start3A_65] : memref<8192x128xf32, #tpu.memory_space<hbm>> -> memref<128x128xf32, #tpu.memory_space<hbm>>
      %dma_start3A_67 = arith.constant 0 : i32
      %dma_start3A_68 = tpu.memref_slice %arg13[%add3A_59, %dma_start3A_67] : memref<4096x128xf32, #tpu.memory_space<vmem_shared>> -> memref<128x128xf32, #tpu.memory_space<vmem_shared>>
      tpu.enqueue_dma source(%dma_start3A_68 : memref<128x128xf32, #tpu.memory_space<vmem_shared>>) target(%dma_start3A_66 : memref<128x128xf32, #tpu.memory_space<hbm>>) target_semaphore(%run_scoped3A_64 : memref<!tpu.dma_semaphore, #tpu.memory_space<semaphore_mem>>)
      %dma_wait3A_69 = arith.constant 0 : i32
      %dma_wait3A_70 = tpu.memref_slice %arg5[%add3A_61, %dma_wait3A_69] : memref<8192x128xf32, #tpu.memory_space<hbm>> -> memref<128x128xf32, #tpu.memory_space<hbm>>
      %dma_wait3A_71 = arith.constant 0 : i32
      %dma_wait3A_72 = tpu.memref_slice %arg13[%add3A_59, %dma_wait3A_71] : memref<4096x128xf32, #tpu.memory_space<vmem_shared>> -> memref<128x128xf32, #tpu.memory_space<vmem_shared>>
      tpu.wait_dma2 semaphore(%run_scoped3A_64 : memref<!tpu.dma_semaphore, #tpu.memory_space<semaphore_mem>>) src(%dma_wait3A_72 : memref<128x128xf32, #tpu.memory_space<vmem_shared>>) dst(%dma_wait3A_70 : memref<128x128xf32, #tpu.memory_space<hbm>>)
      tpu.yield
    }) : () -> ()
    %eq3A = arith.constant 0 : i32
    %eq3A_62 = arith.cmpi eq, %arg1, %eq3A : i32
    %convert_element_type3A = arith.extui %eq3A_62 : i1 to i32
    %cond3A = arith.constant 0 : i32
    %cond3A_63 = arith.cmpi ne, %convert_element_type3A, %cond3A : i32
    scf.if %cond3A_63 {
      "tpu.region"() ({
        %run_scoped3A_64 = tpu.sem_alloc : memref<!tpu.dma_semaphore, #tpu.memory_space<semaphore_mem>>
        %dma_start3A_65 = arith.constant 0 : i32
        %dma_start3A_66 = tpu.memref_slice %arg6[%arg0, %dma_start3A_65] : memref<2x4096xf32, #tpu.memory_space<hbm>> -> memref<1x4096xf32, #tpu.memory_space<hbm>>
        %dma_start3A_67 = tpu.memref_squeeze %dma_start3A_66 : memref<1x4096xf32, #tpu.memory_space<hbm>> -> memref<4096xf32, #tpu.memory_space<hbm>>
        tpu.enqueue_dma source(%arg14 : memref<4096xf32, #tpu.memory_space<vmem_shared>>) target(%dma_start3A_67 : memref<4096xf32, #tpu.memory_space<hbm>>) target_semaphore(%run_scoped3A_64 : memref<!tpu.dma_semaphore, #tpu.memory_space<semaphore_mem>>)
        %dma_wait3A_68 = arith.constant 0 : i32
        %dma_wait3A_69 = tpu.memref_slice %arg6[%arg0, %dma_wait3A_68] : memref<2x4096xf32, #tpu.memory_space<hbm>> -> memref<1x4096xf32, #tpu.memory_space<hbm>>
        %dma_wait3A_70 = tpu.memref_squeeze %dma_wait3A_69 : memref<1x4096xf32, #tpu.memory_space<hbm>> -> memref<4096xf32, #tpu.memory_space<hbm>>
        tpu.wait_dma2 semaphore(%run_scoped3A_64 : memref<!tpu.dma_semaphore, #tpu.memory_space<semaphore_mem>>) src(%arg14 : memref<4096xf32, #tpu.memory_space<vmem_shared>>) dst(%dma_wait3A_70 : memref<4096xf32, #tpu.memory_space<hbm>>)
        tpu.yield
      }) : () -> ()
    } else {
    }
    return
  }
}

module attributes {stable_mosaic.version = 14 : i64} {
  func.func @tc_sage_layer0(%arg0: i32, %arg1: memref<2x2000x64xf32, #tpu.memory_space<vmem>>, %arg2: memref<2000x1xf32, #tpu.memory_space<vmem>>, %arg3: memref<2000x128xf32, #tpu.memory_space<vmem>>, %arg4: memref<128x128xf32, #tpu.memory_space<vmem>>, %arg5: memref<1x128xf32, #tpu.memory_space<vmem>>, %arg6: memref<128x128xf32, #tpu.memory_space<vmem>>, %arg7: memref<2000x128xf32, #tpu.memory_space<vmem>>) attributes {dimension_semantics = [#tpu.dimension_semantics<arbitrary>], iteration_bounds = array<i64: 8>, scalar_prefetch = 0 : i64, scratch_operands = 0 : i64, tpu.core_type = #tpu.core_type<tc>, window_params = [{transform_indices = @transform_0, window_bounds = array<i64: 2, 2000, 64>}, {transform_indices = @transform_1, window_bounds = array<i64: 2000, 1>}, {transform_indices = @transform_2, window_bounds = array<i64: 2000, 128>}, {pipeline_mode = #tpu.pipeline_mode<synchronous>, transform_indices = @transform_3, window_bounds = array<i64: 128, 128>}, {pipeline_mode = #tpu.pipeline_mode<synchronous>, transform_indices = @transform_4, window_bounds = array<i64: 1, 128>}, {pipeline_mode = #tpu.pipeline_mode<synchronous>, transform_indices = @transform_5, window_bounds = array<i64: 128, 128>}, {transform_indices = @transform_6, window_bounds = array<i64: 2000, 128>}]} {
    %get3A = arith.constant 0 : index
    %get3A_0 = arith.constant 0 : index
    %get3A_1 = vector.load %arg2[%get3A, %get3A_0] : memref<2000x1xf32, #tpu.memory_space<vmem>>, vector<2000x1xf32>
    %max3A = arith.constant 1.000000e+00 : f32
    %max3A_2 = vector.broadcast %max3A : f32 to vector<2000x1xf32>
    %max3A_3 = arith.maximumf %get3A_1, %max3A_2 : vector<2000x1xf32>
    %div3A = arith.constant 1.000000e+00 : f32
    %div3A_4 = vector.broadcast %div3A : f32 to vector<2000x1xf32>
    %div3A_5 = arith.divf %div3A_4, %max3A_3 : vector<2000x1xf32>
    %get3A_6 = arith.constant 0 : index
    %get3A_7 = arith.constant 0 : index
    %get3A_8 = arith.constant 0 : index
    %get3A_9 = vector.load %arg1[%get3A_6, %get3A_7, %get3A_8] : memref<2x2000x64xf32, #tpu.memory_space<vmem>>, vector<1x2000x64xf32>
    %get3A_10 = vector.shape_cast %get3A_9 : vector<1x2000x64xf32> to vector<2000x64xf32>
    %mul3A = vector.broadcast %div3A_5 : vector<2000x1xf32> to vector<2000x64xf32>
    %mul3A_11 = arith.mulf %get3A_10, %mul3A : vector<2000x64xf32>
    %get3A_12 = arith.constant 1 : index
    %get3A_13 = arith.constant 0 : index
    %get3A_14 = arith.constant 0 : index
    %get3A_15 = vector.load %arg1[%get3A_12, %get3A_13, %get3A_14] : memref<2x2000x64xf32, #tpu.memory_space<vmem>>, vector<1x2000x64xf32>
    %get3A_16 = vector.shape_cast %get3A_15 : vector<1x2000x64xf32> to vector<2000x64xf32>
    %mul3A_17 = vector.broadcast %div3A_5 : vector<2000x1xf32> to vector<2000x64xf32>
    %mul3A_18 = arith.mulf %get3A_16, %mul3A_17 : vector<2000x64xf32>
    %get3A_19 = arith.constant 0 : index
    %get3A_20 = arith.constant 0 : index
    %get3A_21 = vector.load %arg4[%get3A_19, %get3A_20] : memref<128x128xf32, #tpu.memory_space<vmem>>, vector<128x128xf32>
    %slice3A = vector.extract_strided_slice %get3A_21 {offsets = [0, 0], sizes = [128, 64], strides = [1, 1]} : vector<128x128xf32> to vector<128x64xf32>
    %dot_general3A = arith.constant dense<0.000000e+00> : vector<2000x128xf32>
    %dot_general3A_22 = tpu.matmul %mul3A_11, %slice3A, %dot_general3A {dimension_numbers = #tpu.dot_dimension_numbers<[1], [1], [0], [0], [0, 0, 1, 0], [], []>, transpose_lhs_hint = false} : vector<2000x64xf32>, vector<128x64xf32>, vector<2000x128xf32> -> vector<2000x128xf32>
    %slice3A_23 = vector.extract_strided_slice %get3A_21 {offsets = [0, 64], sizes = [128, 64], strides = [1, 1]} : vector<128x128xf32> to vector<128x64xf32>
    %dot_general3A_24 = arith.constant dense<0.000000e+00> : vector<2000x128xf32>
    %dot_general3A_25 = tpu.matmul %mul3A_18, %slice3A_23, %dot_general3A_24 {dimension_numbers = #tpu.dot_dimension_numbers<[1], [1], [0], [0], [0, 0, 1, 0], [], []>, transpose_lhs_hint = false} : vector<2000x64xf32>, vector<128x64xf32>, vector<2000x128xf32> -> vector<2000x128xf32>
    %add3A = arith.addf %dot_general3A_22, %dot_general3A_25 : vector<2000x128xf32>
    %get3A_26 = arith.constant 0 : index
    %get3A_27 = arith.constant 0 : index
    %get3A_28 = vector.load %arg5[%get3A_26, %get3A_27] : memref<1x128xf32, #tpu.memory_space<vmem>>, vector<1x128xf32>
    %add3A_29 = vector.broadcast %get3A_28 : vector<1x128xf32> to vector<2000x128xf32>
    %add3A_30 = arith.addf %add3A, %add3A_29 : vector<2000x128xf32>
    %get3A_31 = arith.constant 0 : index
    %get3A_32 = arith.constant 0 : index
    %get3A_33 = vector.load %arg3[%get3A_31, %get3A_32] : memref<2000x128xf32, #tpu.memory_space<vmem>>, vector<2000x128xf32>
    %get3A_34 = arith.constant 0 : index
    %get3A_35 = arith.constant 0 : index
    %get3A_36 = vector.load %arg6[%get3A_34, %get3A_35] : memref<128x128xf32, #tpu.memory_space<vmem>>, vector<128x128xf32>
    %dot_general3A_37 = arith.constant dense<0.000000e+00> : vector<2000x128xf32>
    %dot_general3A_38 = tpu.matmul %get3A_33, %get3A_36, %dot_general3A_37 {dimension_numbers = #tpu.dot_dimension_numbers<[1], [1], [0], [0], [0, 0, 1, 0], [], []>, transpose_lhs_hint = false} : vector<2000x128xf32>, vector<128x128xf32>, vector<2000x128xf32> -> vector<2000x128xf32>
    %add3A_39 = arith.addf %add3A_30, %dot_general3A_38 : vector<2000x128xf32>
    %max3A_40 = arith.constant 0.000000e+00 : f32
    %max3A_41 = vector.broadcast %max3A_40 : f32 to vector<2000x128xf32>
    %max3A_42 = arith.maximumf %add3A_39, %max3A_41 : vector<2000x128xf32>
    %swap3A = arith.constant 0 : index
    %swap3A_43 = arith.constant 0 : index
    %swap3A_44 = vector.load %arg7[%swap3A, %swap3A_43] : memref<2000x128xf32, #tpu.memory_space<vmem>>, vector<2000x128xf32>
    tpu.vector_store %arg7[%swap3A, %swap3A_43], %max3A_42 {strides = array<i32>} : memref<2000x128xf32, #tpu.memory_space<vmem>>, vector<2000x128xf32>,
    return
  }
  func.func @transform_0(%arg0: i32) -> (i32, i32, i32) {
    %c0_i32 = arith.constant 0 : i32
    %c0_i32_0 = arith.constant 0 : i32
    %c0_i32_1 = arith.constant 0 : i32
    return %c0_i32, %arg0, %c0_i32_0 : i32, i32, i32
  }
  func.func @transform_1(%arg0: i32) -> (i32, i32) {
    %c0_i32 = arith.constant 0 : i32
    %c0_i32_0 = arith.constant 0 : i32
    return %arg0, %c0_i32 : i32, i32
  }
  func.func @transform_2(%arg0: i32) -> (i32, i32) {
    %c0_i32 = arith.constant 0 : i32
    %c0_i32_0 = arith.constant 0 : i32
    return %arg0, %c0_i32 : i32, i32
  }
  func.func @transform_3(%arg0: i32) -> (i32, i32) {
    %c0_i32 = arith.constant 0 : i32
    %c0_i32_0 = arith.constant 0 : i32
    %c0_i32_1 = arith.constant 0 : i32
    return %c0_i32, %c0_i32_0 : i32, i32
  }
  func.func @transform_4(%arg0: i32) -> (i32, i32) {
    %c0_i32 = arith.constant 0 : i32
    %c0_i32_0 = arith.constant 0 : i32
    %c0_i32_1 = arith.constant 0 : i32
    return %c0_i32, %c0_i32_0 : i32, i32
  }
  func.func @transform_5(%arg0: i32) -> (i32, i32) {
    %c0_i32 = arith.constant 0 : i32
    %c0_i32_0 = arith.constant 0 : i32
    %c0_i32_1 = arith.constant 0 : i32
    return %c0_i32, %c0_i32_0 : i32, i32
  }
  func.func @transform_6(%arg0: i32) -> (i32, i32) {
    %c0_i32 = arith.constant 0 : i32
    %c0_i32_0 = arith.constant 0 : i32
    return %arg0, %c0_i32 : i32, i32
  }
}

module attributes {stable_mosaic.version = 14 : i64} {
  func.func @tc_sage_layer1(%arg0: i32, %arg1: memref<2x4096x128xf32, #tpu.memory_space<vmem>>, %arg2: memref<4096x2xf32, #tpu.memory_space<vmem>>, %arg3: memref<4096x128xf32, #tpu.memory_space<vmem>>, %arg4: memref<128x128xf32, #tpu.memory_space<vmem>>, %arg5: memref<1x128xf32, #tpu.memory_space<vmem>>, %arg6: memref<128x128xf32, #tpu.memory_space<vmem>>, %arg7: memref<128x128xf32, #tpu.memory_space<vmem>>, %arg8: memref<1x128xf32, #tpu.memory_space<vmem>>, %arg9: memref<4096x128xf32, #tpu.memory_space<vmem>>) attributes {dimension_semantics = [#tpu.dimension_semantics<arbitrary>], iteration_bounds = array<i64: 1>, scalar_prefetch = 0 : i64, scratch_operands = 0 : i64, tpu.core_type = #tpu.core_type<tc>, window_params = [{pipeline_mode = #tpu.pipeline_mode<synchronous>, transform_indices = @transform_0, window_bounds = array<i64: 2, 4096, 128>}, {pipeline_mode = #tpu.pipeline_mode<synchronous>, transform_indices = @transform_1, window_bounds = array<i64: 4096, 2>}, {transform_indices = @transform_2, window_bounds = array<i64: 4096, 128>}, {pipeline_mode = #tpu.pipeline_mode<synchronous>, transform_indices = @transform_3, window_bounds = array<i64: 128, 128>}, {pipeline_mode = #tpu.pipeline_mode<synchronous>, transform_indices = @transform_4, window_bounds = array<i64: 1, 128>}, {pipeline_mode = #tpu.pipeline_mode<synchronous>, transform_indices = @transform_5, window_bounds = array<i64: 128, 128>}, {pipeline_mode = #tpu.pipeline_mode<synchronous>, transform_indices = @transform_6, window_bounds = array<i64: 128, 128>}, {pipeline_mode = #tpu.pipeline_mode<synchronous>, transform_indices = @transform_7, window_bounds = array<i64: 1, 128>}, {pipeline_mode = #tpu.pipeline_mode<synchronous>, transform_indices = @transform_8, window_bounds = array<i64: 4096, 128>}]} {
    %get3A = arith.constant 0 : index
    %get3A_0 = arith.constant 0 : index
    %get3A_1 = arith.constant 0 : index
    %get3A_2 = vector.load %arg1[%get3A, %get3A_0, %get3A_1] : memref<2x4096x128xf32, #tpu.memory_space<vmem>>, vector<1x4096x128xf32>
    %get3A_3 = vector.shape_cast %get3A_2 : vector<1x4096x128xf32> to vector<4096x128xf32>
    %get3A_4 = arith.constant 1 : index
    %get3A_5 = arith.constant 0 : index
    %get3A_6 = arith.constant 0 : index
    %get3A_7 = vector.load %arg1[%get3A_4, %get3A_5, %get3A_6] : memref<2x4096x128xf32, #tpu.memory_space<vmem>>, vector<1x4096x128xf32>
    %get3A_8 = vector.shape_cast %get3A_7 : vector<1x4096x128xf32> to vector<4096x128xf32>
    %add3A = arith.addf %get3A_3, %get3A_8 : vector<4096x128xf32>
    %get3A_9 = arith.constant 0 : index
    %get3A_10 = arith.constant 0 : index
    %get3A_11 = vector.load %arg2[%get3A_9, %get3A_10] : memref<4096x2xf32, #tpu.memory_space<vmem>>, vector<4096x1xf32>
    %get3A_12 = arith.constant 0 : index
    %get3A_13 = arith.constant 1 : index
    %get3A_14 = vector.load %arg2[%get3A_12, %get3A_13] : memref<4096x2xf32, #tpu.memory_space<vmem>>, vector<4096x1xf32>
    %add3A_15 = arith.addf %get3A_11, %get3A_14 : vector<4096x1xf32>
    %max3A = arith.constant 1.000000e+00 : f32
    %max3A_16 = vector.broadcast %max3A : f32 to vector<4096x1xf32>
    %max3A_17 = arith.maximumf %add3A_15, %max3A_16 : vector<4096x1xf32>
    %div3A = vector.broadcast %max3A_17 : vector<4096x1xf32> to vector<4096x128xf32>
    %div3A_18 = arith.divf %add3A, %div3A : vector<4096x128xf32>
    %get3A_19 = arith.constant 0 : index
    %get3A_20 = arith.constant 0 : index
    %get3A_21 = vector.load %arg4[%get3A_19, %get3A_20] : memref<128x128xf32, #tpu.memory_space<vmem>>, vector<128x128xf32>
    %dot_general3A = arith.constant dense<0.000000e+00> : vector<4096x128xf32>
    %dot_general3A_22 = tpu.matmul %div3A_18, %get3A_21, %dot_general3A {dimension_numbers = #tpu.dot_dimension_numbers<[1], [1], [0], [0], [0, 0, 1, 0], [], []>, transpose_lhs_hint = false} : vector<4096x128xf32>, vector<128x128xf32>, vector<4096x128xf32> -> vector<4096x128xf32>
    %get3A_23 = arith.constant 0 : index
    %get3A_24 = arith.constant 0 : index
    %get3A_25 = vector.load %arg5[%get3A_23, %get3A_24] : memref<1x128xf32, #tpu.memory_space<vmem>>, vector<1x128xf32>
    %add3A_26 = vector.broadcast %get3A_25 : vector<1x128xf32> to vector<4096x128xf32>
    %add3A_27 = arith.addf %dot_general3A_22, %add3A_26 : vector<4096x128xf32>
    %get3A_28 = arith.constant 0 : index
    %get3A_29 = arith.constant 0 : index
    %get3A_30 = vector.load %arg3[%get3A_28, %get3A_29] : memref<4096x128xf32, #tpu.memory_space<vmem>>, vector<4096x128xf32>
    %get3A_31 = arith.constant 0 : index
    %get3A_32 = arith.constant 0 : index
    %get3A_33 = vector.load %arg6[%get3A_31, %get3A_32] : memref<128x128xf32, #tpu.memory_space<vmem>>, vector<128x128xf32>
    %dot_general3A_34 = arith.constant dense<0.000000e+00> : vector<4096x128xf32>
    %dot_general3A_35 = tpu.matmul %get3A_30, %get3A_33, %dot_general3A_34 {dimension_numbers = #tpu.dot_dimension_numbers<[1], [1], [0], [0], [0, 0, 1, 0], [], []>, transpose_lhs_hint = false} : vector<4096x128xf32>, vector<128x128xf32>, vector<4096x128xf32> -> vector<4096x128xf32>
    %add3A_36 = arith.addf %add3A_27, %dot_general3A_35 : vector<4096x128xf32>
    %get3A_37 = arith.constant 0 : index
    %get3A_38 = arith.constant 0 : index
    %get3A_39 = vector.load %arg7[%get3A_37, %get3A_38] : memref<128x128xf32, #tpu.memory_space<vmem>>, vector<128x128xf32>
    %dot_general3A_40 = arith.constant dense<0.000000e+00> : vector<4096x128xf32>
    %dot_general3A_41 = tpu.matmul %add3A_36, %get3A_39, %dot_general3A_40 {dimension_numbers = #tpu.dot_dimension_numbers<[1], [1], [0], [0], [0, 0, 1, 0], [], []>, transpose_lhs_hint = false} : vector<4096x128xf32>, vector<128x128xf32>, vector<4096x128xf32> -> vector<4096x128xf32>
    %get3A_42 = arith.constant 0 : index
    %get3A_43 = arith.constant 0 : index
    %get3A_44 = vector.load %arg8[%get3A_42, %get3A_43] : memref<1x128xf32, #tpu.memory_space<vmem>>, vector<1x128xf32>
    %add3A_45 = vector.broadcast %get3A_44 : vector<1x128xf32> to vector<4096x128xf32>
    %add3A_46 = arith.addf %dot_general3A_41, %add3A_45 : vector<4096x128xf32>
    %reduce_max3A = arith.constant dense<0xFF800000> : vector<4096xf32>
    %reduce_max3A_47 = vector.multi_reduction <maximumf>, %add3A_46, %reduce_max3A [1] : vector<4096x128xf32> to vector<4096xf32>
    %broadcast_in_dim3A = vector.shape_cast %reduce_max3A_47 : vector<4096xf32> to vector<4096x1xf32>
    %sub3A = vector.broadcast %broadcast_in_dim3A : vector<4096x1xf32> to vector<4096x128xf32>
    %sub3A_48 = arith.subf %add3A_46, %sub3A : vector<4096x128xf32>
    %exp3A = math.exp %sub3A_48 : vector<4096x128xf32>
    %reduce_sum3A = arith.constant dense<0.000000e+00> : vector<4096xf32>
    %reduce_sum3A_49 = vector.multi_reduction <add>, %exp3A, %reduce_sum3A [1] : vector<4096x128xf32> to vector<4096xf32>
    %broadcast_in_dim3A_50 = vector.shape_cast %reduce_sum3A_49 : vector<4096xf32> to vector<4096x1xf32>
    %log3A = math.log %broadcast_in_dim3A_50 : vector<4096x1xf32>
    %add3A_51 = arith.addf %log3A, %broadcast_in_dim3A : vector<4096x1xf32>
    %sub3A_52 = vector.broadcast %add3A_51 : vector<4096x1xf32> to vector<4096x128xf32>
    %sub3A_53 = arith.subf %add3A_46, %sub3A_52 : vector<4096x128xf32>
    %swap3A = arith.constant 0 : index
    %swap3A_54 = arith.constant 0 : index
    %swap3A_55 = vector.load %arg9[%swap3A, %swap3A_54] : memref<4096x128xf32, #tpu.memory_space<vmem>>, vector<4096x128xf32>
    tpu.vector_store %arg9[%swap3A, %swap3A_54], %sub3A_53 {strides = array<i32>} : memref<4096x128xf32, #tpu.memory_space<vmem>>, vector<4096x128xf32>,
    return
  }
  func.func @transform_0(%arg0: i32) -> (i32, i32, i32) {
    %c0_i32 = arith.constant 0 : i32
    %c0_i32_0 = arith.constant 0 : i32
    %c0_i32_1 = arith.constant 0 : i32
    %c0_i32_2 = arith.constant 0 : i32
    return %c0_i32, %c0_i32_0, %c0_i32_1 : i32, i32, i32
  }
  func.func @transform_1(%arg0: i32) -> (i32, i32) {
    %c0_i32 = arith.constant 0 : i32
    %c0_i32_0 = arith.constant 0 : i32
    %c0_i32_1 = arith.constant 0 : i32
    return %c0_i32, %c0_i32_0 : i32, i32
  }
  func.func @transform_2(%arg0: i32) -> (i32, i32) {
    %c0_i32 = arith.constant 0 : i32
    %c0_i32_0 = arith.constant 0 : i32
    %c0_i32_1 = arith.constant 0 : i32
    return %c0_i32, %c0_i32_0 : i32, i32
  }
  func.func @transform_3(%arg0: i32) -> (i32, i32) {
    %c0_i32 = arith.constant 0 : i32
    %c0_i32_0 = arith.constant 0 : i32
    %c0_i32_1 = arith.constant 0 : i32
    return %c0_i32, %c0_i32_0 : i32, i32
  }
  func.func @transform_4(%arg0: i32) -> (i32, i32) {
    %c0_i32 = arith.constant 0 : i32
    %c0_i32_0 = arith.constant 0 : i32
    %c0_i32_1 = arith.constant 0 : i32
    return %c0_i32, %c0_i32_0 : i32, i32
  }
  func.func @transform_5(%arg0: i32) -> (i32, i32) {
    %c0_i32 = arith.constant 0 : i32
    %c0_i32_0 = arith.constant 0 : i32
    %c0_i32_1 = arith.constant 0 : i32
    return %c0_i32, %c0_i32_0 : i32, i32
  }
  func.func @transform_6(%arg0: i32) -> (i32, i32) {
    %c0_i32 = arith.constant 0 : i32
    %c0_i32_0 = arith.constant 0 : i32
    %c0_i32_1 = arith.constant 0 : i32
    return %c0_i32, %c0_i32_0 : i32, i32
  }
  func.func @transform_7(%arg0: i32) -> (i32, i32) {
    %c0_i32 = arith.constant 0 : i32
    %c0_i32_0 = arith.constant 0 : i32
    %c0_i32_1 = arith.constant 0 : i32
    return %c0_i32, %c0_i32_0 : i32, i32
  }
  func.func @transform_8(%arg0: i32) -> (i32, i32) {
    %c0_i32 = arith.constant 0 : i32
    %c0_i32_0 = arith.constant 0 : i32
    %c0_i32_1 = arith.constant 0 : i32
    return %c0_i32, %c0_i32_0 : i32, i32
  }
}

</mosaic_0001>

<sc_bundles>
// kernel: sc_sage_agg0.3.cloned.1.call-start
scs
__scs_entry_jumppad:
0x0: {  	(pc) =	sbr.rel $0x88, $3  }
0x1: {  	(tag) =	ssettag $0x0;
	lr =	simm.s32 $0x1  }
0x2: {  	[smem:$0x3F96] =	sst lr;
	_ =	strace $0xD0000000  }
0x3: {  	_ = 	snop  }
0x4: {  	_ = 	snop  }
0x5: {  	_ = 	snop  }
0x6: {  	_ = 	snop  }
0x7: {  	_ = 	snop  }
__scs_overlays_trampoline_lowered:
0x8: {  	[smem:$0x3FA5] =	sst s0  }
0x9: {  	[smem:$0x3FA6] =	sst s1  }
0xa: {  	[smem:$0x3FA7] =	sst s2  }
0xb: {  	[smem:$0x3FA8] =	sst s3  }
0xc: {  	[smem:$0x3FA9] =	sst s4  }
0xd: {  	[smem:$0x3FAA] =	sst s5  }
0xe: {  	[smem:$0x3FAB] =	sst s6  }
0xf: {  	[smem:$0x3FAC] =	sst s7  }
0x10: {  	[smem:$0x3FAD] =	sst s8  }
0x11: {  	[smem:$0x3FAE] =	sst s9;
	s0 =	simm.s32 @!p0 $0x0  }
0x12: {  	s1 =	sld [smem:$0x3F94];
	s0 =	simm.s32 @p0 $0x1  }
0x13: {  	[smem:$0x3FAF] =	sst s0;
	s0 =	simm.s32 @!p1 $0x0  }
0x14: {  	s2 =	sld [smem:$0x3F93];
	s0 =	simm.s32 @p1 $0x1  }
0x15: {  	[smem:$0x3FB0] =	sst s0;
	s0 =	simm.s32 @!p2 $0x0  }
0x16: {  	s3 =	sld [smem:$0x3FDB];
	s0 =	simm.s32 @p2 $0x1  }
0x17: {  	s4 =	simm.s32 $0x1BF5;
	[smem:$0x3FB2] =	sst s0  }
0x18: {  	s0 =	sld [smem:$0x3F95];
	_ =	swait.ge [sflag:s4], $0x0  }
0x19: {  	s7 =	sld [smem:$0x3F96]  }
0x1a: {  	s8 =	sadd.s32 $0xFFFFE003, lr  }
0x1b: {  	s9 =	sadd.s32 $0xFFFFFEF7, lr;
	s5 =	simm.s32 $0xFFFFFFFF;
	p2 =	slt.u32 s8, $0xFFFFF086  }
0x1c: {  	p1 =	slt.u32 s9, $0xF7A;
	s5 =	simm.s32 @!p2 $0x0  }
0x1d: {  	s5 =	simm.s32 @p1 $0x1;
	p0 =	seq.s32 s7, s2  }
0x1e: {  	s7 =	smul.u32 @!p0 $0xF7A, s2;
	p2 =	seq.s32 @!p0 s5, $0x0  }
0x1f: {  	s9 =	smul.u32 $0xF7A, s1;
	s8 =	simm.s32 @!p0 $0x1BF5;
	p2 =	por !p2, p0  }
0x20: {  	[sflag:s8] =	ssyncset.s32 @!p0 $0xFFFFF086;
	s6 =	sadd.s32 @!p0 s3, s7;
	s7 =	simm.s32 @!p0 $0x108  }
0x21: {  	s3 =	sadd.s32 s3, s9;
	s6 =	sadd.s32 @!p0 $0x88, s6;
	s7 =	simm.s32 @p2 $0x1082  }
0x22: {  	[simem:s7], [sflag:s8] =	dma.local @!p0 [hbm:s6], $0xF7A  }
0x23: {  	s9 =	sor.u32 $0xD0000000, s2;
	s6 =	simm.s32 $0x108;
	_ =	swait.ge @!p0 [sflag:s8], $0x0  }
0x24: {  	s3 =	sadd.s32 $0x88, s3;
	s6 =	simm.s32 @!p1 $0x1082;
	[sflag:s4] =	ssyncset.s32 $0xFFFFF086  }
0x25: {  	[simem:s6], [sflag:s4] =	dma.local [hbm:s3], $0xF7A  }
0x26: {  	[smem:$0x3F96] =	sst s1;
	(tag) =	ssettag s2;
	_ =	strace s9  }
0x27: {  	s1 =	sld [smem:$0x3FA6]  }
0x28: {  	s2 =	sld [smem:$0x3FA7]  }
0x29: {  	s4 =	sld [smem:$0x3FA9]  }
0x2a: {  	p0 =	seq.s32 s5, $0x0;
	s5 =	sld [smem:$0x3FAA]  }
0x2b: {  	s6 =	sld [smem:$0x3FAB]  }
0x2c: {  	s7 =	sld [smem:$0x3FAC]  }
0x2d: {  	s3 =	simm.s32 $0x108;
	s8 =	sld [smem:$0x3FAD]  }
0x2e: {  	s3 =	simm.s32 @!p0 $0x1082;
	s9 =	sld [smem:$0x3FAE]  }
0x2f: {  	lr =	sadd.s32 s0, s3;
	s0 =	sld [smem:$0x3FA5]  }
0x30: {  	s3 =	sld [smem:$0x3FA8]  }
0x31: {  	[smem:$0x3FB1] =	sst s10  }
0x32: {  	s10 =	sld [smem:$0x3FAF];
	_ =	sdelay $0x3  }
0x33: {  	p0 =	seq.s32 s10, $0x1;
	s10 =	sld [smem:$0x3FB1];
	_ =	sdelay $0x3  }
0x34: {  	[smem:$0x3FB1] =	sst s10  }
0x35: {  	s10 =	sld [smem:$0x3FB0];
	_ =	sdelay $0x3  }
0x36: {  	p1 =	seq.s32 s10, $0x1;
	s10 =	sld [smem:$0x3FB1];
	_ =	sdelay $0x3  }
0x37: {  	[smem:$0x3FB1] =	sst s10  }
0x38: {  	s10 =	sld [smem:$0x3FB2]  }
0x39: {  	_ = 	snop;
	(pc) =	sbr.ind lr, $3  }
0x3a: {  	_ = 	snop  }
0x3b: {  	_ = 	snop  }
0x3c: {  	p2 =	seq.s32 s10, $0x1;
	s10 =	sld [smem:$0x3FB1]  }
0x3d: {  	_ =	shalt  }
0x3e: {  	_ =	shalt  }
0x3f: {  	_ =	shalt  }
0x40: {  	_ =	shalt  }
0x41: {  	_ =	shalt  }
0x42: {  	_ =	shalt  }
0x43: {  	_ =	shalt  }
0x44: {  	_ =	shalt  }
0x45: {  	_ =	shalt  }
0x46: {  	_ =	shalt  }
0x47: {  	_ =	shalt  }
0x48: {  	_ =	shalt  }
0x49: {  	_ =	shalt  }
0x4a: {  	_ =	shalt  }
0x4b: {  	_ =	shalt  }
0x4c: {  	_ =	shalt  }
0x4d: {  	_ =	shalt  }
0x4e: {  	_ =	shalt  }
0x4f: {  	_ =	shalt  }
0x50: {  	_ =	shalt  }
0x51: {  	_ =	shalt  }
0x52: {  	_ =	shalt  }
0x53: {  	_ =	shalt  }
0x54: {  	_ =	shalt  }
0x55: {  	_ =	shalt  }
0x56: {  	_ =	shalt  }
0x57: {  	_ =	shalt  }
0x58: {  	_ =	shalt  }
0x59: {  	_ =	shalt  }
0x5a: {  	_ =	shalt  }
0x5b: {  	_ =	shalt  }
0x5c: {  	_ =	shalt  }
0x5d: {  	_ =	shalt  }
0x5e: {  	_ =	shalt  }
0x5f: {  	_ =	shalt  }
0x60: {  	_ =	shalt  }
0x61: {  	_ =	shalt  }
0x62: {  	_ =	shalt  }
0x63: {  	_ =	shalt  }
0x64: {  	_ =	shalt  }
0x65: {  	_ =	shalt  }
0x66: {  	_ =	shalt  }
0x67: {  	_ =	shalt  }
0x68: {  	_ =	shalt  }
0x69: {  	_ =	shalt  }
0x6a: {  	_ =	shalt  }
0x6b: {  	_ =	shalt  }
0x6c: {  	_ =	shalt  }
0x6d: {  	_ =	shalt  }
0x6e: {  	_ =	shalt  }
0x6f: {  	_ =	shalt  }
0x70: {  	_ =	shalt  }
0x71: {  	_ =	shalt  }
0x72: {  	_ =	shalt  }
0x73: {  	_ =	shalt  }
0x74: {  	_ =	shalt  }
0x75: {  	_ =	shalt  }
0x76: {  	_ =	shalt  }
0x77: {  	_ =	shalt  }
0x78: {  	_ =	shalt  }
0x79: {  	_ =	shalt  }
0x7a: {  	_ =	shalt  }
0x7b: {  	_ =	shalt  }
0x7c: {  	_ =	shalt  }
0x7d: {  	_ =	shalt  }
0x7e: {  	_ =	shalt  }
0x7f: {  	_ =	shalt  }
0x80: {  	_ =	shalt  }
0x81: {  	_ =	shalt  }
0x82: {  	_ =	shalt  }
0x83: {  	_ =	shalt  }
0x84: {  	_ =	shalt  }
0x85: {  	_ =	shalt  }
0x86: {  	_ =	shalt  }
0x87: {  	_ =	shalt  }
.Lfunc_end0:
.L_simem_size_0:
called_computation_lowered:
.L_overlay_start_0:
0x88: {  	s2 =	sld [smem:$0x3FD9]  }
0x89: {  	s3 =	sld [smem:$0x3FFE];
	_ =	sdelay $0x1  }
0x8a: {  	s1 =	srdreg.scid  }
0x8b: {  	s0 =	sand.u32 $0x1, s1  }
0x8c: {  	s17 =	sshll.u32 s0, $0xA;
	s2 =	sadd.s32 s3, s2  }
0x8d: {  	s2 =	sadd.s32 s2, s17  }
0x8e: {  	[smem:$0x3FBD] =	sst s2  }
0x8f: {  	_ = 	snop  }
0x90: {  	s2 =	sld [smem:$0x3FC9]  }
0x91: {  	s18 =	sld [smem:$0x3FD0];
	(tm) =	ssettm $0x1  }
0x92: {  	s4 =	sld [smem:$0x3FFB];
	_ =	sdelay $0x3  }
0x93: {  	_ =	strace s4  }
0x94: {  	s4 =	sld [smem:$0x3FFC];
	_ =	sdelay $0x3  }
0x95: {  	_ =	strace s4  }
0x96: {  	s4 =	sld [smem:$0x3FFD];
	_ =	sdelay $0x3  }
0x97: {  	_ =	strace s4  }
0x98: {  	_ =	strace $0x8FFFFFFF  }
0x99: {  	s19 =	sld [smem:$0x3FDB];
	_ =	sdelay $0x1  }
0x9a: {  	s5 =	simm.s32 $_scs_section_size  }
0x9b: {  	s6 =	simm.s32 $_size__tile_overlayer_lowered;
	s7 =	simm.s32 $_tile_overlayer_lowered  }
0x9c: {  	s22 =	simm.s32 $0x1BFF;
	s21 =	sshll.u32 s7, $0x1;
	s4 =	sadd.s32 s5, s19  }
0x9d: {  	s8 =	simm.s32 $0x0;
	s20 =	sshll.u32 s6, $0x1;
	s6 =	sadd.s32 s21, s4  }
0x9e: {  	[timem:s8], [sflag:s22] =	dma.local [hbm:s6], s20  }
0x9f: {  	_ =	swait.ge [sflag:s22], s20  }
0xa0: {  	s5 =	ssub.s32 $0x0, s20;
	[sflag:s22] =	ssyncset.done $0x0  }
0xa1: {  	[sflag:s22] =	ssyncadd.s32 s5;
	_ =	sdelay $0x1  }
0xa2: {  	s23 =	simm.s32 $0x1B8B  }
0xa3: {  	_ =	swait.ge [sflag:s23], $0x1  }
0xa4: {  	[sflag:s23] =	ssyncset.done $0x0  }
0xa5: {  	s25 =	simm.s32 $0x1B8E;
	s24 =	sld [smem:$0x3FFE];
	[sflag:s23] =	ssyncadd.s32 $0xFFFFFFFF  }
0xa6: {  	s26 =	simm.s32 $execute0_lowered;
	[smem:$0x3FD2] =	sst s25  }
0xa7: {  	s6 =	sshll.u32 s26, $0x1;
	_ =	strace $0x80000046;
	[dreg:$0x1] =	wrdreg $0xFFFFFFFF  }
0xa8: {  	s28 =	simm.s32 $_size_execute0_lowered;
	s4 =	sadd.s32 s4, s6;
	[dreg:$0x0] =	wrdreg $0x0  }
0xa9: {  	s6 =	sshll.u32 s28, $0x1;
	[dreg:$0x2] =	wrdreg s4  }
0xaa: {  	[dreg:$0x3] =	wrdreg s6  }
0xab: {  	[dreg:$0x4] =	wrdreg $0xC0  }
0xac: {  	_ =	task [dreg:s8], $0x5FFFF  }
0xad: {  	[dreg:$0x1] =	wrdreg $0xFFFFFFFF  }
0xae: {  	[dreg:$0x0] =	wrdreg $0x60  }
0xaf: {  	[dreg:$0x2] =	wrdreg s2  }
0xb0: {  	[dreg:$0x3] =	wrdreg s18  }
0xb1: {  	[dreg:$0x4] =	wrdreg s24  }
0xb2: {  	[dreg:$0x5] =	wrdreg $0xA6700  }
0xb3: {  	[dreg:$0x6] =	wrdreg $0x1A2700  }
0xb4: {  	[dreg:$0x7] =	wrdreg $0x9  }
0xb5: {  	_ =	task.clear_ibuf [dreg:s8], $0x8FFFF;
	_ =	strace $0x90000046  }
0xb6: {  	s29 =	simm.s32 $0x9;
	_ =	strace $0x80000048  }
0xb7: {  	_ =	swait.ge [sflag:s29], $0x1  }
0xb8: {  	[sflag:s29] =	ssyncadd.s32 $0xFFFFFFFF  }
0xb9: {  	_ =	strace $0x90000048  }
0xba: {  	_ =	sfence  }
0xbb: {  	s30 =	sld [smem:$0x0];
	_ =	sdelay $0x2  }
0xbc: {  	s31 =	sshll.u32 s1, $0xD;
	s1 =	sshrl.u32 s1, $0x2  }
0xbd: {  	s3 =	sand.u32 $0x4000, s31;
	s1 =	sadd.s32 s1, s30  }
0xbe: {  	s0 =	sor.u32 s3, s0;
	s1 =	sshll.u32 s1, $0x11  }
0xbf: {  	s0 =	sor.u32 s1, s0  }
0xc0: {  	s0 =	sadd.s32 $0x8F2B, s0  }
0xc1: {  	[sflag:s0] =	ssyncadd.remote.s32 $0x1  }
0xc2: {  	_ =	sfence.sel $0xFFFF  }
0xc3: {  	[dreg:$0x0] =	wrdreg $0xFFFFFFFF;
	(pc) =	sbr.abs _section_cstart, $3  }
0xc4: {  	[dreg:$0x1] =	wrdreg $0xFFFFFFFF  }
0xc5: {  	_ =	task.clear_ibuf [dreg:s8], $0x2FFFF;
	_ =	strace $0x9FFFFFFF  }
0xc6: {  	(tm) =	ssettm $0x7FFFFFFF  }
0xc7: {  	_ =	shalt  }
tec
execute0_lowered:
.L_overlay_start_1:
0x0: {  	(tag) =	ssettag $0x1  }
0x1: {  	s1 =	rddreg [dreg:$0x0]  }
0x2: {  	s0 =	rddreg [dreg:$0x1]  }
0x3: {  	s2 =	rddreg [dreg:$0x2];
	s4 =	srdreg.scid  }
0x4: {  	s15 =	stileid.u32;
	s3 =	rddreg [dreg:$0x3];
	s5 =	simm.s32 $0x0  }
0x5: {  	s30 =	simm.s32 $0x6200;
	s31 =	simm.s32 $0x3;
	s7 =	smul.u32 $0x3F0, s15  }
0x6: {  	s13 =	sand.u32 $0x1, s4;
	s4 =	rddreg [dreg:$0x4];
	s8 =	smul.u32 $0x3F000, s15  }
0x7: {  	[smem:$0x7FF] =	sst s5;
	s11 =	sadd.s32 $0x1800, s2;
	s14 =	smul.u32 $0x6200, s15  }
0x8: {  	s6 =	smul.u32 $0x3F00, s13;
	_ =	strace $0x80000047;
	s9 =	ssub.s32 $0x2, s13  }
0x9: {  	s24 =	sor.u32 s15, s13;
	p1 =	sne.s32 s13, $0x0;
	v0 =	vmov s13;
	s13 =	simm.s32 $0x2  }
0xa: {  	s15 =	simm.s32 $0x6100;
	s8 =	sshrl.u32 s8, $0x2;
	s10 =	sshrl.u32 s9, $0x1  }
0xb: {  	s14 =	sshrl.u32 s14, $0x3;
	s6 =	sadd.s32 s7, s6;
	s7 =	sadd.s32 s7, s4  }
0xc: {  	p0 =	sne.s32 s24, $0x0;
	s16 =	sadd.s32 s0, s14;
	[dreg:$0x7] =	wrdreg s7  }
0xd: {  	s17 =	sadd.s32 $0x620, s14;
	s14 =	sadd.s32 s11, s14;
	[dreg:$0x8] =	wrdreg s16  }
0xe: {  	s6 =	sshll.u32 s6, $0x3;
	[dreg:$0x9] =	wrdreg s14;
	s0 =	sadd.s32 s0, s17  }
0xf: {  	s18 =	sadd.s32 s11, s17;
	s7 =	simm.s32 $0x8200;
	s11 =	simm.s32 $0x1  }
0x10: {  	s14 =	simm.s32 $0x3080;
	s12 =	sadd.s32 s6, s2;
	[dreg:$0xa] =	wrdreg s0  }
0x11: {  	s6 =	sadd.s32 s8, s3;
	s2 =	sadd.s32 $0x4CC00, s2;
	[dreg:$0xb] =	wrdreg s18  }
0x12: {  	s0 =	simm.s32 $0x80;
	[dreg:$0x6] =	wrdreg s2;
	s19 =	sadd.s32 $0xDC00, s12  }
0x13: {  	s2 =	ssub.s32 s9, s10;
	s20 =	sadd.s32 $0xE000, s12;
	[dreg:$0xc] =	wrdreg s19  }
0x14: {  	s8 =	sadd.s32 $0x2000, s6;
	s21 =	sadd.s32 $0xE400, s12;
	[dreg:$0xd] =	wrdreg s20  }
0x15: {  	s9 =	sadd.s32 $0x4000, s6;
	s22 =	sadd.s32 $0xE800, s12;
	[dreg:$0xe] =	wrdreg s21  }
0x16: {  	s10 =	sadd.s32 $0x6000, s6;
	s23 =	sadd.s32 $0xEC00, s12;
	[dreg:$0xf] =	wrdreg s22  }
0x17: {  	s25 =	sadd.s32 $0xF000, s12;
	s26 =	sadd.s32 $0xF400, s12;
	[dreg:$0x10] =	wrdreg s23  }
0x18: {  	s28 =	sadd.s32 $0xC000, s6;
	s29 =	sadd.s32 $0xE000, s6;
	[dreg:$0x11] =	wrdreg s25  }
0x19: {  	[dreg:$0x12] =	wrdreg s26;
	s23 =	sadd.s32 $0xF800, s12;
	s24 =	smax.u32 s2, $0x1  }
0x1a: {  	v1 =	vimm.f32 $0.0e+00;
	v2 =	vimm.f32 $1.000000000e+00;
	s25 =	sadd.s32 $0x8000, s6;
	s26 =	sadd.s32 $0xA000, s6;
	s12 =	simm.s32 $0x4  }
.LBB2_1:
0x1b: {  	s17 =	simm.s32 $0x100;
	s16 =	simm.s32 $0x0  }
.LBB2_2:
0x1c: {  	p2 =	sne.s32 s17, $0x7F00;
	[tilespmem:s16+$0x6230] =	vst v1;
	s18 =	smov.u32 s17;
	s17 =	sadd.s32 $0x100, s17  }
.Ltmp0:
0x1d: {  	[tilespmem:s16+$0x6220] =	vst v1;
	(pc) =	sbr.rel @p2 .LBB2_2-.Ltmp0, $3  }
0x1e: {  	[tilespmem:s16+$0x6200] =	vst v1  }
0x1f: {  	[tilespmem:s16+$0x6210] =	vst v1;
	_ =	sdelay $0x1  }
0x20: {  	s16 =	sshra.s32 s18, $0x2  }
0x21: {  	[tilespmem:s16+$0x6230] =	vst v1  }
0x22: {  	[tilespmem:s16+$0x6220] =	vst v1  }
0x23: {  	[tilespmem:s16+$0x6200] =	vst v1  }
0x24: {  	[tilespmem:s16+$0x6210] =	vst v1  }
0x25: {  	[tilespmem:$0xA200] =	vst v2  }
0x26: {  	[tilespmem:$0xA210] =	vst v2  }
0x27: {  	[tilespmem:$0xA220] =	vst v2  }
0x28: {  	[tilespmem:$0xA230] =	vst v2  }
0x29: {  	[tilespmem:$0xA240] =	vst v2  }
0x2a: {  	[tilespmem:$0xA250] =	vst v2  }
0x2b: {  	[tilespmem:$0xA260] =	vst v2  }
0x2c: {  	s16 =	simm.s32 $0x40;
	s17 =	simm.s32 $0x0;
	[tilespmem:$0xA270] =	vst v2  }
.LBB2_4:
0x2d: {  	p2 =	sne.s32 s16, $0xF80;
	[tilespmem:s17+$0xA280] =	vst v1;
	s17 =	smov.u32 s16;
	s16 =	sadd.s32 $0x40, s16  }
.Ltmp1:
0x2e: {  	(pc) =	sbr.rel @p2 .LBB2_4-.Ltmp1, $2  }
0x2f: {  	_ =	sdelay $0x2  }
0x30: {  	s17 =	sshra.s32 s17, $0x2  }
0x31: {  	[tilespmem:s17+$0xA280] =	vst v1  }
0x32: {  	[spmem:s6] =	stream.linear.scatter [tilespmem:s30], [sflag:$0x3], $0x2000, $0x38;
	[tilespmem:$0x1A660] =	vst v63  }
0x33: {  	_ =	swait.ge [sflag:s31], $0x2000  }
0x34: {  	[sflag:s31] =	ssyncset.done $0x0  }
0x35: {  	[sflag:s31] =	ssyncadd.s32 $0xFFFFE000  }
0x36: {  	[spmem:s8] =	stream.linear.scatter [tilespmem:s30], [sflag:$0x3], $0x2000, $0x38;
	[tilespmem:$0x1A660] =	vst v63  }
0x37: {  	_ =	swait.ge [sflag:s31], $0x2000  }
0x38: {  	[sflag:s31] =	ssyncset.done $0x0  }
0x39: {  	[sflag:s31] =	ssyncadd.s32 $0xFFFFE000  }
0x3a: {  	[spmem:s9] =	stream.linear.scatter [tilespmem:s30], [sflag:$0x3], $0x2000, $0x38;
	[tilespmem:$0x1A660] =	vst v63  }
0x3b: {  	_ =	swait.ge [sflag:s31], $0x2000  }
0x3c: {  	[sflag:s31] =	ssyncset.done $0x0  }
0x3d: {  	[sflag:s31] =	ssyncadd.s32 $0xFFFFE000  }
0x3e: {  	[spmem:s10] =	stream.linear.scatter [tilespmem:s30], [sflag:$0x3], $0x2000, $0x38;
	[tilespmem:$0x1A660] =	vst v63  }
0x3f: {  	_ =	swait.ge [sflag:s31], $0x2000  }
0x40: {  	[sflag:s31] =	ssyncset.done $0x0  }
0x41: {  	[sflag:s31] =	ssyncadd.s32 $0xFFFFE000  }
0x42: {  	[spmem:s25] =	stream.linear.scatter [tilespmem:s30], [sflag:$0x3], $0x2000, $0x38;
	[tilespmem:$0x1A660] =	vst v63  }
0x43: {  	_ =	swait.ge [sflag:s31], $0x2000  }
0x44: {  	[sflag:s31] =	ssyncset.done $0x0  }
0x45: {  	[sflag:s31] =	ssyncadd.s32 $0xFFFFE000  }
0x46: {  	[spmem:s26] =	stream.linear.scatter [tilespmem:s30], [sflag:$0x3], $0x2000, $0x38;
	[tilespmem:$0x1A660] =	vst v63  }
0x47: {  	_ =	swait.ge [sflag:s31], $0x2000  }
0x48: {  	[sflag:s31] =	ssyncset.done $0x0  }
0x49: {  	[sflag:s31] =	ssyncadd.s32 $0xFFFFE000  }
0x4a: {  	[spmem:s28] =	stream.linear.scatter [tilespmem:s30], [sflag:$0x3], $0x2000, $0x38;
	[tilespmem:$0x1A660] =	vst v63  }
0x4b: {  	_ =	swait.ge [sflag:s31], $0x2000  }
0x4c: {  	[sflag:s31] =	ssyncset.done $0x0  }
0x4d: {  	[sflag:s31] =	ssyncadd.s32 $0xFFFFE000  }
0x4e: {  	[spmem:s29] =	stream.linear.scatter [tilespmem:s30], [sflag:$0x3], $0x1C00, $0x38;
	[tilespmem:$0x1A660] =	vst v63  }
0x4f: {  	_ =	swait.ge [sflag:s31], $0x1C00  }
0x50: {  	[sflag:s31] =	ssyncset.done $0x0  }
0x51: {  	s16 =	simm.s32 $0xA280;
	s2 =	rddreg [dreg:$0x7];
	[sflag:s31] =	ssyncadd.s32 $0xFFFFE400  }
0x52: {  	[spmem:s2] =	stream.linear.scatter [tilespmem:s16], [sflag:$0x3], $0x3F0, $0x38;
	[tilespmem:$0x1A660] =	vst v63  }
0x53: {  	_ =	swait.ge [sflag:s31], $0x3F0  }
0x54: {  	[sflag:s31] =	ssyncset.done $0x0  }
0x55: {  	[sflag:s31] =	ssyncadd.s32 $0xFFFFFC10  }
0x56: {  	[bflag:$0x0] =	sbarrier.arrive $0xFFFF  }
0x57: {  	s19 =	simm.s32 $0x0;
	s20 =	rddreg [dreg:$0x8]  }
0x58: {  	[tilespmem:s19], [sflag:$0x3] =	stream.linear.gather [hbm4b:s20+s19], $0x3100, $0x38;
	[tilespmem:$0x1A660] =	vst v63  }
0x59: {  	_ =	swait.ge [sflag:s31], $0x3100  }
0x5a: {  	[sflag:s31] =	ssyncset.done $0x0  }
0x5b: {  	s22 =	simm.s32 $0x3100;
	s21 =	rddreg [dreg:$0x9];
	[sflag:s31] =	ssyncadd.s32 $0xFFFFCF00  }
0x5c: {  	[tilespmem:s22], [sflag:$0x3] =	stream.linear.gather [hbm4b:s21+s19], $0x3100, $0x38;
	[tilespmem:$0x1A660] =	vst v63  }
0x5d: {  	_ =	swait.ge [sflag:s31], $0x3100  }
0x5e: {  	[sflag:s31] =	ssyncset.done $0x0  }
0x5f: {  	s16 =	simm.s32 $0x0;
	[sflag:s31] =	ssyncadd.s32 $0xFFFFCF00  }
0x60: {  	v4 =	vld [tilespmem:s16+$0x0]  }
0x61: {  	v5 =	vld [tilespmem:s16+$0x10]  }
0x62: {  	v7 =	vld [tilespmem:s16+$0x20]  }
0x63: {  	v6 =	vld [tilespmem:s16+$0x30]  }
0x64: {  	v3 =	vld [tilespmem:s16+$0x40]  }
0x65: {  	v8 =	vshll.u32 v4, $0x1;
	v4 =	vld [tilespmem:s16+$0x50]  }
0x66: {  	s17 =	simm.s32 $0x200;
	v9 =	vshll.u32 v5, $0x1;
	v5 =	vld [tilespmem:s16+$0x60];
	v8 =	vor.u32 v0, v8  }
.LBB2_6:
0x67: {  	s18 =	sshra.s32 s17, $0x2;
	p2 =	sne.s32 s17, $0xC200;
	[tilespmem:s16+$0x0] =	vst v8;
	v8 =	vor.u32 v0, v9;
	v7 =	vshll.u32 v7, $0x1;
	v9 =	vld [tilespmem:s16+$0x70]  }
0x68: {  	v10 =	vld [tilespmem:s18+$0x0];
	[tilespmem:s16+$0x10] =	vst v8;
	v7 =	vor.u32 v0, v7;
	v6 =	vshll.u32 v6, $0x1  }
0x69: {  	v11 =	vld [tilespmem:s18+$0x10];
	[tilespmem:s16+$0x20] =	vst v7;
	v6 =	vor.u32 v0, v6;
	v3 =	vshll.u32 v3, $0x1  }
.Ltmp2:
0x6a: {  	v7 =	vld [tilespmem:s18+$0x20];
	[tilespmem:s16+$0x30] =	vst v6;
	v3 =	vor.u32 v0, v3;
	v4 =	vshll.u32 v4, $0x1;
	(pc) =	sbr.rel @p2 .LBB2_6-.Ltmp2, $4  }
0x6b: {  	v6 =	vld [tilespmem:s18+$0x30];
	[tilespmem:s16+$0x40] =	vst v3;
	v4 =	vor.u32 v0, v4;
	v5 =	vshll.u32 v5, $0x1  }
0x6c: {  	v3 =	vld [tilespmem:s18+$0x40];
	[tilespmem:s16+$0x50] =	vst v4;
	v5 =	vor.u32 v0, v5;
	v8 =	vshll.u32 v9, $0x1  }
0x6d: {  	v9 =	vshll.u32 v10, $0x1;
	v4 =	vld [tilespmem:s18+$0x50];
	[tilespmem:s16+$0x60] =	vst v5;
	v10 =	vor.u32 v0, v8  }
0x6e: {  	s17 =	sadd.s32 $0x200, s17;
	v8 =	vor.u32 v0, v9;
	v9 =	vshll.u32 v11, $0x1;
	v5 =	vld [tilespmem:s18+$0x60];
	[tilespmem:s16+$0x70] =	vst v10;
	s16 =	smov.u32 s18  }
0x6f: {  	[tilespmem:s16+$0x0] =	vst v8;
	v60 =	vor.u32 v0, v9;
	v7 =	vshll.u32 v7, $0x1;
	v61 =	vld [tilespmem:s16+$0x70]  }
0x70: {  	[tilespmem:s16+$0x10] =	vst v60;
	v7 =	vor.u32 v0, v7;
	v6 =	vshll.u32 v6, $0x1  }
0x71: {  	[tilespmem:s16+$0x20] =	vst v7;
	v6 =	vor.u32 v0, v6;
	v3 =	vshll.u32 v3, $0x1  }
0x72: {  	[tilespmem:s16+$0x30] =	vst v6;
	v3 =	vor.u32 v0, v3;
	v4 =	vshll.u32 v4, $0x1  }
0x73: {  	[tilespmem:s16+$0x40] =	vst v3;
	v3 =	vor.u32 v0, v4;
	v62 =	vshll.u32 v5, $0x1  }
0x74: {  	[tilespmem:s16+$0x50] =	vst v3;
	v3 =	vor.u32 v0, v62;
	v63 =	vshll.u32 v61, $0x1  }
0x75: {  	[tilespmem:s16+$0x60] =	vst v3;
	v3 =	vor.u32 v0, v63  }
0x76: {  	s20 =	simm.s32 $0x0;
	[tilespmem:s16+$0x70] =	vst v3  }
0x77: {  	[tilespmem:s30], [sflag:$0x1] =	stream.indirect.gather [hbm4b:s1+s0], $0x40, s20, s0, $0xb8;
	[tilespmem:$0x1A660] =	vst v63  }
0x78: {  	s21 =	simm.s32 $0x80  }
0x79: {  	[tilespmem:s7], [sflag:$0x2] =	stream.indirect.gather [hbm4b:s1+s0], $0x40, s21, s0, $0xb8;
	[tilespmem:$0x1A660] =	vst v63  }
0x7a: {  	_ =	swait.ge [sflag:s11], $0x2000  }
0x7b: {  	[sflag:s11] =	ssyncset.done $0x0  }
0x7c: {  	s19 =	simm.s32 $0x3100;
	[sflag:s11] =	ssyncadd.s32 $0xFFFFE000  }
0x7d: {  	[spmem:s3] =	stream.indirect.scatter.add.f32 [tilespmem:s30], [sflag:$0x4], $0x40, s19, s0, $0xb8;
	[tilespmem:$0x1A660] =	vst v63  }
0x7e: {  	_ =	swait.ge [sflag:s12], $0x2000  }
0x7f: {  	s17 =	simm.s32 @!p1 $0x80;
	[sflag:s12] =	ssyncset.done $0x0  }
0x80: {  	s18 =	simm.s32 @!p1 $0xA200;
	s16 =	simm.s32 @!p1 $0x4;
	[sflag:s12] =	ssyncadd.s32 $0xFFFFE000  }
0x81: {  	[spmem:s4] =	stream.indirect.scatter.add.f32 @!p1 [tilespmem:s18], [sflag:$0x4], $0x1, s19, s17, $0xb8;
	[tilespmem:$0x1A660] =	vst v63  }
0x82: {  	_ =	swait.ge @!p1 [sflag:s16], $0x80  }
0x83: {  	[sflag:s16] =	ssyncset.done @!p1 $0x0  }
0x84: {  	s22 =	simm.s32 $0x100;
	[sflag:s16] =	ssyncadd.s32 @!p1 $0xFFFFFF80  }
0x85: {  	[tilespmem:s30], [sflag:$0x1] =	stream.indirect.gather [hbm4b:s1+s0], $0x40, s22, s0, $0xb8;
	[tilespmem:$0x1A660] =	vst v63  }
0x86: {  	_ =	swait.ge [sflag:s13], $0x2000  }
0x87: {  	[sflag:s13] =	ssyncset.done $0x0  }
0x88: {  	s19 =	simm.s32 $0x3180;
	[sflag:s13] =	ssyncadd.s32 $0xFFFFE000  }
0x89: {  	[spmem:s3] =	stream.indirect.scatter.add.f32 [tilespmem:s7], [sflag:$0x4], $0x40, s19, s0, $0xb8;
	[tilespmem:$0x1A660] =	vst v63  }
0x8a: {  	_ =	swait.ge [sflag:s12], $0x2000  }
0x8b: {  	[sflag:s12] =	ssyncset.done $0x0  }
0x8c: {  	s20 =	simm.s32 @!p1 $0x3;
	[sflag:s12] =	ssyncadd.s32 $0xFFFFE000  }
0x8d: {  	[spmem:s4] =	stream.indirect.scatter.add.f32 @!p1 [tilespmem:s18], [sflag:$0x3], $0x1, s19, s17, $0xb8;
	[tilespmem:$0x1A660] =	vst v63  }
0x8e: {  	_ =	swait.ge @!p1 [sflag:s20], $0x80  }
0x8f: {  	s21 =	simm.s32 $0x800;
	s19 =	simm.s32 $0x100;
	[sflag:s20] =	ssyncset.done @!p1 $0x0  }
.LBB2_8:
0x90: {  	s22 =	sadd.s32 $0x80, s19  }
0x91: {  	[sflag:s20] =	ssyncadd.s32 @!p1 $0xFFFFFF80;
	s2 =	smov.u32 s21;
	s21 =	sadd.s32 $0x400, s21  }
0x92: {  	[tilespmem:s7], [sflag:$0x2] =	stream.indirect.gather [hbm4b:s1+s0], $0x40, s22, s0, $0xb8;
	[tilespmem:$0x1A660] =	vst v63  }
0x93: {  	p2 =	sne.s32 s21, $0xC000;
	_ =	swait.ge [sflag:s11], $0x2000  }
0x94: {  	[sflag:s11] =	ssyncset.done $0x0  }
0x95: {  	s22 =	sadd.s32 $0x3100, s19;
	[sflag:s11] =	ssyncadd.s32 $0xFFFFE000  }
0x96: {  	[spmem:s3] =	stream.indirect.scatter.add.f32 [tilespmem:s30], [sflag:$0x4], $0x40, s22, s0, $0xb8;
	[tilespmem:$0x1A660] =	vst v63  }
0x97: {  	_ =	swait.ge [sflag:s12], $0x2000  }
0x98: {  	[sflag:s12] =	ssyncset.done $0x0  }
0x99: {  	[sflag:s12] =	ssyncadd.s32 $0xFFFFE000  }
0x9a: {  	[spmem:s4] =	stream.indirect.scatter.add.f32 @!p1 [tilespmem:s18], [sflag:$0x4], $0x1, s22, s17, $0xb8;
	[tilespmem:$0x1A660] =	vst v63  }
0x9b: {  	_ =	swait.ge @!p1 [sflag:s16], $0x80  }
0x9c: {  	[sflag:s16] =	ssyncset.done @!p1 $0x0  }
0x9d: {  	s22 =	sadd.s32 $0x100, s19;
	[sflag:s16] =	ssyncadd.s32 @!p1 $0xFFFFFF80  }
0x9e: {  	[tilespmem:s30], [sflag:$0x1] =	stream.indirect.gather [hbm4b:s1+s0], $0x40, s22, s0, $0xb8;
	[tilespmem:$0x1A660] =	vst v63  }
0x9f: {  	_ =	swait.ge [sflag:s13], $0x2000  }
0xa0: {  	[sflag:s13] =	ssyncset.done $0x0  }
0xa1: {  	s19 =	sadd.s32 $0x3180, s19;
	[sflag:s13] =	ssyncadd.s32 $0xFFFFE000  }
0xa2: {  	[spmem:s3] =	stream.indirect.scatter.add.f32 [tilespmem:s7], [sflag:$0x4], $0x40, s19, s0, $0xb8;
	[tilespmem:$0x1A660] =	vst v63  }
0xa3: {  	_ =	swait.ge [sflag:s12], $0x2000  }
.Ltmp3:
0xa4: {  	[sflag:s12] =	ssyncset.done $0x0;
	(pc) =	sbr.rel @p2 .LBB2_8-.Ltmp3, $4  }
0xa5: {  	[sflag:s12] =	ssyncadd.s32 $0xFFFFE000  }
0xa6: {  	[spmem:s4] =	stream.indirect.scatter.add.f32 @!p1 [tilespmem:s18], [sflag:$0x3], $0x1, s19, s17, $0xb8;
	[tilespmem:$0x1A660] =	vst v63  }
0xa7: {  	_ =	swait.ge @!p1 [sflag:s20], $0x80  }
0xa8: {  	s19 =	sshra.s32 s2, $0x2;
	[sflag:s20] =	ssyncset.done @!p1 $0x0  }
0xa9: {  	s2 =	sadd.s32 $0x80, s19;
	[sflag:s20] =	ssyncadd.s32 @!p1 $0xFFFFFF80  }
0xaa: {  	[tilespmem:s7], [sflag:$0x2] =	stream.indirect.gather [hbm4b:s1+s0], $0x40, s2, s0, $0xb8;
	[tilespmem:$0x1A660] =	vst v63  }
0xab: {  	_ =	swait.ge [sflag:s11], $0x2000  }
0xac: {  	[sflag:s11] =	ssyncset.done $0x0  }
0xad: {  	s2 =	sadd.s32 $0x3100, s19;
	[sflag:s11] =	ssyncadd.s32 $0xFFFFE000  }
0xae: {  	[spmem:s3] =	stream.indirect.scatter.add.f32 [tilespmem:s30], [sflag:$0x4], $0x40, s2, s0, $0xb8;
	[tilespmem:$0x1A660] =	vst v63  }
0xaf: {  	_ =	swait.ge [sflag:s12], $0x2000  }
0xb0: {  	s16 =	simm.s32 @!p1 $0x4;
	[sflag:s12] =	ssyncset.done $0x0  }
0xb1: {  	s17 =	simm.s32 @!p1 $0x80;
	s18 =	simm.s32 @!p1 $0xA200;
	[sflag:s12] =	ssyncadd.s32 $0xFFFFE000  }
0xb2: {  	[spmem:s4] =	stream.indirect.scatter.add.f32 @!p1 [tilespmem:s18], [sflag:$0x4], $0x1, s2, s17, $0xb8;
	[tilespmem:$0x1A660] =	vst v63  }
0xb3: {  	_ =	swait.ge @!p1 [sflag:s16], $0x80  }
0xb4: {  	[sflag:s16] =	ssyncset.done @!p1 $0x0  }
0xb5: {  	[sflag:s16] =	ssyncadd.s32 @!p1 $0xFFFFFF80;
	s16 =	sadd.s32 $0x100, s19  }
0xb6: {  	[tilespmem:s30], [sflag:$0x1] =	stream.indirect.gather [hbm4b:s1+s0], $0x40, s16, s0, $0xb8;
	[tilespmem:$0x1A660] =	vst v63  }
0xb7: {  	_ =	swait.ge [sflag:s13], $0x2000  }
0xb8: {  	[sflag:s13] =	ssyncset.done $0x0  }
0xb9: {  	s2 =	sadd.s32 $0x3180, s19;
	[sflag:s13] =	ssyncadd.s32 $0xFFFFE000  }
0xba: {  	[spmem:s3] =	stream.indirect.scatter.add.f32 [tilespmem:s7], [sflag:$0x4], $0x40, s2, s0, $0xb8;
	[tilespmem:$0x1A660] =	vst v63  }
0xbb: {  	_ =	swait.ge [sflag:s12], $0x2000  }
0xbc: {  	[sflag:s12] =	ssyncset.done $0x0  }
0xbd: {  	s16 =	simm.s32 @!p1 $0x3;
	[sflag:s12] =	ssyncadd.s32 $0xFFFFE000  }
0xbe: {  	[spmem:s4] =	stream.indirect.scatter.add.f32 @!p1 [tilespmem:s18], [sflag:$0x3], $0x1, s2, s17, $0xb8;
	[tilespmem:$0x1A660] =	vst v63  }
0xbf: {  	_ =	swait.ge @!p1 [sflag:s16], $0x80  }
0xc0: {  	[sflag:s16] =	ssyncset.done @!p1 $0x0  }
0xc1: {  	[sflag:s16] =	ssyncadd.s32 @!p1 $0xFFFFFF80  }
0xc2: {  	[tilespmem:s7], [sflag:$0x2] =	stream.indirect.gather [hbm4b:s1+s0], $0x40, s14, s0, $0xb8;
	[tilespmem:$0x1A660] =	vst v63  }
0xc3: {  	_ =	swait.ge [sflag:s11], $0x2000  }
0xc4: {  	[sflag:s11] =	ssyncset.done $0x0  }
0xc5: {  	[sflag:s11] =	ssyncadd.s32 $0xFFFFE000  }
0xc6: {  	[spmem:s3] =	stream.indirect.scatter.add.f32 [tilespmem:s30], [sflag:$0x3], $0x40, s15, s0, $0xb8;
	[tilespmem:$0x1A660] =	vst v63  }
0xc7: {  	_ =	swait.ge [sflag:s31], $0x2000  }
0xc8: {  	[sflag:s31] =	ssyncset.done $0x0  }
0xc9: {  	s2 =	simm.s32 @p1 $0x2;
	[sflag:s31] =	ssyncadd.s32 $0xFFFFE000  }
0xca: {  	_ =	swait.ge @p1 [sflag:s2], $0x2000  }
0xcb: {  	s20 =	simm.s32 @p1 $0x8200;
	[sflag:s2] =	ssyncset.done @p1 $0x0  }
0xcc: {  	s19 =	simm.s32 @p1 $0x6180;
	[sflag:s2] =	ssyncadd.s32 @p1 $0xFFFFE000;
	s2 =	simm.s32 @p1 $0x80  }
0xcd: {  	[spmem:s3] =	stream.indirect.scatter.add.f32 @p1 [tilespmem:s20], [sflag:$0x3], $0x40, s19, s2, $0xb8;
	[tilespmem:$0x1A660] =	vst v63  }
0xce: {  	s2 =	simm.s32 @p1 $0x3  }
0xcf: {  	_ =	swait.ge @p1 [sflag:s2], $0x2000  }
0xd0: {  	[sflag:s2] =	ssyncset.done @p1 $0x0  }
0xd1: {  	[sflag:s2] =	ssyncadd.s32 @p1 $0xFFFFE000;
	s2 =	simm.s32 @!p1 $0x6100  }
0xd2: {  	[spmem:s4] =	stream.indirect.scatter.add.f32 @!p1 [tilespmem:s18], [sflag:$0x3], $0x1, s2, s17, $0xb8;
	[tilespmem:$0x1A660] =	vst v63  }
0xd3: {  	_ =	swait.ge @!p1 [sflag:s16], $0x80  }
0xd4: {  	[sflag:s16] =	ssyncset.done @!p1 $0x0  }
0xd5: {  	s2 =	simm.s32 @!p1 $0x2;
	[sflag:s16] =	ssyncadd.s32 @!p1 $0xFFFFFF80  }
0xd6: {  	_ =	swait.ge @!p1 [sflag:s2], $0x2000  }
0xd7: {  	[sflag:s2] =	ssyncset.done @!p1 $0x0  }
0xd8: {  	s19 =	simm.s32 @!p1 $0x8200;
	[sflag:s2] =	ssyncadd.s32 @!p1 $0xFFFFE000;
	s2 =	simm.s32 @!p1 $0x6180  }
0xd9: {  	[spmem:s3] =	stream.indirect.scatter.add.f32 @!p1 [tilespmem:s19], [sflag:$0x3], $0x40, s2, s17, $0xb8;
	[tilespmem:$0x1A660] =	vst v63  }
0xda: {  	_ =	swait.ge @!p1 [sflag:s16], $0x2000  }
0xdb: {  	[sflag:s16] =	ssyncset.done @!p1 $0x0  }
0xdc: {  	[sflag:s16] =	ssyncadd.s32 @!p1 $0xFFFFE000  }
0xdd: {  	[spmem:s4] =	stream.indirect.scatter.add.f32 @!p1 [tilespmem:s18], [sflag:$0x3], $0x1, s2, s17, $0xb8;
	[tilespmem:$0x1A660] =	vst v63  }
0xde: {  	_ =	swait.ge @!p1 [sflag:s16], $0x80  }
0xdf: {  	[sflag:s16] =	ssyncset.done @!p1 $0x0  }
0xe0: {  	s19 =	simm.s32 $0x0;
	s20 =	rddreg [dreg:$0xa];
	[sflag:s16] =	ssyncadd.s32 @!p1 $0xFFFFFF80  }
0xe1: {  	[tilespmem:s19], [sflag:$0x3] =	stream.linear.gather [hbm4b:s20+s19], $0x3100, $0x38;
	[tilespmem:$0x1A660] =	vst v63  }
0xe2: {  	_ =	swait.ge [sflag:s31], $0x3100  }
0xe3: {  	[sflag:s31] =	ssyncset.done $0x0  }
0xe4: {  	s22 =	simm.s32 $0x3100;
	s21 =	rddreg [dreg:$0xb];
	[sflag:s31] =	ssyncadd.s32 $0xFFFFCF00  }
0xe5: {  	[tilespmem:s22], [sflag:$0x3] =	stream.linear.gather [hbm4b:s21+s19], $0x3100, $0x38;
	[tilespmem:$0x1A660] =	vst v63  }
0xe6: {  	_ =	swait.ge [sflag:s31], $0x3100  }
0xe7: {  	[sflag:s31] =	ssyncset.done $0x0  }
0xe8: {  	s16 =	simm.s32 $0x0;
	[sflag:s31] =	ssyncadd.s32 $0xFFFFCF00  }
0xe9: {  	v4 =	vld [tilespmem:s16+$0x0]  }
0xea: {  	v5 =	vld [tilespmem:s16+$0x10]  }
0xeb: {  	v7 =	vld [tilespmem:s16+$0x20]  }
0xec: {  	v6 =	vld [tilespmem:s16+$0x30]  }
0xed: {  	v3 =	vld [tilespmem:s16+$0x40]  }
0xee: {  	v8 =	vshll.u32 v4, $0x1;
	v4 =	vld [tilespmem:s16+$0x50]  }
0xef: {  	s17 =	simm.s32 $0x200;
	v9 =	vshll.u32 v5, $0x1;
	v5 =	vld [tilespmem:s16+$0x60];
	v8 =	vor.u32 v0, v8  }
.LBB2_10:
0xf0: {  	s2 =	sshra.s32 s17, $0x2;
	p2 =	sne.s32 s17, $0xC200;
	[tilespmem:s16+$0x0] =	vst v8;
	v8 =	vor.u32 v0, v9;
	v7 =	vshll.u32 v7, $0x1;
	v9 =	vld [tilespmem:s16+$0x70]  }
0xf1: {  	v10 =	vld [tilespmem:s2+$0x0];
	[tilespmem:s16+$0x10] =	vst v8;
	v7 =	vor.u32 v0, v7;
	v6 =	vshll.u32 v6, $0x1  }
0xf2: {  	v11 =	vld [tilespmem:s2+$0x10];
	[tilespmem:s16+$0x20] =	vst v7;
	v6 =	vor.u32 v0, v6;
	v3 =	vshll.u32 v3, $0x1  }
.Ltmp4:
0xf3: {  	v7 =	vld [tilespmem:s2+$0x20];
	[tilespmem:s16+$0x30] =	vst v6;
	v3 =	vor.u32 v0, v3;
	v4 =	vshll.u32 v4, $0x1;
	(pc) =	sbr.rel @p2 .LBB2_10-.Ltmp4, $4  }
0xf4: {  	v6 =	vld [tilespmem:s2+$0x30];
	[tilespmem:s16+$0x40] =	vst v3;
	v4 =	vor.u32 v0, v4;
	v5 =	vshll.u32 v5, $0x1  }
0xf5: {  	v3 =	vld [tilespmem:s2+$0x40];
	[tilespmem:s16+$0x50] =	vst v4;
	v5 =	vor.u32 v0, v5;
	v8 =	vshll.u32 v9, $0x1  }
0xf6: {  	v9 =	vshll.u32 v10, $0x1;
	v4 =	vld [tilespmem:s2+$0x50];
	[tilespmem:s16+$0x60] =	vst v5;
	v10 =	vor.u32 v0, v8  }
0xf7: {  	s17 =	sadd.s32 $0x200, s17;
	v8 =	vor.u32 v0, v9;
	v9 =	vshll.u32 v11, $0x1;
	v5 =	vld [tilespmem:s2+$0x60];
	[tilespmem:s16+$0x70] =	vst v10;
	s16 =	smov.u32 s2  }
0xf8: {  	[tilespmem:s16+$0x0] =	vst v8;
	v60 =	vor.u32 v0, v9;
	v7 =	vshll.u32 v7, $0x1;
	v61 =	vld [tilespmem:s16+$0x70]  }
0xf9: {  	[tilespmem:s16+$0x10] =	vst v60;
	v7 =	vor.u32 v0, v7;
	v6 =	vshll.u32 v6, $0x1  }
0xfa: {  	[tilespmem:s16+$0x20] =	vst v7;
	v6 =	vor.u32 v0, v6;
	v3 =	vshll.u32 v3, $0x1  }
0xfb: {  	[tilespmem:s16+$0x30] =	vst v6;
	v3 =	vor.u32 v0, v3;
	v4 =	vshll.u32 v4, $0x1  }
0xfc: {  	[tilespmem:s16+$0x40] =	vst v3;
	v3 =	vor.u32 v0, v4;
	v62 =	vshll.u32 v5, $0x1  }
0xfd: {  	[tilespmem:s16+$0x50] =	vst v3;
	v3 =	vor.u32 v0, v62;
	v63 =	vshll.u32 v61, $0x1  }
0xfe: {  	[tilespmem:s16+$0x60] =	vst v3;
	v3 =	vor.u32 v0, v63  }
0xff: {  	s2 =	simm.s32 $0x0;
	[tilespmem:s16+$0x70] =	vst v3  }
0x100: {  	[tilespmem:s30], [sflag:$0x1] =	stream.indirect.gather [hbm4b:s1+s0], $0x40, s2, s0, $0xb8;
	[tilespmem:$0x1A660] =	vst v63  }
0x101: {  	s21 =	simm.s32 $0x80  }
0x102: {  	[tilespmem:s7], [sflag:$0x2] =	stream.indirect.gather [hbm4b:s1+s0], $0x40, s21, s0, $0xb8;
	[tilespmem:$0x1A660] =	vst v63  }
0x103: {  	_ =	swait.ge [sflag:s11], $0x2000  }
0x104: {  	[sflag:s11] =	ssyncset.done $0x0  }
0x105: {  	s2 =	simm.s32 $0x3100;
	[sflag:s11] =	ssyncadd.s32 $0xFFFFE000  }
0x106: {  	[spmem:s3] =	stream.indirect.scatter.add.f32 [tilespmem:s30], [sflag:$0x4], $0x40, s2, s0, $0xb8;
	[tilespmem:$0x1A660] =	vst v63  }
0x107: {  	_ =	swait.ge [sflag:s12], $0x2000  }
0x108: {  	s17 =	simm.s32 @!p1 $0x80;
	[sflag:s12] =	ssyncset.done $0x0  }
0x109: {  	s18 =	simm.s32 @!p1 $0xA200;
	s16 =	simm.s32 @!p1 $0x4;
	[sflag:s12] =	ssyncadd.s32 $0xFFFFE000  }
0x10a: {  	[spmem:s4] =	stream.indirect.scatter.add.f32 @!p1 [tilespmem:s18], [sflag:$0x4], $0x1, s2, s17, $0xb8;
	[tilespmem:$0x1A660] =	vst v63  }
0x10b: {  	_ =	swait.ge @!p1 [sflag:s16], $0x80  }
0x10c: {  	[sflag:s16] =	ssyncset.done @!p1 $0x0  }
0x10d: {  	s22 =	simm.s32 $0x100;
	[sflag:s16] =	ssyncadd.s32 @!p1 $0xFFFFFF80  }
0x10e: {  	[tilespmem:s30], [sflag:$0x1] =	stream.indirect.gather [hbm4b:s1+s0], $0x40, s22, s0, $0xb8;
	[tilespmem:$0x1A660] =	vst v63  }
0x10f: {  	_ =	swait.ge [sflag:s13], $0x2000  }
0x110: {  	[sflag:s13] =	ssyncset.done $0x0  }
0x111: {  	s2 =	simm.s32 $0x3180;
	[sflag:s13] =	ssyncadd.s32 $0xFFFFE000  }
0x112: {  	[spmem:s3] =	stream.indirect.scatter.add.f32 [tilespmem:s7], [sflag:$0x4], $0x40, s2, s0, $0xb8;
	[tilespmem:$0x1A660] =	vst v63  }
0x113: {  	_ =	swait.ge [sflag:s12], $0x2000  }
0x114: {  	[sflag:s12] =	ssyncset.done $0x0  }
0x115: {  	s20 =	simm.s32 @!p1 $0x3;
	[sflag:s12] =	ssyncadd.s32 $0xFFFFE000  }
0x116: {  	[spmem:s4] =	stream.indirect.scatter.add.f32 @!p1 [tilespmem:s18], [sflag:$0x3], $0x1, s2, s17, $0xb8;
	[tilespmem:$0x1A660] =	vst v63  }
0x117: {  	_ =	swait.ge @!p1 [sflag:s20], $0x80  }
0x118: {  	s19 =	simm.s32 $0x100;
	s21 =	simm.s32 $0x800;
	[sflag:s20] =	ssyncset.done @!p1 $0x0  }
.LBB2_12:
0x119: {  	s2 =	sadd.s32 $0x80, s19  }
0x11a: {  	[sflag:s20] =	ssyncadd.s32 @!p1 $0xFFFFFF80;
	s22 =	smov.u32 s21;
	s21 =	sadd.s32 $0x400, s21  }
0x11b: {  	[tilespmem:s7], [sflag:$0x2] =	stream.indirect.gather [hbm4b:s1+s0], $0x40, s2, s0, $0xb8;
	[tilespmem:$0x1A660] =	vst v63  }
0x11c: {  	p2 =	sne.s32 s21, $0xC000;
	_ =	swait.ge [sflag:s11], $0x2000  }
0x11d: {  	[sflag:s11] =	ssyncset.done $0x0  }
0x11e: {  	s2 =	sadd.s32 $0x3100, s19;
	[sflag:s11] =	ssyncadd.s32 $0xFFFFE000  }
0x11f: {  	[spmem:s3] =	stream.indirect.scatter.add.f32 [tilespmem:s30], [sflag:$0x4], $0x40, s2, s0, $0xb8;
	[tilespmem:$0x1A660] =	vst v63  }
0x120: {  	_ =	swait.ge [sflag:s12], $0x2000  }
0x121: {  	[sflag:s12] =	ssyncset.done $0x0  }
0x122: {  	[sflag:s12] =	ssyncadd.s32 $0xFFFFE000  }
0x123: {  	[spmem:s4] =	stream.indirect.scatter.add.f32 @!p1 [tilespmem:s18], [sflag:$0x4], $0x1, s2, s17, $0xb8;
	[tilespmem:$0x1A660] =	vst v63  }
0x124: {  	_ =	swait.ge @!p1 [sflag:s16], $0x80  }
0x125: {  	[sflag:s16] =	ssyncset.done @!p1 $0x0  }
0x126: {  	s2 =	sadd.s32 $0x100, s19;
	[sflag:s16] =	ssyncadd.s32 @!p1 $0xFFFFFF80  }
0x127: {  	[tilespmem:s30], [sflag:$0x1] =	stream.indirect.gather [hbm4b:s1+s0], $0x40, s2, s0, $0xb8;
	[tilespmem:$0x1A660] =	vst v63  }
0x128: {  	_ =	swait.ge [sflag:s13], $0x2000  }
0x129: {  	[sflag:s13] =	ssyncset.done $0x0  }
0x12a: {  	s2 =	sadd.s32 $0x3180, s19;
	[sflag:s13] =	ssyncadd.s32 $0xFFFFE000  }
0x12b: {  	[spmem:s3] =	stream.indirect.scatter.add.f32 [tilespmem:s7], [sflag:$0x4], $0x40, s2, s0, $0xb8;
	[tilespmem:$0x1A660] =	vst v63  }
0x12c: {  	_ =	swait.ge [sflag:s12], $0x2000  }
.Ltmp5:
0x12d: {  	[sflag:s12] =	ssyncset.done $0x0;
	(pc) =	sbr.rel @p2 .LBB2_12-.Ltmp5, $4  }
0x12e: {  	[sflag:s12] =	ssyncadd.s32 $0xFFFFE000  }
0x12f: {  	[spmem:s4] =	stream.indirect.scatter.add.f32 @!p1 [tilespmem:s18], [sflag:$0x3], $0x1, s2, s17, $0xb8;
	[tilespmem:$0x1A660] =	vst v63  }
0x130: {  	_ =	swait.ge @!p1 [sflag:s20], $0x80  }
0x131: {  	s19 =	sshra.s32 s22, $0x2;
	[sflag:s20] =	ssyncset.done @!p1 $0x0  }
0x132: {  	s2 =	sadd.s32 $0x80, s19;
	[sflag:s20] =	ssyncadd.s32 @!p1 $0xFFFFFF80  }
0x133: {  	[tilespmem:s7], [sflag:$0x2] =	stream.indirect.gather [hbm4b:s1+s0], $0x40, s2, s0, $0xb8;
	[tilespmem:$0x1A660] =	vst v63  }
0x134: {  	_ =	swait.ge [sflag:s11], $0x2000  }
0x135: {  	[sflag:s11] =	ssyncset.done $0x0  }
0x136: {  	s2 =	sadd.s32 $0x3100, s19;
	[sflag:s11] =	ssyncadd.s32 $0xFFFFE000  }
0x137: {  	[spmem:s3] =	stream.indirect.scatter.add.f32 [tilespmem:s30], [sflag:$0x4], $0x40, s2, s0, $0xb8;
	[tilespmem:$0x1A660] =	vst v63  }
0x138: {  	_ =	swait.ge [sflag:s12], $0x2000  }
0x139: {  	s16 =	simm.s32 @!p1 $0x4;
	[sflag:s12] =	ssyncset.done $0x0  }
0x13a: {  	s17 =	simm.s32 @!p1 $0x80;
	s18 =	simm.s32 @!p1 $0xA200;
	[sflag:s12] =	ssyncadd.s32 $0xFFFFE000  }
0x13b: {  	[spmem:s4] =	stream.indirect.scatter.add.f32 @!p1 [tilespmem:s18], [sflag:$0x4], $0x1, s2, s17, $0xb8;
	[tilespmem:$0x1A660] =	vst v63  }
0x13c: {  	_ =	swait.ge @!p1 [sflag:s16], $0x80  }
0x13d: {  	[sflag:s16] =	ssyncset.done @!p1 $0x0  }
0x13e: {  	[sflag:s16] =	ssyncadd.s32 @!p1 $0xFFFFFF80;
	s16 =	sadd.s32 $0x100, s19  }
0x13f: {  	[tilespmem:s30], [sflag:$0x1] =	stream.indirect.gather [hbm4b:s1+s0], $0x40, s16, s0, $0xb8;
	[tilespmem:$0x1A660] =	vst v63  }
0x140: {  	_ =	swait.ge [sflag:s13], $0x2000  }
0x141: {  	[sflag:s13] =	ssyncset.done $0x0  }
0x142: {  	s2 =	sadd.s32 $0x3180, s19;
	[sflag:s13] =	ssyncadd.s32 $0xFFFFE000  }
0x143: {  	[spmem:s3] =	stream.indirect.scatter.add.f32 [tilespmem:s7], [sflag:$0x4], $0x40, s2, s0, $0xb8;
	[tilespmem:$0x1A660] =	vst v63  }
0x144: {  	_ =	swait.ge [sflag:s12], $0x2000  }
0x145: {  	[sflag:s12] =	ssyncset.done $0x0  }
0x146: {  	s16 =	simm.s32 @!p1 $0x3;
	[sflag:s12] =	ssyncadd.s32 $0xFFFFE000  }
0x147: {  	[spmem:s4] =	stream.indirect.scatter.add.f32 @!p1 [tilespmem:s18], [sflag:$0x3], $0x1, s2, s17, $0xb8;
	[tilespmem:$0x1A660] =	vst v63  }
0x148: {  	_ =	swait.ge @!p1 [sflag:s16], $0x80  }
0x149: {  	[sflag:s16] =	ssyncset.done @!p1 $0x0  }
0x14a: {  	[sflag:s16] =	ssyncadd.s32 @!p1 $0xFFFFFF80  }
0x14b: {  	[tilespmem:s7], [sflag:$0x2] =	stream.indirect.gather [hbm4b:s1+s0], $0x40, s14, s0, $0xb8;
	[tilespmem:$0x1A660] =	vst v63  }
0x14c: {  	_ =	swait.ge [sflag:s11], $0x2000  }
0x14d: {  	[sflag:s11] =	ssyncset.done $0x0  }
0x14e: {  	[sflag:s11] =	ssyncadd.s32 $0xFFFFE000  }
0x14f: {  	[spmem:s3] =	stream.indirect.scatter.add.f32 [tilespmem:s30], [sflag:$0x3], $0x40, s15, s0, $0xb8;
	[tilespmem:$0x1A660] =	vst v63  }
0x150: {  	_ =	swait.ge [sflag:s31], $0x2000  }
0x151: {  	[sflag:s31] =	ssyncset.done $0x0  }
0x152: {  	s2 =	simm.s32 @p1 $0x2;
	[sflag:s31] =	ssyncadd.s32 $0xFFFFE000  }
0x153: {  	_ =	swait.ge @p1 [sflag:s2], $0x2000  }
0x154: {  	s20 =	simm.s32 @p1 $0x8200;
	[sflag:s2] =	ssyncset.done @p1 $0x0  }
0x155: {  	s19 =	simm.s32 @p1 $0x6180;
	[sflag:s2] =	ssyncadd.s32 @p1 $0xFFFFE000;
	s2 =	simm.s32 @p1 $0x80  }
0x156: {  	[spmem:s3] =	stream.indirect.scatter.add.f32 @p1 [tilespmem:s20], [sflag:$0x3], $0x40, s19, s2, $0xb8;
	[tilespmem:$0x1A660] =	vst v63  }
0x157: {  	s2 =	simm.s32 @p1 $0x3  }
0x158: {  	_ =	swait.ge @p1 [sflag:s2], $0x2000  }
0x159: {  	[sflag:s2] =	ssyncset.done @p1 $0x0  }
0x15a: {  	[sflag:s2] =	ssyncadd.s32 @p1 $0xFFFFE000;
	s2 =	simm.s32 @!p1 $0x6100  }
0x15b: {  	[spmem:s4] =	stream.indirect.scatter.add.f32 @!p1 [tilespmem:s18], [sflag:$0x3], $0x1, s2, s17, $0xb8;
	[tilespmem:$0x1A660] =	vst v63  }
0x15c: {  	_ =	swait.ge @!p1 [sflag:s16], $0x80  }
0x15d: {  	[sflag:s16] =	ssyncset.done @!p1 $0x0  }
0x15e: {  	s2 =	simm.s32 @!p1 $0x2;
	[sflag:s16] =	ssyncadd.s32 @!p1 $0xFFFFFF80  }
0x15f: {  	_ =	swait.ge @!p1 [sflag:s2], $0x2000  }
0x160: {  	[sflag:s2] =	ssyncset.done @!p1 $0x0  }
0x161: {  	s19 =	simm.s32 @!p1 $0x8200;
	[sflag:s2] =	ssyncadd.s32 @!p1 $0xFFFFE000;
	s2 =	simm.s32 @!p1 $0x6180  }
0x162: {  	[spmem:s3] =	stream.indirect.scatter.add.f32 @!p1 [tilespmem:s19], [sflag:$0x3], $0x40, s2, s17, $0xb8;
	[tilespmem:$0x1A660] =	vst v63  }
0x163: {  	_ =	swait.ge @!p1 [sflag:s16], $0x2000  }
0x164: {  	[sflag:s16] =	ssyncset.done @!p1 $0x0  }
0x165: {  	[sflag:s16] =	ssyncadd.s32 @!p1 $0xFFFFE000  }
0x166: {  	[spmem:s4] =	stream.indirect.scatter.add.f32 @!p1 [tilespmem:s18], [sflag:$0x3], $0x1, s2, s17, $0xb8;
	[tilespmem:$0x1A660] =	vst v63  }
0x167: {  	_ =	swait.ge @!p1 [sflag:s16], $0x80  }
0x168: {  	[sflag:s16] =	ssyncset.done @!p1 $0x0  }
0x169: {  	s18 =	stileid.u32;
	[sflag:s16] =	ssyncadd.s32 @!p1 $0xFFFFFF80  }
0x16a: {  	s2 =	sshll.u32 s18, $0x6;
	[bflag:$0x0] =	sbarrier.arrive $0xFFFF  }
0x16b: {  	s19 =	sshrl.u32 s6, $0x3;
	s2 =	sor.u32 $0x1C03, s2;
	s20 =	rddreg [dreg:$0xc]  }
0x16c: {  	[hbm:s20], [sflag:s2] =	dma.local [spmem:s19], $0x400  }
0x16d: {  	_ =	swait.ge [sflag:s31], $0x400  }
0x16e: {  	[sflag:s31] =	ssyncset.done $0x0  }
0x16f: {  	s21 =	sshrl.u32 s8, $0x3;
	s22 =	rddreg [dreg:$0xd];
	[sflag:s31] =	ssyncadd.s32 $0xFFFFFC00  }
0x170: {  	[hbm:s22], [sflag:s2] =	dma.local [spmem:s21], $0x400  }
0x171: {  	_ =	swait.ge [sflag:s31], $0x400  }
0x172: {  	[sflag:s31] =	ssyncset.done $0x0  }
0x173: {  	s17 =	sshrl.u32 s9, $0x3;
	s18 =	rddreg [dreg:$0xe];
	[sflag:s31] =	ssyncadd.s32 $0xFFFFFC00  }
0x174: {  	[hbm:s18], [sflag:s2] =	dma.local [spmem:s17], $0x400  }
0x175: {  	_ =	swait.ge [sflag:s31], $0x400  }
0x176: {  	[sflag:s31] =	ssyncset.done $0x0  }
0x177: {  	s19 =	sshrl.u32 s10, $0x3;
	s20 =	rddreg [dreg:$0xf];
	[sflag:s31] =	ssyncadd.s32 $0xFFFFFC00  }
0x178: {  	[hbm:s20], [sflag:s2] =	dma.local [spmem:s19], $0x400  }
0x179: {  	_ =	swait.ge [sflag:s31], $0x400  }
0x17a: {  	[sflag:s31] =	ssyncset.done $0x0  }
0x17b: {  	s21 =	sshrl.u32 s25, $0x3;
	s22 =	rddreg [dreg:$0x10];
	[sflag:s31] =	ssyncadd.s32 $0xFFFFFC00  }
0x17c: {  	[hbm:s22], [sflag:s2] =	dma.local [spmem:s21], $0x400  }
0x17d: {  	_ =	swait.ge [sflag:s31], $0x400  }
0x17e: {  	[sflag:s31] =	ssyncset.done $0x0  }
0x17f: {  	s18 =	sshrl.u32 s26, $0x3;
	s19 =	rddreg [dreg:$0x11];
	[sflag:s31] =	ssyncadd.s32 $0xFFFFFC00  }
0x180: {  	[hbm:s19], [sflag:s2] =	dma.local [spmem:s18], $0x400  }
0x181: {  	_ =	swait.ge [sflag:s31], $0x400  }
0x182: {  	[sflag:s31] =	ssyncset.done $0x0  }
0x183: {  	s20 =	sshrl.u32 s28, $0x3;
	s21 =	rddreg [dreg:$0x12];
	[sflag:s31] =	ssyncadd.s32 $0xFFFFFC00  }
0x184: {  	[hbm:s21], [sflag:s2] =	dma.local [spmem:s20], $0x400  }
0x185: {  	_ =	swait.ge [sflag:s31], $0x400  }
0x186: {  	[sflag:s31] =	ssyncset.done $0x0  }
0x187: {  	s22 =	sshrl.u32 s29, $0x3;
	[sflag:s31] =	ssyncadd.s32 $0xFFFFFC00  }
0x188: {  	[hbm:s23], [sflag:s2] =	dma.local [spmem:s22], $0x380  }
0x189: {  	s5 =	sadd.s32 $0x1, s5;
	_ =	swait.ge [sflag:s31], $0x380  }
0x18a: {  	p2 =	sne.s32 s5, s24;
	[sflag:s31] =	ssyncset.done $0x0  }
0x18b: {  	s16 =	sshrl.u32 @!p0 s4, $0x3;
	s17 =	rddreg [dreg:$0x6];
	[sflag:s31] =	ssyncadd.s32 $0xFFFFFC80  }
0x18c: {  	[hbm:s17], [sflag:s2] =	dma.local @!p0 [spmem:s16], $0x7E0  }
.Ltmp6:
0x18d: {  	_ = 	snop;
	(pc) =	sbr.rel @p2 .LBB2_1-.Ltmp6, $4  }
0x18e: {  	s2 =	simm.s32 @!p0 $0x3  }
0x18f: {  	_ =	swait.ge @!p0 [sflag:s2], $0x7E0  }
0x190: {  	[sflag:s2] =	ssyncset.done @!p0 $0x0  }
0x191: {  	[sflag:s2] =	ssyncadd.s32 @!p0 $0xFFFFF820  }
0x192: {  	_ =	sfence.sel $0x180000  }
0x193: {  	[bflag:$0x0] =	sbarrier.arrive $0xFFFF  }
0x194: {  	_ =	strace $0x90000047  }
0x195: {  	s0 =	stileid.u32;
	[bflag:$0x2] =	sbarrier.arrive $0xFFFF  }
0x196: {  	p0 =	sne.s32 s0, $0x0;
	s0 =	rddreg [dreg:$0x5]  }
0x197: {  	s0 =	sadd.s32 @!p0 $0x100000, s0  }
0x198: {  	[sflag:s0] =	ssyncadd.tile.s32 @!p0 $0x1;
	_ =	shalt  }
.Lfunc_end2:
_tile_overlayer_lowered:
.L_overlay_start_2:
0x199: {  	(tag) =	ssettag $0x2  }
0x19a: {  	s0 =	rddreg [dreg:$0x0];
	s2 =	stileid.u32  }
0x19b: {  	s1 =	rddreg [dreg:$0x1];
	p0 =	sne.s32 s2, $0x0  }
0x19c: {  	s3 =	rddreg [dreg:$0x2];
	[bflag:$0x3] =	sbarrier.arrive $0xFFFF;
	s2 =	simm.s32 @!p0 $0x1C03  }
0x19d: {  	[timem:s3], [sflag:s2] =	dma.local @!p0 [hbm:s0], s1  }
0x19e: {  	s0 =	simm.s32 @!p0 $0x3  }
0x19f: {  	_ =	swait.ge @!p0 [sflag:s0], s1  }
0x1a0: {  	s1 =	ssub.s32 @!p0 $0x0, s1;
	[sflag:s0] =	ssyncset.done @!p0 $0x0  }
0x1a1: {  	[sflag:s0] =	ssyncadd.s32 @!p0 s1  }
0x1a2: {  	[bflag:$0x3] =	sbarrier.arrive $0xFFFF  }
0x1a3: {  	_ =	shalt  }

// kernel: sc_sage_agg1.3.cloned.1.call-start
scs
__scs_entry_jumppad:
0x0: {  	(pc) =	sbr.rel $0x88, $3  }
0x1: {  	(tag) =	ssettag $0x0;
	lr =	simm.s32 $0x1  }
0x2: {  	[smem:$0x3F96] =	sst lr;
	_ =	strace $0xD0000000  }
0x3: {  	_ = 	snop  }
0x4: {  	_ = 	snop  }
0x5: {  	_ = 	snop  }
0x6: {  	_ = 	snop  }
0x7: {  	_ = 	snop  }
__scs_overlays_trampoline_lowered:
0x8: {  	[smem:$0x3FA5] =	sst s0  }
0x9: {  	[smem:$0x3FA6] =	sst s1  }
0xa: {  	[smem:$0x3FA7] =	sst s2  }
0xb: {  	[smem:$0x3FA8] =	sst s3  }
0xc: {  	[smem:$0x3FA9] =	sst s4  }
0xd: {  	[smem:$0x3FAA] =	sst s5  }
0xe: {  	[smem:$0x3FAB] =	sst s6  }
0xf: {  	[smem:$0x3FAC] =	sst s7  }
0x10: {  	[smem:$0x3FAD] =	sst s8  }
0x11: {  	[smem:$0x3FAE] =	sst s9;
	s0 =	simm.s32 @!p0 $0x0  }
0x12: {  	s1 =	sld [smem:$0x3F94];
	s0 =	simm.s32 @p0 $0x1  }
0x13: {  	[smem:$0x3FAF] =	sst s0;
	s0 =	simm.s32 @!p1 $0x0  }
0x14: {  	s2 =	sld [smem:$0x3F93];
	s0 =	simm.s32 @p1 $0x1  }
0x15: {  	[smem:$0x3FB0] =	sst s0;
	s0 =	simm.s32 @!p2 $0x0  }
0x16: {  	s3 =	sld [smem:$0x3FDB];
	s0 =	simm.s32 @p2 $0x1  }
0x17: {  	s4 =	simm.s32 $0x1BF5;
	[smem:$0x3FB2] =	sst s0  }
0x18: {  	s0 =	sld [smem:$0x3F95];
	_ =	swait.ge [sflag:s4], $0x0  }
0x19: {  	s7 =	sld [smem:$0x3F96]  }
0x1a: {  	s8 =	sadd.s32 $0xFFFFE003, lr  }
0x1b: {  	s9 =	sadd.s32 $0xFFFFFEF7, lr;
	s5 =	simm.s32 $0xFFFFFFFF;
	p2 =	slt.u32 s8, $0xFFFFF086  }
0x1c: {  	p1 =	slt.u32 s9, $0xF7A;
	s5 =	simm.s32 @!p2 $0x0  }
0x1d: {  	s5 =	simm.s32 @p1 $0x1;
	p0 =	seq.s32 s7, s2  }
0x1e: {  	s7 =	smul.u32 @!p0 $0xF7A, s2;
	p2 =	seq.s32 @!p0 s5, $0x0  }
0x1f: {  	s9 =	smul.u32 $0xF7A, s1;
	s8 =	simm.s32 @!p0 $0x1BF5;
	p2 =	por !p2, p0  }
0x20: {  	[sflag:s8] =	ssyncset.s32 @!p0 $0xFFFFF086;
	s6 =	sadd.s32 @!p0 s3, s7;
	s7 =	simm.s32 @!p0 $0x108  }
0x21: {  	s3 =	sadd.s32 s3, s9;
	s6 =	sadd.s32 @!p0 $0x88, s6;
	s7 =	simm.s32 @p2 $0x1082  }
0x22: {  	[simem:s7], [sflag:s8] =	dma.local @!p0 [hbm:s6], $0xF7A  }
0x23: {  	s9 =	sor.u32 $0xD0000000, s2;
	s6 =	simm.s32 $0x108;
	_ =	swait.ge @!p0 [sflag:s8], $0x0  }
0x24: {  	s3 =	sadd.s32 $0x88, s3;
	s6 =	simm.s32 @!p1 $0x1082;
	[sflag:s4] =	ssyncset.s32 $0xFFFFF086  }
0x25: {  	[simem:s6], [sflag:s4] =	dma.local [hbm:s3], $0xF7A  }
0x26: {  	[smem:$0x3F96] =	sst s1;
	(tag) =	ssettag s2;
	_ =	strace s9  }
0x27: {  	s1 =	sld [smem:$0x3FA6]  }
0x28: {  	s2 =	sld [smem:$0x3FA7]  }
0x29: {  	s4 =	sld [smem:$0x3FA9]  }
0x2a: {  	p0 =	seq.s32 s5, $0x0;
	s5 =	sld [smem:$0x3FAA]  }
0x2b: {  	s6 =	sld [smem:$0x3FAB]  }
0x2c: {  	s7 =	sld [smem:$0x3FAC]  }
0x2d: {  	s3 =	simm.s32 $0x108;
	s8 =	sld [smem:$0x3FAD]  }
0x2e: {  	s3 =	simm.s32 @!p0 $0x1082;
	s9 =	sld [smem:$0x3FAE]  }
0x2f: {  	lr =	sadd.s32 s0, s3;
	s0 =	sld [smem:$0x3FA5]  }
0x30: {  	s3 =	sld [smem:$0x3FA8]  }
0x31: {  	[smem:$0x3FB1] =	sst s10  }
0x32: {  	s10 =	sld [smem:$0x3FAF];
	_ =	sdelay $0x3  }
0x33: {  	p0 =	seq.s32 s10, $0x1;
	s10 =	sld [smem:$0x3FB1];
	_ =	sdelay $0x3  }
0x34: {  	[smem:$0x3FB1] =	sst s10  }
0x35: {  	s10 =	sld [smem:$0x3FB0];
	_ =	sdelay $0x3  }
0x36: {  	p1 =	seq.s32 s10, $0x1;
	s10 =	sld [smem:$0x3FB1];
	_ =	sdelay $0x3  }
0x37: {  	[smem:$0x3FB1] =	sst s10  }
0x38: {  	s10 =	sld [smem:$0x3FB2]  }
0x39: {  	_ = 	snop;
	(pc) =	sbr.ind lr, $3  }
0x3a: {  	_ = 	snop  }
0x3b: {  	_ = 	snop  }
0x3c: {  	p2 =	seq.s32 s10, $0x1;
	s10 =	sld [smem:$0x3FB1]  }
0x3d: {  	_ =	shalt  }
0x3e: {  	_ =	shalt  }
0x3f: {  	_ =	shalt  }
0x40: {  	_ =	shalt  }
0x41: {  	_ =	shalt  }
0x42: {  	_ =	shalt  }
0x43: {  	_ =	shalt  }
0x44: {  	_ =	shalt  }
0x45: {  	_ =	shalt  }
0x46: {  	_ =	shalt  }
0x47: {  	_ =	shalt  }
0x48: {  	_ =	shalt  }
0x49: {  	_ =	shalt  }
0x4a: {  	_ =	shalt  }
0x4b: {  	_ =	shalt  }
0x4c: {  	_ =	shalt  }
0x4d: {  	_ =	shalt  }
0x4e: {  	_ =	shalt  }
0x4f: {  	_ =	shalt  }
0x50: {  	_ =	shalt  }
0x51: {  	_ =	shalt  }
0x52: {  	_ =	shalt  }
0x53: {  	_ =	shalt  }
0x54: {  	_ =	shalt  }
0x55: {  	_ =	shalt  }
0x56: {  	_ =	shalt  }
0x57: {  	_ =	shalt  }
0x58: {  	_ =	shalt  }
0x59: {  	_ =	shalt  }
0x5a: {  	_ =	shalt  }
0x5b: {  	_ =	shalt  }
0x5c: {  	_ =	shalt  }
0x5d: {  	_ =	shalt  }
0x5e: {  	_ =	shalt  }
0x5f: {  	_ =	shalt  }
0x60: {  	_ =	shalt  }
0x61: {  	_ =	shalt  }
0x62: {  	_ =	shalt  }
0x63: {  	_ =	shalt  }
0x64: {  	_ =	shalt  }
0x65: {  	_ =	shalt  }
0x66: {  	_ =	shalt  }
0x67: {  	_ =	shalt  }
0x68: {  	_ =	shalt  }
0x69: {  	_ =	shalt  }
0x6a: {  	_ =	shalt  }
0x6b: {  	_ =	shalt  }
0x6c: {  	_ =	shalt  }
0x6d: {  	_ =	shalt  }
0x6e: {  	_ =	shalt  }
0x6f: {  	_ =	shalt  }
0x70: {  	_ =	shalt  }
0x71: {  	_ =	shalt  }
0x72: {  	_ =	shalt  }
0x73: {  	_ =	shalt  }
0x74: {  	_ =	shalt  }
0x75: {  	_ =	shalt  }
0x76: {  	_ =	shalt  }
0x77: {  	_ =	shalt  }
0x78: {  	_ =	shalt  }
0x79: {  	_ =	shalt  }
0x7a: {  	_ =	shalt  }
0x7b: {  	_ =	shalt  }
0x7c: {  	_ =	shalt  }
0x7d: {  	_ =	shalt  }
0x7e: {  	_ =	shalt  }
0x7f: {  	_ =	shalt  }
0x80: {  	_ =	shalt  }
0x81: {  	_ =	shalt  }
0x82: {  	_ =	shalt  }
0x83: {  	_ =	shalt  }
0x84: {  	_ =	shalt  }
0x85: {  	_ =	shalt  }
0x86: {  	_ =	shalt  }
0x87: {  	_ =	shalt  }
.Lfunc_end0:
.L_simem_size_0:
called_computation.1_lowered:
.L_overlay_start_0:
0x88: {  	s2 =	sld [smem:$0x3FD9]  }
0x89: {  	s3 =	sld [smem:$0x3FFE];
	_ =	sdelay $0x1  }
0x8a: {  	s1 =	srdreg.scid  }
0x8b: {  	s0 =	sand.u32 $0x1, s1  }
0x8c: {  	s17 =	sshll.u32 s0, $0xA;
	s2 =	sadd.s32 s3, s2  }
0x8d: {  	s2 =	sadd.s32 s2, s17  }
0x8e: {  	[smem:$0x3FBD] =	sst s2  }
0x8f: {  	_ = 	snop  }
0x90: {  	s2 =	sld [smem:$0x3FD0];
	(tm) =	ssettm $0x1  }
0x91: {  	s18 =	sld [smem:$0x3FFB];
	_ =	sdelay $0x3  }
0x92: {  	_ =	strace s18  }
0x93: {  	s3 =	sld [smem:$0x3FFC];
	_ =	sdelay $0x3  }
0x94: {  	_ =	strace s3  }
0x95: {  	s3 =	sld [smem:$0x3FFD];
	_ =	sdelay $0x3  }
0x96: {  	_ =	strace s3  }
0x97: {  	_ =	strace $0x8FFFFFFF  }
0x98: {  	s19 =	sld [smem:$0x3FDB];
	_ =	sdelay $0x1  }
0x99: {  	s4 =	simm.s32 $_scs_section_size  }
0x9a: {  	s5 =	simm.s32 $_size__tile_overlayer_lowered;
	s6 =	simm.s32 $_tile_overlayer_lowered  }
0x9b: {  	s22 =	simm.s32 $0x1BFF;
	s21 =	sshll.u32 s6, $0x1;
	s3 =	sadd.s32 s4, s19  }
0x9c: {  	s7 =	simm.s32 $0x0;
	s20 =	sshll.u32 s5, $0x1;
	s5 =	sadd.s32 s21, s3  }
0x9d: {  	[timem:s7], [sflag:s22] =	dma.local [hbm:s5], s20  }
0x9e: {  	_ =	swait.ge [sflag:s22], s20  }
0x9f: {  	s4 =	ssub.s32 $0x0, s20;
	[sflag:s22] =	ssyncset.done $0x0  }
0xa0: {  	[sflag:s22] =	ssyncadd.s32 s4;
	_ =	sdelay $0x1  }
0xa1: {  	s23 =	simm.s32 $0x1B8B  }
0xa2: {  	_ =	swait.ge [sflag:s23], $0x1  }
0xa3: {  	[sflag:s23] =	ssyncset.done $0x0  }
0xa4: {  	s25 =	simm.s32 $0x1B8E;
	s24 =	sld [smem:$0x3FFE];
	[sflag:s23] =	ssyncadd.s32 $0xFFFFFFFF  }
0xa5: {  	s26 =	simm.s32 $execute0_lowered;
	[smem:$0x3FD2] =	sst s25  }
0xa6: {  	s5 =	sshll.u32 s26, $0x1;
	_ =	strace $0x80000049;
	[dreg:$0x1] =	wrdreg $0xFFFFFFFF  }
0xa7: {  	s28 =	simm.s32 $_size_execute0_lowered;
	s3 =	sadd.s32 s3, s5;
	[dreg:$0x0] =	wrdreg $0x0  }
0xa8: {  	s5 =	sshll.u32 s28, $0x1;
	[dreg:$0x2] =	wrdreg s3  }
0xa9: {  	[dreg:$0x3] =	wrdreg s5  }
0xaa: {  	[dreg:$0x4] =	wrdreg $0xC0  }
0xab: {  	_ =	task [dreg:s7], $0x5FFFF  }
0xac: {  	[dreg:$0x1] =	wrdreg $0xFFFFFFFF  }
0xad: {  	[dreg:$0x0] =	wrdreg $0x60  }
0xae: {  	[dreg:$0x2] =	wrdreg s24  }
0xaf: {  	[dreg:$0x3] =	wrdreg s2  }
0xb0: {  	[dreg:$0x4] =	wrdreg $0xA1800  }
0xb1: {  	[dreg:$0x5] =	wrdreg $0x121800  }
0xb2: {  	[dreg:$0x6] =	wrdreg $0x9  }
0xb3: {  	_ =	task.clear_ibuf [dreg:s7], $0x7FFFF;
	_ =	strace $0x90000049  }
0xb4: {  	s29 =	simm.s32 $0x9;
	_ =	strace $0x8000004B  }
0xb5: {  	_ =	swait.ge [sflag:s29], $0x1  }
0xb6: {  	[sflag:s29] =	ssyncadd.s32 $0xFFFFFFFF  }
0xb7: {  	_ =	strace $0x9000004B  }
0xb8: {  	_ =	sfence  }
0xb9: {  	s30 =	sld [smem:$0x0];
	_ =	sdelay $0x2  }
0xba: {  	s31 =	sshll.u32 s1, $0xD;
	s1 =	sshrl.u32 s1, $0x2  }
0xbb: {  	s3 =	sand.u32 $0x4000, s31;
	s1 =	sadd.s32 s1, s30  }
0xbc: {  	s0 =	sor.u32 s3, s0;
	s1 =	sshll.u32 s1, $0x11  }
0xbd: {  	s0 =	sor.u32 s1, s0  }
0xbe: {  	s0 =	sadd.s32 $0x8F2B, s0  }
0xbf: {  	[sflag:s0] =	ssyncadd.remote.s32 $0x1  }
0xc0: {  	_ =	sfence.sel $0xFFFF  }
0xc1: {  	[dreg:$0x0] =	wrdreg $0xFFFFFFFF;
	(pc) =	sbr.abs _section_cstart, $3  }
0xc2: {  	[dreg:$0x1] =	wrdreg $0xFFFFFFFF  }
0xc3: {  	_ =	task.clear_ibuf [dreg:s7], $0x2FFFF;
	_ =	strace $0x9FFFFFFF  }
0xc4: {  	(tm) =	ssettm $0x7FFFFFFF  }
0xc5: {  	_ =	shalt  }
tec
execute0_lowered:
.L_overlay_start_1:
0x0: {  	(tag) =	ssettag $0x1  }
0x1: {  	s6 =	rddreg [dreg:$0x0]  }
0x2: {  	s13 =	rddreg [dreg:$0x1]  }
0x3: {  	s1 =	rddreg [dreg:$0x2]  }
0x4: {  	s2 =	rddreg [dreg:$0x3];
	s4 =	srdreg.scid  }
0x5: {  	s0 =	rddreg [dreg:$0x4];
	s3 =	stileid.u32  }
0x6: {  	s17 =	simm.s32 $0xA080;
	s18 =	simm.s32 $0x1000;
	s19 =	simm.s32 $0x80  }
0x7: {  	s20 =	simm.s32 $0x6000;
	s21 =	simm.s32 $0x1;
	s22 =	simm.s32 $0xA000  }
0x8: {  	s23 =	simm.s32 $0x2;
	s24 =	simm.s32 $0x1C00;
	s11 =	sand.u32 $0x1, s4  }
0x9: {  	s4 =	simm.s32 $0x0;
	s5 =	sshll.u32 s3, $0xD;
	s9 =	sshll.u32 s3, $0x8  }
0xa: {  	s12 =	sshll.u32 s3, $0xF;
	p0 =	sne.s32 s3, $0x0;
	s7 =	sshll.u32 s11, $0xC  }
0xb: {  	[smem:$0x7FF] =	sst s4;
	s30 =	ssub.s32 $0x2, s11;
	s16 =	sshll.u32 s11, $0x4  }
0xc: {  	s5 =	sor.u32 s7, s5;
	_ =	strace $0x8000004A;
	s7 =	sor.u32 s9, s7  }
0xd: {  	s31 =	sshrl.u32 s30, $0x1;
	s13 =	sadd.s32 s13, s16;
	s16 =	simm.s32 $0x3  }
0xe: {  	s8 =	sshrl.u32 s5, $0x3;
	s5 =	sadd.s32 $0x1800, s6;
	s7 =	sshll.u32 s7, $0x4  }
0xf: {  	s10 =	sadd.s32 s8, s6;
	s14 =	sadd.s32 s7, s6;
	s6 =	sadd.s32 s12, s1  }
0x10: {  	s15 =	ssub.s32 s30, s31;
	s8 =	sadd.s32 s9, s2;
	s7 =	sadd.s32 $0x4000, s6  }
0x11: {  	s9 =	sadd.s32 $0x4D400, s10;
	s10 =	sadd.s32 $0x51400, s10;
	s11 =	sadd.s32 $0x55400, s14  }
0x12: {  	v0 =	vimm.f32 $0.0e+00;
	v1 =	vimm.f32 $1.000000000e+00;
	s12 =	sadd.s32 $0x55C00, s14;
	s14 =	smax.u32 s15, $0x1;
	s15 =	simm.s32 $0x2000  }
.LBB2_1:
0x13: {  	s25 =	simm.s32 $0x0;
	s26 =	simm.s32 $0x200  }
.LBB2_2:
0x14: {  	p1 =	sne.s32 s26, $0xFE00;
	[tilespmem:s25+$0x2070] =	vst v0  }
0x15: {  	[tilespmem:s25+$0x2000] =	vst v0  }
0x16: {  	[tilespmem:s25+$0x2010] =	vst v0  }
.Ltmp0:
0x17: {  	[tilespmem:s25+$0x2020] =	vst v0;
	(pc) =	sbr.rel @p1 .LBB2_2-.Ltmp0, $4  }
0x18: {  	[tilespmem:s25+$0x2030] =	vst v0  }
0x19: {  	[tilespmem:s25+$0x2040] =	vst v0  }
0x1a: {  	[tilespmem:s25+$0x2050] =	vst v0  }
0x1b: {  	[tilespmem:s25+$0x2060] =	vst v0;
	s25 =	sshra.s32 s26, $0x2;
	s26 =	sadd.s32 $0x200, s26  }
0x1c: {  	[tilespmem:s25+$0x2070] =	vst v0  }
0x1d: {  	[tilespmem:s25+$0x2000] =	vst v0  }
0x1e: {  	[tilespmem:s25+$0x2010] =	vst v0  }
0x1f: {  	[tilespmem:s25+$0x2020] =	vst v0  }
0x20: {  	[tilespmem:s25+$0x2030] =	vst v0  }
0x21: {  	[tilespmem:s25+$0x2040] =	vst v0  }
0x22: {  	[tilespmem:s25+$0x2050] =	vst v0  }
0x23: {  	[tilespmem:s25+$0x2060] =	vst v0  }
0x24: {  	[tilespmem:$0xA000] =	vst v1  }
0x25: {  	[tilespmem:$0xA010] =	vst v1  }
0x26: {  	[tilespmem:$0xA020] =	vst v1  }
0x27: {  	[tilespmem:$0xA030] =	vst v1  }
0x28: {  	[tilespmem:$0xA040] =	vst v1  }
0x29: {  	[tilespmem:$0xA050] =	vst v1  }
0x2a: {  	[tilespmem:$0xA060] =	vst v1  }
0x2b: {  	[tilespmem:$0xA070] =	vst v1  }
0x2c: {  	[tilespmem:$0xA080] =	vst v0  }
0x2d: {  	[tilespmem:$0xA090] =	vst v0  }
0x2e: {  	[tilespmem:$0xA0A0] =	vst v0  }
0x2f: {  	[tilespmem:$0xA0B0] =	vst v0  }
0x30: {  	[tilespmem:$0xA0C0] =	vst v0  }
0x31: {  	[tilespmem:$0xA0D0] =	vst v0  }
0x32: {  	[tilespmem:$0xA0E0] =	vst v0  }
0x33: {  	[tilespmem:$0xA0F0] =	vst v0  }
0x34: {  	[tilespmem:$0xA100] =	vst v0  }
0x35: {  	[tilespmem:$0xA110] =	vst v0  }
0x36: {  	[tilespmem:$0xA120] =	vst v0  }
0x37: {  	[tilespmem:$0xA130] =	vst v0  }
0x38: {  	[tilespmem:$0xA140] =	vst v0  }
0x39: {  	[tilespmem:$0xA150] =	vst v0  }
0x3a: {  	[tilespmem:$0xA160] =	vst v0  }
0x3b: {  	[tilespmem:$0xA170] =	vst v0  }
0x3c: {  	[spmem:s6] =	stream.linear.scatter [tilespmem:s15], [sflag:$0x3], $0x4000, $0x38;
	[tilespmem:$0x12280] =	vst v63  }
0x3d: {  	_ =	swait.ge [sflag:s16], $0x4000  }
0x3e: {  	[sflag:s16] =	ssyncset.done $0x0  }
0x3f: {  	[sflag:s16] =	ssyncadd.s32 $0xFFFFC000  }
0x40: {  	[spmem:s7] =	stream.linear.scatter [tilespmem:s15], [sflag:$0x3], $0x4000, $0x38;
	[tilespmem:$0x12280] =	vst v63  }
0x41: {  	_ =	swait.ge [sflag:s16], $0x4000  }
0x42: {  	[sflag:s16] =	ssyncset.done $0x0  }
0x43: {  	[sflag:s16] =	ssyncadd.s32 $0xFFFFC000  }
0x44: {  	[spmem:s8] =	stream.linear.scatter [tilespmem:s17], [sflag:$0x3], $0x100, $0x38;
	[tilespmem:$0x12280] =	vst v63  }
0x45: {  	_ =	swait.ge [sflag:s16], $0x100  }
0x46: {  	[sflag:s16] =	ssyncset.done $0x0  }
0x47: {  	[sflag:s16] =	ssyncadd.s32 $0xFFFFFF00  }
0x48: {  	s26 =	simm.s32 $0x0;
	[bflag:$0x0] =	sbarrier.arrive $0xFFFF  }
0x49: {  	[tilespmem:s26], [sflag:$0x3] =	stream.linear.gather [hbm4b:s9+s26], $0xC80, $0x38;
	[tilespmem:$0x12280] =	vst v63  }
0x4a: {  	_ =	swait.ge [sflag:s16], $0xC80  }
0x4b: {  	[sflag:s16] =	ssyncset.done $0x0  }
0x4c: {  	[sflag:s16] =	ssyncadd.s32 $0xFFFFF380  }
0x4d: {  	[tilespmem:s18], [sflag:$0x3] =	stream.linear.gather [hbm4b:s10+s26], $0xC80, $0x38;
	[tilespmem:$0x12280] =	vst v63  }
0x4e: {  	_ =	swait.ge [sflag:s16], $0xC80  }
0x4f: {  	[sflag:s16] =	ssyncset.done $0x0  }
0x50: {  	[sflag:s16] =	ssyncadd.s32 $0xFFFFF380  }
0x51: {  	[tilespmem:s15], [sflag:$0x1] =	stream.indirect.gather [hbm4b:s5+s19], $0x80, s26, s19, $0xb8;
	[tilespmem:$0x12280] =	vst v63  }
0x52: {  	s28 =	simm.s32 $0x80  }
0x53: {  	[tilespmem:s20], [sflag:$0x2] =	stream.indirect.gather [hbm4b:s5+s19], $0x80, s28, s19, $0xb8;
	[tilespmem:$0x12280] =	vst v63  }
0x54: {  	_ =	swait.ge [sflag:s21], $0x4000  }
0x55: {  	[sflag:s21] =	ssyncset.done $0x0  }
0x56: {  	s29 =	simm.s32 $0x1000;
	[sflag:s21] =	ssyncadd.s32 $0xFFFFC000  }
0x57: {  	[spmem:s1] =	stream.indirect.scatter.add.f32 [tilespmem:s15], [sflag:$0x3], $0x80, s29, s19, $0xb8;
	[tilespmem:$0x12280] =	vst v63  }
0x58: {  	_ =	swait.ge [sflag:s16], $0x4000  }
0x59: {  	[sflag:s16] =	ssyncset.done $0x0  }
0x5a: {  	[sflag:s16] =	ssyncadd.s32 $0xFFFFC000  }
0x5b: {  	[spmem:s2] =	stream.indirect.scatter.add.f32 [tilespmem:s22], [sflag:$0x3], $0x1, s29, s19, $0xb8;
	[tilespmem:$0x12280] =	vst v63  }
0x5c: {  	_ =	swait.ge [sflag:s16], $0x80  }
0x5d: {  	[sflag:s16] =	ssyncset.done $0x0  }
0x5e: {  	s30 =	simm.s32 $0x100;
	[sflag:s16] =	ssyncadd.s32 $0xFFFFFF80  }
0x5f: {  	[tilespmem:s15], [sflag:$0x1] =	stream.indirect.gather [hbm4b:s5+s19], $0x80, s30, s19, $0xb8;
	[tilespmem:$0x12280] =	vst v63  }
0x60: {  	_ =	swait.ge [sflag:s23], $0x4000  }
0x61: {  	[sflag:s23] =	ssyncset.done $0x0  }
0x62: {  	s31 =	simm.s32 $0x1080;
	[sflag:s23] =	ssyncadd.s32 $0xFFFFC000  }
0x63: {  	[spmem:s1] =	stream.indirect.scatter.add.f32 [tilespmem:s20], [sflag:$0x3], $0x80, s31, s19, $0xb8;
	[tilespmem:$0x12280] =	vst v63  }
0x64: {  	_ =	swait.ge [sflag:s16], $0x4000  }
0x65: {  	[sflag:s16] =	ssyncset.done $0x0  }
0x66: {  	[sflag:s16] =	ssyncadd.s32 $0xFFFFC000  }
0x67: {  	[spmem:s2] =	stream.indirect.scatter.add.f32 [tilespmem:s22], [sflag:$0x3], $0x1, s31, s19, $0xb8;
	[tilespmem:$0x12280] =	vst v63  }
0x68: {  	_ =	swait.ge [sflag:s16], $0x80  }
0x69: {  	s25 =	simm.s32 $0x100;
	s26 =	simm.s32 $0x800;
	[sflag:s16] =	ssyncset.done $0x0  }
.LBB2_4:
0x6a: {  	s28 =	sadd.s32 $0x80, s25  }
0x6b: {  	[sflag:s16] =	ssyncadd.s32 $0xFFFFFF80;
	s29 =	smov.u32 s26;
	s30 =	sadd.s32 $0x400, s26  }
0x6c: {  	[tilespmem:s20], [sflag:$0x2] =	stream.indirect.gather [hbm4b:s5+s19], $0x80, s28, s19, $0xb8;
	[tilespmem:$0x12280] =	vst v63  }
0x6d: {  	p1 =	sne.s32 s26, $0x2C00;
	_ =	swait.ge [sflag:s21], $0x4000  }
0x6e: {  	[sflag:s21] =	ssyncset.done $0x0  }
0x6f: {  	s26 =	sadd.s32 $0x1000, s25;
	[sflag:s21] =	ssyncadd.s32 $0xFFFFC000  }
0x70: {  	[spmem:s1] =	stream.indirect.scatter.add.f32 [tilespmem:s15], [sflag:$0x3], $0x80, s26, s19, $0xb8;
	[tilespmem:$0x12280] =	vst v63  }
0x71: {  	_ =	swait.ge [sflag:s16], $0x4000  }
0x72: {  	[sflag:s16] =	ssyncset.done $0x0  }
0x73: {  	[sflag:s16] =	ssyncadd.s32 $0xFFFFC000  }
0x74: {  	[spmem:s2] =	stream.indirect.scatter.add.f32 [tilespmem:s22], [sflag:$0x3], $0x1, s26, s19, $0xb8;
	[tilespmem:$0x12280] =	vst v63  }
0x75: {  	_ =	swait.ge [sflag:s16], $0x80  }
0x76: {  	[sflag:s16] =	ssyncset.done $0x0  }
0x77: {  	s26 =	sadd.s32 $0x100, s25;
	[sflag:s16] =	ssyncadd.s32 $0xFFFFFF80  }
0x78: {  	[tilespmem:s15], [sflag:$0x1] =	stream.indirect.gather [hbm4b:s5+s19], $0x80, s26, s19, $0xb8;
	[tilespmem:$0x12280] =	vst v63  }
0x79: {  	_ =	swait.ge [sflag:s23], $0x4000  }
0x7a: {  	[sflag:s23] =	ssyncset.done $0x0  }
0x7b: {  	s25 =	sadd.s32 $0x1080, s25;
	[sflag:s23] =	ssyncadd.s32 $0xFFFFC000  }
0x7c: {  	[spmem:s1] =	stream.indirect.scatter.add.f32 [tilespmem:s20], [sflag:$0x3], $0x80, s25, s19, $0xb8;
	[tilespmem:$0x12280] =	vst v63  }
0x7d: {  	_ =	swait.ge [sflag:s16], $0x4000  }
.Ltmp1:
0x7e: {  	[sflag:s16] =	ssyncset.done $0x0;
	(pc) =	sbr.rel @p1 .LBB2_4-.Ltmp1, $4  }
0x7f: {  	[sflag:s16] =	ssyncadd.s32 $0xFFFFC000  }
0x80: {  	[spmem:s2] =	stream.indirect.scatter.add.f32 [tilespmem:s22], [sflag:$0x3], $0x1, s25, s19, $0xb8;
	[tilespmem:$0x12280] =	vst v63  }
0x81: {  	_ =	swait.ge [sflag:s16], $0x80  }
0x82: {  	s26 =	smov.u32 s30;
	s25 =	sshra.s32 s29, $0x2;
	[sflag:s16] =	ssyncset.done $0x0  }
0x83: {  	s26 =	sadd.s32 $0x80, s25;
	[sflag:s16] =	ssyncadd.s32 $0xFFFFFF80  }
0x84: {  	[tilespmem:s20], [sflag:$0x2] =	stream.indirect.gather [hbm4b:s5+s19], $0x80, s26, s19, $0xb8;
	[tilespmem:$0x12280] =	vst v63  }
0x85: {  	_ =	swait.ge [sflag:s21], $0x4000  }
0x86: {  	[sflag:s21] =	ssyncset.done $0x0  }
0x87: {  	s30 =	sadd.s32 $0x1000, s25;
	[sflag:s21] =	ssyncadd.s32 $0xFFFFC000  }
0x88: {  	[spmem:s1] =	stream.indirect.scatter.add.f32 [tilespmem:s15], [sflag:$0x3], $0x80, s30, s19, $0xb8;
	[tilespmem:$0x12280] =	vst v63  }
0x89: {  	_ =	swait.ge [sflag:s16], $0x4000  }
0x8a: {  	[sflag:s16] =	ssyncset.done $0x0  }
0x8b: {  	[sflag:s16] =	ssyncadd.s32 $0xFFFFC000  }
0x8c: {  	[spmem:s2] =	stream.indirect.scatter.add.f32 [tilespmem:s22], [sflag:$0x3], $0x1, s30, s19, $0xb8;
	[tilespmem:$0x12280] =	vst v63  }
0x8d: {  	_ =	swait.ge [sflag:s16], $0x80  }
0x8e: {  	[sflag:s16] =	ssyncset.done $0x0  }
0x8f: {  	s31 =	sadd.s32 $0x100, s25;
	[sflag:s16] =	ssyncadd.s32 $0xFFFFFF80  }
0x90: {  	[tilespmem:s15], [sflag:$0x1] =	stream.indirect.gather [hbm4b:s5+s19], $0x80, s31, s19, $0xb8;
	[tilespmem:$0x12280] =	vst v63  }
0x91: {  	_ =	swait.ge [sflag:s23], $0x4000  }
0x92: {  	[sflag:s23] =	ssyncset.done $0x0  }
0x93: {  	s28 =	sadd.s32 $0x1080, s25;
	[sflag:s23] =	ssyncadd.s32 $0xFFFFC000  }
0x94: {  	[spmem:s1] =	stream.indirect.scatter.add.f32 [tilespmem:s20], [sflag:$0x3], $0x80, s28, s19, $0xb8;
	[tilespmem:$0x12280] =	vst v63  }
0x95: {  	_ =	swait.ge [sflag:s16], $0x4000  }
0x96: {  	[sflag:s16] =	ssyncset.done $0x0  }
0x97: {  	[sflag:s16] =	ssyncadd.s32 $0xFFFFC000  }
0x98: {  	[spmem:s2] =	stream.indirect.scatter.add.f32 [tilespmem:s22], [sflag:$0x3], $0x1, s28, s19, $0xb8;
	[tilespmem:$0x12280] =	vst v63  }
0x99: {  	_ =	swait.ge [sflag:s16], $0x80  }
0x9a: {  	[sflag:s16] =	ssyncset.done $0x0  }
0x9b: {  	[sflag:s16] =	ssyncadd.s32 $0xFFFFFF80  }
0x9c: {  	_ =	swait.ge [sflag:s21], $0x4000  }
0x9d: {  	[sflag:s21] =	ssyncset.done $0x0  }
0x9e: {  	[sflag:s21] =	ssyncadd.s32 $0xFFFFC000  }
0x9f: {  	[spmem:s1] =	stream.indirect.scatter.add.f32 [tilespmem:s15], [sflag:$0x3], $0x80, s24, s19, $0xb8;
	[tilespmem:$0x12280] =	vst v63  }
0xa0: {  	_ =	swait.ge [sflag:s16], $0x4000  }
0xa1: {  	[sflag:s16] =	ssyncset.done $0x0  }
0xa2: {  	[sflag:s16] =	ssyncadd.s32 $0xFFFFC000  }
0xa3: {  	[spmem:s2] =	stream.indirect.scatter.add.f32 [tilespmem:s22], [sflag:$0x3], $0x1, s24, s19, $0xb8;
	[tilespmem:$0x12280] =	vst v63  }
0xa4: {  	_ =	swait.ge [sflag:s16], $0x80  }
0xa5: {  	[sflag:s16] =	ssyncset.done $0x0  }
0xa6: {  	s29 =	sshll.u32 s3, $0x6;
	[sflag:s16] =	ssyncadd.s32 $0xFFFFFF80  }
0xa7: {  	s25 =	sor.u32 $0x1C03, s29;
	s30 =	sshrl.u32 s6, $0x3;
	[bflag:$0x0] =	sbarrier.arrive $0xFFFF  }
0xa8: {  	[hbm:s11], [sflag:s25] =	dma.local [spmem:s30], $0x800  }
0xa9: {  	_ =	swait.ge [sflag:s16], $0x800  }
0xaa: {  	[sflag:s16] =	ssyncset.done $0x0  }
0xab: {  	s31 =	sshrl.u32 s7, $0x3;
	[sflag:s16] =	ssyncadd.s32 $0xFFFFF800  }
0xac: {  	[hbm:s12], [sflag:s25] =	dma.local [spmem:s31], $0x800  }
0xad: {  	s4 =	sadd.s32 $0x1, s4;
	s26 =	sshrl.u32 @!p0 s2, $0x3;
	_ =	swait.ge [sflag:s16], $0x800  }
0xae: {  	s29 =	simm.s32 @!p0 $0x20;
	p1 =	sne.s32 s4, s14;
	[sflag:s16] =	ssyncset.done $0x0  }
0xaf: {  	s28 =	simm.s32 @!p0 $0x1;
	s30 =	simm.s32 @!p0 $0x10;
	[sflag:s16] =	ssyncadd.s32 $0xFFFFF800  }
0xb0: {  	[hbm:s13@s29], [sflag:s25] =	dma.strided @!p0 [spmem:s26@s30], $0x200, s28, $0x10   }
.Ltmp2:
0xb1: {  	_ = 	snop;
	(pc) =	sbr.rel @p1 .LBB2_1-.Ltmp2, $4  }
0xb2: {  	s25 =	simm.s32 @!p0 $0x3  }
0xb3: {  	_ =	swait.ge @!p0 [sflag:s25], $0x200  }
0xb4: {  	[sflag:s25] =	ssyncset.done @!p0 $0x0  }
0xb5: {  	[sflag:s25] =	ssyncadd.s32 @!p0 $0xFFFFFE00  }
0xb6: {  	_ =	sfence.sel $0x180000  }
0xb7: {  	[bflag:$0x0] =	sbarrier.arrive $0xFFFF  }
0xb8: {  	_ =	strace $0x9000004A  }
0xb9: {  	s0 =	sadd.s32 @!p0 $0x100000, s0;
	[bflag:$0x2] =	sbarrier.arrive $0xFFFF  }
0xba: {  	[sflag:s0] =	ssyncadd.tile.s32 @!p0 $0x1;
	_ =	shalt  }
.Lfunc_end2:
_tile_overlayer_lowered:
.L_overlay_start_2:
0xbb: {  	(tag) =	ssettag $0x2  }
0xbc: {  	s0 =	rddreg [dreg:$0x0];
	s2 =	stileid.u32  }
0xbd: {  	s1 =	rddreg [dreg:$0x1];
	p0 =	sne.s32 s2, $0x0  }
0xbe: {  	s3 =	rddreg [dreg:$0x2];
	[bflag:$0x3] =	sbarrier.arrive $0xFFFF;
	s2 =	simm.s32 @!p0 $0x1C03  }
0xbf: {  	[timem:s3], [sflag:s2] =	dma.local @!p0 [hbm:s0], s1  }
0xc0: {  	s0 =	simm.s32 @!p0 $0x3  }
0xc1: {  	_ =	swait.ge @!p0 [sflag:s0], s1  }
0xc2: {  	s1 =	ssub.s32 @!p0 $0x0, s1;
	[sflag:s0] =	ssyncset.done @!p0 $0x0  }
0xc3: {  	[sflag:s0] =	ssyncadd.s32 @!p0 s1  }
0xc4: {  	[bflag:$0x3] =	sbarrier.arrive $0xFFFF  }
0xc5: {  	_ =	shalt  }

</sc_bundles>
